<compile_context>
chip_gen: v7x
topology: tpu7x:2x2x1
jax: 0.10.2.dev20260603
libtpu: 0.0.44.dev20260713+nightly
codegen_flags: <defaults>
</compile_context>

<pallas_src>
import functools

import jax
import numpy as np
import jax.numpy as jnp
from jax import lax
from jax.experimental import pallas as pl
from jax.experimental.pallas import tpu as pltpu
from jax.experimental.pallas import tpu_sc as plsc

USER_SIZE = 100000
ITEM_SIZE = 100000
EMBED = 64
EPAD = 128
B = 4096
A = 0.2

_INFO = plsc.get_sparse_core_info()
NC = _INFO.num_cores
NS = _INFO.num_subcores
NW = NC * NS
BH = B // 2
CHUNK = BH // NW

_TCOLS = 25088
_TSTEPS = -(-USER_SIZE // _TCOLS)

_DN = (((0,), (0,)), ((), ()))

_E1 = np.eye(EMBED, EPAD, dtype=np.float32)
_E2 = np.eye(EMBED, EPAD, k=EMBED, dtype=np.float32)
_OMAT = (np.arange(5 * EMBED)[:, None] // EMBED
         == np.arange(EPAD)[None, :] // 8).astype(np.float32)
_QMAT = (np.arange(40)[:, None] // 8
         == np.arange(5 * EMBED)[None, :] // EMBED).astype(np.float32) / 8.0


def _repack_kernel(wu_ref, wi_ref, e1_ref, e2_ref, brow_ref, out_ref):
    t = lax.dot_general(wu_ref[...], e1_ref[...], _DN,
                        preferred_element_type=jnp.float32)
    t = t + lax.dot_general(wi_ref[...], e2_ref[...], _DN,
                            preferred_element_type=jnp.float32)
    out_ref[...] = jnp.maximum(t + brow_ref[...], 0.0)


_repack = pl.pallas_call(
    _repack_kernel,
    grid=(_TSTEPS,),
    compiler_params=pltpu.CompilerParams(vmem_limit_bytes=112 * 1024 * 1024),
    in_specs=[
        pl.BlockSpec((EMBED, _TCOLS), lambda w: (0, w)),
        pl.BlockSpec((EMBED, _TCOLS), lambda w: (0, w)),
        pl.BlockSpec((EMBED, EPAD), lambda w: (0, 0)),
        pl.BlockSpec((EMBED, EPAD), lambda w: (0, 0)),
        pl.BlockSpec((1, EPAD), lambda w: (0, 0)),
    ],
    out_specs=pl.BlockSpec((_TCOLS, EPAD), lambda w: (w, 0)),
    out_shape=jax.ShapeDtypeStruct((USER_SIZE, EPAD), jnp.float32),
)


def _build_gather(half):
    mesh = plsc.VectorSubcoreMesh(core_axis_name="c", subcore_axis_name="s")

    @functools.partial(
        pl.kernel,
        mesh=mesh,
        compiler_params=pltpu.CompilerParams(use_tc_tiling_on_sc=True),
        out_type=jax.ShapeDtypeStruct((7, BH, EPAD), jnp.float32),
        scratch_types=[
            pltpu.VMEM((7, CHUNK), jnp.int32),
        ] + [pltpu.VMEM((CHUNK, EPAD), jnp.float32) for _ in range(7)] + [
            pltpu.SemaphoreType.DMA,
            pltpu.SemaphoreType.DMA,
            pltpu.SemaphoreType.DMA,
        ],
    )
    def gather_kernel(tbl_hbm, u_hbm, i_hbm, p1_hbm, p2_hbm, p3_hbm,
                      p4_hbm, p5_hbm, out_hbm, idx_all, v0, v1, v2, v3, v4,
                      v5, v6, isem, gsem, wsem):
        wid = lax.axis_index("s") * NC + lax.axis_index("c")
        base = wid * CHUNK
        gbase = half * BH + wid * CHUNK
        idx_hbms = [u_hbm, i_hbm, p1_hbm, p2_hbm, p3_hbm, p4_hbm, p5_hbm]
        hs = [pltpu.async_copy(ih.at[pl.ds(gbase, CHUNK)], idx_all.at[v], isem)
              for v, ih in enumerate(idx_hbms)]
        for h in hs:
            h.wait()
        vals = [v0, v1, v2, v3, v4, v5, v6]
        g = [pltpu.async_copy(tbl_hbm.at[idx_all.at[v]], vals[v], gsem)
             for v in range(7)]
        w = [None] * 7
        for v in range(7):
            g[v].wait()
            w[v] = pltpu.async_copy(vals[v],
                                    out_hbm.at[v].at[pl.ds(base, CHUNK)], wsem)
        for v in range(7):
            w[v].wait()

    return gather_kernel


_gather0 = _build_gather(0)
_gather1 = _build_gather(1)


_DW = (((1,), (1,)), ((), ()))


def _dense_kernel(g_ref, o_ref, q_ref, w1_ref, b1_ref, w2_ref, b2_ref,
                  w3_ref, b3_ref, out_ref):
    eu = g_ref[0][:, :EMBED]
    ei = g_ref[1][:, EMBED:]
    es = [g_ref[k][:, EMBED:] for k in range(2, 7)]
    p = jnp.concatenate([ei * e for e in es], axis=1)
    r = jnp.dot(p, o_ref[...], preferred_element_type=jnp.float32)
    x = jnp.exp(r)
    s = (x[:, 0:8] + x[:, 8:16] + x[:, 16:24] + x[:, 24:32]
         + x[:, 32:40])
    z8 = x[:, :40] / jnp.tile(s, (1, 5))
    zf = jnp.dot(z8, q_ref[...], preferred_element_type=jnp.float32)
    pum = sum(zf[:, 64 * k:64 * (k + 1)] * e
              for k, e in enumerate(es))
    pu = eu + A * pum
    x1 = jnp.concatenate([pu, ei], axis=1)
    h = jnp.maximum(
        jnp.dot(x1, w1_ref[...], preferred_element_type=jnp.float32)
        + b1_ref[...], 0.0)
    h = jnp.maximum(
        jnp.dot(h, w2_ref[...], preferred_element_type=jnp.float32)
        + b2_ref[...], 0.0)
    o = (jnp.dot(h, w3_ref[...], preferred_element_type=jnp.float32)
         + b3_ref[...])
    out_ref[...] = 1.0 / (1.0 + jnp.exp(-o))


_dense = pl.pallas_call(
    _dense_kernel,
    out_shape=jax.ShapeDtypeStruct((BH, 1), jnp.float32),
)


def kernel(Wu, bu, Wi, bi, W1, b1, W2, b2, W3, b3,
           user, item, pre1, pre2, pre3, pre4, pre5):
    i32 = jnp.int32
    packed = _repack(Wu, Wi, _E1, _E2,
                     jnp.concatenate([bu, bi]).reshape(1, EPAD))
    idx = [a.astype(i32) for a in (user, item, pre1, pre2, pre3, pre4, pre5)]
    preds = []
    for gather_h in (_gather0, _gather1):
        gath = gather_h(packed, *idx)
        preds.append(_dense(gath, _OMAT, _QMAT, W1.T,
                            b1.reshape(1, 2 * EMBED), W2.T,
                            b2.reshape(1, EMBED), W3.T, b3.reshape(1, 1)))
    return jnp.concatenate(preds).reshape(-1)

# --- scband reference (transcript-rebuilt; emitter-appended) ---
"""Pipeline reference for scband-ncf-78752520339772 (READ-ONLY COPY).

The authoritative reference and input builder live on the scoring server;
editing this copy changes nothing except your own understanding.
"""

import jax, jax.numpy as jnp
import numpy as np

USER_SIZE = 100000
ITEM_SIZE = 100000
EMBED = 64
B = 4096
A = 0.2


def setup_inputs(seed: int = 0) -> dict:
    key = jax.random.key(seed)
    ks = jax.random.split(key, 16)
    user = jax.random.randint(ks[0], (B,), 0, USER_SIZE)
    item = jax.random.randint(ks[1], (B,), 0, ITEM_SIZE)
    pre1 = jax.random.randint(ks[2], (B,), 0, ITEM_SIZE)
    pre2 = jax.random.randint(ks[3], (B,), 0, ITEM_SIZE)
    pre3 = jax.random.randint(ks[4], (B,), 0, ITEM_SIZE)
    pre4 = jax.random.randint(ks[5], (B,), 0, ITEM_SIZE)
    pre5 = jax.random.randint(ks[6], (B,), 0, ITEM_SIZE)
    Wu = jax.random.normal(ks[7], (EMBED, USER_SIZE), dtype=jnp.float32) * 0.02
    bu = jnp.zeros((EMBED,), dtype=jnp.float32)
    Wi = jax.random.normal(ks[8], (EMBED, ITEM_SIZE), dtype=jnp.float32) * 0.02
    bi = jnp.zeros((EMBED,), dtype=jnp.float32)
    W1 = jax.random.normal(ks[9], (2 * EMBED, 2 * EMBED), dtype=jnp.float32) * 0.05
    b1 = jnp.zeros((2 * EMBED,), dtype=jnp.float32)
    W2 = jax.random.normal(ks[10], (EMBED, 2 * EMBED), dtype=jnp.float32) * 0.05
    b2 = jnp.zeros((EMBED,), dtype=jnp.float32)
    W3 = jax.random.normal(ks[11], (1, EMBED), dtype=jnp.float32) * 0.05
    b3 = jnp.zeros((1,), dtype=jnp.float32)
    return {"Wu": Wu, "bu": bu, "Wi": Wi, "bi": bi, "W1": W1, "b1": b1,
            "W2": W2, "b2": b2, "W3": W3, "b3": b3,
            "user": user, "item": item, "pre1": pre1, "pre2": pre2,
            "pre3": pre3, "pre4": pre4, "pre5": pre5}


def reference(Wu, bu, Wi, bi, W1, b1, W2, b2, W3, b3,
              user, item, pre1, pre2, pre3, pre4, pre5):
    # one_hot(idx, size) @ W.T + b  ==  W[:, idx].T + b  (gather on columns)
    def embed(W, b, idx):
        return jax.nn.relu(jnp.take(W, idx, axis=1).T + b)

    embed_user = embed(Wu, bu, user)
    embed_item = embed(Wi, bi, item)
    e1 = embed(Wi, bi, pre1)
    e2 = embed(Wi, bi, pre2)
    e3 = embed(Wi, bi, pre3)
    e4 = embed(Wi, bi, pre4)
    e5 = embed(Wi, bi, pre5)
    wi1 = jnp.sum(embed_item * e1, axis=1)
    wi2 = jnp.sum(embed_item * e2, axis=1)
    wi3 = jnp.sum(embed_item * e3, axis=1)
    wi4 = jnp.sum(embed_item * e4, axis=1)
    wi5 = jnp.sum(embed_item * e5, axis=1)
    x1, x2, x3, x4, x5 = (jnp.exp(wi1), jnp.exp(wi2), jnp.exp(wi3),
                          jnp.exp(wi4), jnp.exp(wi5))
    summ = x1 + x2 + x3 + x4 + x5
    z1 = (x1 / summ)[:, None]
    z2 = (x2 / summ)[:, None]
    z3 = (x3 / summ)[:, None]
    z4 = (x4 / summ)[:, None]
    z5 = (x5 / summ)[:, None]
    pum = z1 * e1 + z2 * e2 + z3 * e3 + z4 * e4 + z5 * e5
    pu = embed_user + A * pum
    interaction = jnp.concatenate([pu, embed_item], axis=-1)
    h = jax.nn.relu(interaction @ W1.T + b1)
    h = jax.nn.relu(h @ W2.T + b2)
    out = h @ W3.T + b3
    prediction = jax.nn.sigmoid(out)
    return prediction.reshape(-1)

if __name__ == "__main__":
    import jax
    _d = setup_inputs()
    print(jax.jit(kernel)(*tuple(_d.values())))

</pallas_src>

<mosaic_0001>
#map = affine_map<(d0, d1) -> (0, 0)>
#map1 = affine_map<(d0, d1) -> (0)>
#map2 = affine_map<(d0, d1) -> (0, 0, 0)>
module attributes {stable_mosaic.version = 14 : i64} {
  func.func @gather_kernel(%arg0: i32, %arg1: i32, %arg2: memref<100000x128xf32, #tpu.memory_space<hbm>>, %arg3: memref<4096xi32, #tpu.memory_space<hbm>>, %arg4: memref<4096xi32, #tpu.memory_space<hbm>>, %arg5: memref<4096xi32, #tpu.memory_space<hbm>>, %arg6: memref<4096xi32, #tpu.memory_space<hbm>>, %arg7: memref<4096xi32, #tpu.memory_space<hbm>>, %arg8: memref<4096xi32, #tpu.memory_space<hbm>>, %arg9: memref<4096xi32, #tpu.memory_space<hbm>>, %arg10: memref<7x2048x128xf32, #tpu.memory_space<hbm>>, %arg11: memref<7x64xi32, #tpu.memory_space<vmem>>, %arg12: memref<64x128xf32, #tpu.memory_space<vmem>>, %arg13: memref<64x128xf32, #tpu.memory_space<vmem>>, %arg14: memref<64x128xf32, #tpu.memory_space<vmem>>, %arg15: memref<64x128xf32, #tpu.memory_space<vmem>>, %arg16: memref<64x128xf32, #tpu.memory_space<vmem>>, %arg17: memref<64x128xf32, #tpu.memory_space<vmem>>, %arg18: memref<64x128xf32, #tpu.memory_space<vmem>>, %arg19: memref<!tpu.dma_semaphore, #tpu.memory_space<semaphore_mem>>, %arg20: memref<!tpu.dma_semaphore, #tpu.memory_space<semaphore_mem>>, %arg21: memref<!tpu.dma_semaphore, #tpu.memory_space<semaphore_mem>>) attributes {dimension_semantics = [#tpu.dimension_semantics<core_parallel>, #tpu.dimension_semantics<subcore_parallel>], iteration_bounds = array<i64: 2, 16>, scalar_prefetch = 0 : i64, scratch_operands = 11 : i64, tpu.core_type = #tpu.core_type<sc_vector_subcore>, window_params = [{transform_indices = #map}, {transform_indices = #map1}, {transform_indices = #map1}, {transform_indices = #map1}, {transform_indices = #map1}, {transform_indices = #map1}, {transform_indices = #map1}, {transform_indices = #map1}, {transform_indices = #map2}]} {
    %mul3A = arith.constant 2 : i32
    %mul3A_0 = arith.muli %arg1, %mul3A : i32
    %add3A = arith.addi %mul3A_0, %arg0 : i32
    %mul3A_1 = arith.constant 64 : i32
    %mul3A_2 = arith.muli %add3A, %mul3A_1 : i32
    %mul3A_3 = arith.constant 64 : i32
    %mul3A_4 = arith.muli %add3A, %mul3A_3 : i32
    %add3A_5 = arith.constant 0 : i32
    %add3A_6 = arith.addi %add3A_5, %mul3A_4 : i32
    %dma_start3A = arith.constant 0 : i32
    %dma_start3A_7 = arith.constant 0 : i32
    %dma_start3A_8 = tpu.memref_slice %arg11[%dma_start3A, %dma_start3A_7] : memref<7x64xi32, #tpu.memory_space<vmem>> -> memref<1x64xi32, #tpu.memory_space<vmem>>
    %dma_start3A_9 = tpu.memref_squeeze %dma_start3A_8 : memref<1x64xi32, #tpu.memory_space<vmem>> -> memref<64xi32, #tpu.memory_space<vmem>>
    %dma_start3A_10 = tpu.memref_slice %arg3[%add3A_6] : memref<4096xi32, #tpu.memory_space<hbm>> -> memref<64xi32, #tpu.memory_space<hbm>>
    %dma_start3A_11 = arith.constant 0 : i32
    %dma_start3A_12 = tpu.memref_slice %arg11[%dma_start3A, %dma_start3A_11] : memref<7x64xi32, #tpu.memory_space<vmem>> -> memref<1x64xi32, #tpu.memory_space<vmem>>
    %dma_start3A_13 = tpu.memref_squeeze %dma_start3A_12 : memref<1x64xi32, #tpu.memory_space<vmem>> -> memref<64xi32, #tpu.memory_space<vmem>>
    %dma_start3A_14 = tpu.memref_slice %arg3[%add3A_6] : memref<4096xi32, #tpu.memory_space<hbm>> -> memref<64xi32, #tpu.memory_space<hbm>>
    tpu.enqueue_dma source(%dma_start3A_14 : memref<64xi32, #tpu.memory_space<hbm>>) target(%dma_start3A_13 : memref<64xi32, #tpu.memory_space<vmem>>) target_semaphore(%arg19 : memref<!tpu.dma_semaphore, #tpu.memory_space<semaphore_mem>>)
    %dma_start3A_15 = arith.constant 1 : i32
    %dma_start3A_16 = arith.constant 0 : i32
    %dma_start3A_17 = tpu.memref_slice %arg11[%dma_start3A_15, %dma_start3A_16] : memref<7x64xi32, #tpu.memory_space<vmem>> -> memref<1x64xi32, #tpu.memory_space<vmem>>
    %dma_start3A_18 = tpu.memref_squeeze %dma_start3A_17 : memref<1x64xi32, #tpu.memory_space<vmem>> -> memref<64xi32, #tpu.memory_space<vmem>>
    %dma_start3A_19 = tpu.memref_slice %arg4[%add3A_6] : memref<4096xi32, #tpu.memory_space<hbm>> -> memref<64xi32, #tpu.memory_space<hbm>>
    %dma_start3A_20 = arith.constant 0 : i32
    %dma_start3A_21 = tpu.memref_slice %arg11[%dma_start3A_15, %dma_start3A_20] : memref<7x64xi32, #tpu.memory_space<vmem>> -> memref<1x64xi32, #tpu.memory_space<vmem>>
    %dma_start3A_22 = tpu.memref_squeeze %dma_start3A_21 : memref<1x64xi32, #tpu.memory_space<vmem>> -> memref<64xi32, #tpu.memory_space<vmem>>
    %dma_start3A_23 = tpu.memref_slice %arg4[%add3A_6] : memref<4096xi32, #tpu.memory_space<hbm>> -> memref<64xi32, #tpu.memory_space<hbm>>
    tpu.enqueue_dma source(%dma_start3A_23 : memref<64xi32, #tpu.memory_space<hbm>>) target(%dma_start3A_22 : memref<64xi32, #tpu.memory_space<vmem>>) target_semaphore(%arg19 : memref<!tpu.dma_semaphore, #tpu.memory_space<semaphore_mem>>)
    %dma_start3A_24 = arith.constant 2 : i32
    %dma_start3A_25 = arith.constant 0 : i32
    %dma_start3A_26 = tpu.memref_slice %arg11[%dma_start3A_24, %dma_start3A_25] : memref<7x64xi32, #tpu.memory_space<vmem>> -> memref<1x64xi32, #tpu.memory_space<vmem>>
    %dma_start3A_27 = tpu.memref_squeeze %dma_start3A_26 : memref<1x64xi32, #tpu.memory_space<vmem>> -> memref<64xi32, #tpu.memory_space<vmem>>
    %dma_start3A_28 = tpu.memref_slice %arg5[%add3A_6] : memref<4096xi32, #tpu.memory_space<hbm>> -> memref<64xi32, #tpu.memory_space<hbm>>
    %dma_start3A_29 = arith.constant 0 : i32
    %dma_start3A_30 = tpu.memref_slice %arg11[%dma_start3A_24, %dma_start3A_29] : memref<7x64xi32, #tpu.memory_space<vmem>> -> memref<1x64xi32, #tpu.memory_space<vmem>>
    %dma_start3A_31 = tpu.memref_squeeze %dma_start3A_30 : memref<1x64xi32, #tpu.memory_space<vmem>> -> memref<64xi32, #tpu.memory_space<vmem>>
    %dma_start3A_32 = tpu.memref_slice %arg5[%add3A_6] : memref<4096xi32, #tpu.memory_space<hbm>> -> memref<64xi32, #tpu.memory_space<hbm>>
    tpu.enqueue_dma source(%dma_start3A_32 : memref<64xi32, #tpu.memory_space<hbm>>) target(%dma_start3A_31 : memref<64xi32, #tpu.memory_space<vmem>>) target_semaphore(%arg19 : memref<!tpu.dma_semaphore, #tpu.memory_space<semaphore_mem>>)
    %dma_start3A_33 = arith.constant 3 : i32
    %dma_start3A_34 = arith.constant 0 : i32
    %dma_start3A_35 = tpu.memref_slice %arg11[%dma_start3A_33, %dma_start3A_34] : memref<7x64xi32, #tpu.memory_space<vmem>> -> memref<1x64xi32, #tpu.memory_space<vmem>>
    %dma_start3A_36 = tpu.memref_squeeze %dma_start3A_35 : memref<1x64xi32, #tpu.memory_space<vmem>> -> memref<64xi32, #tpu.memory_space<vmem>>
    %dma_start3A_37 = tpu.memref_slice %arg6[%add3A_6] : memref<4096xi32, #tpu.memory_space<hbm>> -> memref<64xi32, #tpu.memory_space<hbm>>
    %dma_start3A_38 = arith.constant 0 : i32
    %dma_start3A_39 = tpu.memref_slice %arg11[%dma_start3A_33, %dma_start3A_38] : memref<7x64xi32, #tpu.memory_space<vmem>> -> memref<1x64xi32, #tpu.memory_space<vmem>>
    %dma_start3A_40 = tpu.memref_squeeze %dma_start3A_39 : memref<1x64xi32, #tpu.memory_space<vmem>> -> memref<64xi32, #tpu.memory_space<vmem>>
    %dma_start3A_41 = tpu.memref_slice %arg6[%add3A_6] : memref<4096xi32, #tpu.memory_space<hbm>> -> memref<64xi32, #tpu.memory_space<hbm>>
    tpu.enqueue_dma source(%dma_start3A_41 : memref<64xi32, #tpu.memory_space<hbm>>) target(%dma_start3A_40 : memref<64xi32, #tpu.memory_space<vmem>>) target_semaphore(%arg19 : memref<!tpu.dma_semaphore, #tpu.memory_space<semaphore_mem>>)
    %dma_start3A_42 = arith.constant 4 : i32
    %dma_start3A_43 = arith.constant 0 : i32
    %dma_start3A_44 = tpu.memref_slice %arg11[%dma_start3A_42, %dma_start3A_43] : memref<7x64xi32, #tpu.memory_space<vmem>> -> memref<1x64xi32, #tpu.memory_space<vmem>>
    %dma_start3A_45 = tpu.memref_squeeze %dma_start3A_44 : memref<1x64xi32, #tpu.memory_space<vmem>> -> memref<64xi32, #tpu.memory_space<vmem>>
    %dma_start3A_46 = tpu.memref_slice %arg7[%add3A_6] : memref<4096xi32, #tpu.memory_space<hbm>> -> memref<64xi32, #tpu.memory_space<hbm>>
    %dma_start3A_47 = arith.constant 0 : i32
    %dma_start3A_48 = tpu.memref_slice %arg11[%dma_start3A_42, %dma_start3A_47] : memref<7x64xi32, #tpu.memory_space<vmem>> -> memref<1x64xi32, #tpu.memory_space<vmem>>
    %dma_start3A_49 = tpu.memref_squeeze %dma_start3A_48 : memref<1x64xi32, #tpu.memory_space<vmem>> -> memref<64xi32, #tpu.memory_space<vmem>>
    %dma_start3A_50 = tpu.memref_slice %arg7[%add3A_6] : memref<4096xi32, #tpu.memory_space<hbm>> -> memref<64xi32, #tpu.memory_space<hbm>>
    tpu.enqueue_dma source(%dma_start3A_50 : memref<64xi32, #tpu.memory_space<hbm>>) target(%dma_start3A_49 : memref<64xi32, #tpu.memory_space<vmem>>) target_semaphore(%arg19 : memref<!tpu.dma_semaphore, #tpu.memory_space<semaphore_mem>>)
    %dma_start3A_51 = arith.constant 5 : i32
    %dma_start3A_52 = arith.constant 0 : i32
    %dma_start3A_53 = tpu.memref_slice %arg11[%dma_start3A_51, %dma_start3A_52] : memref<7x64xi32, #tpu.memory_space<vmem>> -> memref<1x64xi32, #tpu.memory_space<vmem>>
    %dma_start3A_54 = tpu.memref_squeeze %dma_start3A_53 : memref<1x64xi32, #tpu.memory_space<vmem>> -> memref<64xi32, #tpu.memory_space<vmem>>
    %dma_start3A_55 = tpu.memref_slice %arg8[%add3A_6] : memref<4096xi32, #tpu.memory_space<hbm>> -> memref<64xi32, #tpu.memory_space<hbm>>
    %dma_start3A_56 = arith.constant 0 : i32
    %dma_start3A_57 = tpu.memref_slice %arg11[%dma_start3A_51, %dma_start3A_56] : memref<7x64xi32, #tpu.memory_space<vmem>> -> memref<1x64xi32, #tpu.memory_space<vmem>>
    %dma_start3A_58 = tpu.memref_squeeze %dma_start3A_57 : memref<1x64xi32, #tpu.memory_space<vmem>> -> memref<64xi32, #tpu.memory_space<vmem>>
    %dma_start3A_59 = tpu.memref_slice %arg8[%add3A_6] : memref<4096xi32, #tpu.memory_space<hbm>> -> memref<64xi32, #tpu.memory_space<hbm>>
    tpu.enqueue_dma source(%dma_start3A_59 : memref<64xi32, #tpu.memory_space<hbm>>) target(%dma_start3A_58 : memref<64xi32, #tpu.memory_space<vmem>>) target_semaphore(%arg19 : memref<!tpu.dma_semaphore, #tpu.memory_space<semaphore_mem>>)
    %dma_start3A_60 = arith.constant 6 : i32
    %dma_start3A_61 = arith.constant 0 : i32
    %dma_start3A_62 = tpu.memref_slice %arg11[%dma_start3A_60, %dma_start3A_61] : memref<7x64xi32, #tpu.memory_space<vmem>> -> memref<1x64xi32, #tpu.memory_space<vmem>>
    %dma_start3A_63 = tpu.memref_squeeze %dma_start3A_62 : memref<1x64xi32, #tpu.memory_space<vmem>> -> memref<64xi32, #tpu.memory_space<vmem>>
    %dma_start3A_64 = tpu.memref_slice %arg9[%add3A_6] : memref<4096xi32, #tpu.memory_space<hbm>> -> memref<64xi32, #tpu.memory_space<hbm>>
    %dma_start3A_65 = arith.constant 0 : i32
    %dma_start3A_66 = tpu.memref_slice %arg11[%dma_start3A_60, %dma_start3A_65] : memref<7x64xi32, #tpu.memory_space<vmem>> -> memref<1x64xi32, #tpu.memory_space<vmem>>
    %dma_start3A_67 = tpu.memref_squeeze %dma_start3A_66 : memref<1x64xi32, #tpu.memory_space<vmem>> -> memref<64xi32, #tpu.memory_space<vmem>>
    %dma_start3A_68 = tpu.memref_slice %arg9[%add3A_6] : memref<4096xi32, #tpu.memory_space<hbm>> -> memref<64xi32, #tpu.memory_space<hbm>>
    tpu.enqueue_dma source(%dma_start3A_68 : memref<64xi32, #tpu.memory_space<hbm>>) target(%dma_start3A_67 : memref<64xi32, #tpu.memory_space<vmem>>) target_semaphore(%arg19 : memref<!tpu.dma_semaphore, #tpu.memory_space<semaphore_mem>>)
    %dma_wait3A = arith.constant 0 : i32
    %dma_wait3A_69 = arith.constant 0 : i32
    %dma_wait3A_70 = tpu.memref_slice %arg11[%dma_wait3A, %dma_wait3A_69] : memref<7x64xi32, #tpu.memory_space<vmem>> -> memref<1x64xi32, #tpu.memory_space<vmem>>
    %dma_wait3A_71 = tpu.memref_squeeze %dma_wait3A_70 : memref<1x64xi32, #tpu.memory_space<vmem>> -> memref<64xi32, #tpu.memory_space<vmem>>
    %dma_wait3A_72 = tpu.memref_slice %arg3[%add3A_6] : memref<4096xi32, #tpu.memory_space<hbm>> -> memref<64xi32, #tpu.memory_space<hbm>>
    %dma_wait3A_73 = arith.constant 0 : i32
    %dma_wait3A_74 = tpu.memref_slice %arg11[%dma_wait3A, %dma_wait3A_73] : memref<7x64xi32, #tpu.memory_space<vmem>> -> memref<1x64xi32, #tpu.memory_space<vmem>>
    %dma_wait3A_75 = tpu.memref_squeeze %dma_wait3A_74 : memref<1x64xi32, #tpu.memory_space<vmem>> -> memref<64xi32, #tpu.memory_space<vmem>>
    %dma_wait3A_76 = tpu.memref_slice %arg3[%add3A_6] : memref<4096xi32, #tpu.memory_space<hbm>> -> memref<64xi32, #tpu.memory_space<hbm>>
    tpu.wait_dma2 semaphore(%arg19 : memref<!tpu.dma_semaphore, #tpu.memory_space<semaphore_mem>>) src(%dma_wait3A_76 : memref<64xi32, #tpu.memory_space<hbm>>) dst(%dma_wait3A_75 : memref<64xi32, #tpu.memory_space<vmem>>)
    %dma_wait3A_77 = arith.constant 1 : i32
    %dma_wait3A_78 = arith.constant 0 : i32
    %dma_wait3A_79 = tpu.memref_slice %arg11[%dma_wait3A_77, %dma_wait3A_78] : memref<7x64xi32, #tpu.memory_space<vmem>> -> memref<1x64xi32, #tpu.memory_space<vmem>>
    %dma_wait3A_80 = tpu.memref_squeeze %dma_wait3A_79 : memref<1x64xi32, #tpu.memory_space<vmem>> -> memref<64xi32, #tpu.memory_space<vmem>>
    %dma_wait3A_81 = tpu.memref_slice %arg4[%add3A_6] : memref<4096xi32, #tpu.memory_space<hbm>> -> memref<64xi32, #tpu.memory_space<hbm>>
    %dma_wait3A_82 = arith.constant 0 : i32
    %dma_wait3A_83 = tpu.memref_slice %arg11[%dma_wait3A_77, %dma_wait3A_82] : memref<7x64xi32, #tpu.memory_space<vmem>> -> memref<1x64xi32, #tpu.memory_space<vmem>>
    %dma_wait3A_84 = tpu.memref_squeeze %dma_wait3A_83 : memref<1x64xi32, #tpu.memory_space<vmem>> -> memref<64xi32, #tpu.memory_space<vmem>>
    %dma_wait3A_85 = tpu.memref_slice %arg4[%add3A_6] : memref<4096xi32, #tpu.memory_space<hbm>> -> memref<64xi32, #tpu.memory_space<hbm>>
    tpu.wait_dma2 semaphore(%arg19 : memref<!tpu.dma_semaphore, #tpu.memory_space<semaphore_mem>>) src(%dma_wait3A_85 : memref<64xi32, #tpu.memory_space<hbm>>) dst(%dma_wait3A_84 : memref<64xi32, #tpu.memory_space<vmem>>)
    %dma_wait3A_86 = arith.constant 2 : i32
    %dma_wait3A_87 = arith.constant 0 : i32
    %dma_wait3A_88 = tpu.memref_slice %arg11[%dma_wait3A_86, %dma_wait3A_87] : memref<7x64xi32, #tpu.memory_space<vmem>> -> memref<1x64xi32, #tpu.memory_space<vmem>>
    %dma_wait3A_89 = tpu.memref_squeeze %dma_wait3A_88 : memref<1x64xi32, #tpu.memory_space<vmem>> -> memref<64xi32, #tpu.memory_space<vmem>>
    %dma_wait3A_90 = tpu.memref_slice %arg5[%add3A_6] : memref<4096xi32, #tpu.memory_space<hbm>> -> memref<64xi32, #tpu.memory_space<hbm>>
    %dma_wait3A_91 = arith.constant 0 : i32
    %dma_wait3A_92 = tpu.memref_slice %arg11[%dma_wait3A_86, %dma_wait3A_91] : memref<7x64xi32, #tpu.memory_space<vmem>> -> memref<1x64xi32, #tpu.memory_space<vmem>>
    %dma_wait3A_93 = tpu.memref_squeeze %dma_wait3A_92 : memref<1x64xi32, #tpu.memory_space<vmem>> -> memref<64xi32, #tpu.memory_space<vmem>>
    %dma_wait3A_94 = tpu.memref_slice %arg5[%add3A_6] : memref<4096xi32, #tpu.memory_space<hbm>> -> memref<64xi32, #tpu.memory_space<hbm>>
    tpu.wait_dma2 semaphore(%arg19 : memref<!tpu.dma_semaphore, #tpu.memory_space<semaphore_mem>>) src(%dma_wait3A_94 : memref<64xi32, #tpu.memory_space<hbm>>) dst(%dma_wait3A_93 : memref<64xi32, #tpu.memory_space<vmem>>)
    %dma_wait3A_95 = arith.constant 3 : i32
    %dma_wait3A_96 = arith.constant 0 : i32
    %dma_wait3A_97 = tpu.memref_slice %arg11[%dma_wait3A_95, %dma_wait3A_96] : memref<7x64xi32, #tpu.memory_space<vmem>> -> memref<1x64xi32, #tpu.memory_space<vmem>>
    %dma_wait3A_98 = tpu.memref_squeeze %dma_wait3A_97 : memref<1x64xi32, #tpu.memory_space<vmem>> -> memref<64xi32, #tpu.memory_space<vmem>>
    %dma_wait3A_99 = tpu.memref_slice %arg6[%add3A_6] : memref<4096xi32, #tpu.memory_space<hbm>> -> memref<64xi32, #tpu.memory_space<hbm>>
    %dma_wait3A_100 = arith.constant 0 : i32
    %dma_wait3A_101 = tpu.memref_slice %arg11[%dma_wait3A_95, %dma_wait3A_100] : memref<7x64xi32, #tpu.memory_space<vmem>> -> memref<1x64xi32, #tpu.memory_space<vmem>>
    %dma_wait3A_102 = tpu.memref_squeeze %dma_wait3A_101 : memref<1x64xi32, #tpu.memory_space<vmem>> -> memref<64xi32, #tpu.memory_space<vmem>>
    %dma_wait3A_103 = tpu.memref_slice %arg6[%add3A_6] : memref<4096xi32, #tpu.memory_space<hbm>> -> memref<64xi32, #tpu.memory_space<hbm>>
    tpu.wait_dma2 semaphore(%arg19 : memref<!tpu.dma_semaphore, #tpu.memory_space<semaphore_mem>>) src(%dma_wait3A_103 : memref<64xi32, #tpu.memory_space<hbm>>) dst(%dma_wait3A_102 : memref<64xi32, #tpu.memory_space<vmem>>)
    %dma_wait3A_104 = arith.constant 4 : i32
    %dma_wait3A_105 = arith.constant 0 : i32
    %dma_wait3A_106 = tpu.memref_slice %arg11[%dma_wait3A_104, %dma_wait3A_105] : memref<7x64xi32, #tpu.memory_space<vmem>> -> memref<1x64xi32, #tpu.memory_space<vmem>>
    %dma_wait3A_107 = tpu.memref_squeeze %dma_wait3A_106 : memref<1x64xi32, #tpu.memory_space<vmem>> -> memref<64xi32, #tpu.memory_space<vmem>>
    %dma_wait3A_108 = tpu.memref_slice %arg7[%add3A_6] : memref<4096xi32, #tpu.memory_space<hbm>> -> memref<64xi32, #tpu.memory_space<hbm>>
    %dma_wait3A_109 = arith.constant 0 : i32
    %dma_wait3A_110 = tpu.memref_slice %arg11[%dma_wait3A_104, %dma_wait3A_109] : memref<7x64xi32, #tpu.memory_space<vmem>> -> memref<1x64xi32, #tpu.memory_space<vmem>>
    %dma_wait3A_111 = tpu.memref_squeeze %dma_wait3A_110 : memref<1x64xi32, #tpu.memory_space<vmem>> -> memref<64xi32, #tpu.memory_space<vmem>>
    %dma_wait3A_112 = tpu.memref_slice %arg7[%add3A_6] : memref<4096xi32, #tpu.memory_space<hbm>> -> memref<64xi32, #tpu.memory_space<hbm>>
    tpu.wait_dma2 semaphore(%arg19 : memref<!tpu.dma_semaphore, #tpu.memory_space<semaphore_mem>>) src(%dma_wait3A_112 : memref<64xi32, #tpu.memory_space<hbm>>) dst(%dma_wait3A_111 : memref<64xi32, #tpu.memory_space<vmem>>)
    %dma_wait3A_113 = arith.constant 5 : i32
    %dma_wait3A_114 = arith.constant 0 : i32
    %dma_wait3A_115 = tpu.memref_slice %arg11[%dma_wait3A_113, %dma_wait3A_114] : memref<7x64xi32, #tpu.memory_space<vmem>> -> memref<1x64xi32, #tpu.memory_space<vmem>>
    %dma_wait3A_116 = tpu.memref_squeeze %dma_wait3A_115 : memref<1x64xi32, #tpu.memory_space<vmem>> -> memref<64xi32, #tpu.memory_space<vmem>>
    %dma_wait3A_117 = tpu.memref_slice %arg8[%add3A_6] : memref<4096xi32, #tpu.memory_space<hbm>> -> memref<64xi32, #tpu.memory_space<hbm>>
    %dma_wait3A_118 = arith.constant 0 : i32
    %dma_wait3A_119 = tpu.memref_slice %arg11[%dma_wait3A_113, %dma_wait3A_118] : memref<7x64xi32, #tpu.memory_space<vmem>> -> memref<1x64xi32, #tpu.memory_space<vmem>>
    %dma_wait3A_120 = tpu.memref_squeeze %dma_wait3A_119 : memref<1x64xi32, #tpu.memory_space<vmem>> -> memref<64xi32, #tpu.memory_space<vmem>>
    %dma_wait3A_121 = tpu.memref_slice %arg8[%add3A_6] : memref<4096xi32, #tpu.memory_space<hbm>> -> memref<64xi32, #tpu.memory_space<hbm>>
    tpu.wait_dma2 semaphore(%arg19 : memref<!tpu.dma_semaphore, #tpu.memory_space<semaphore_mem>>) src(%dma_wait3A_121 : memref<64xi32, #tpu.memory_space<hbm>>) dst(%dma_wait3A_120 : memref<64xi32, #tpu.memory_space<vmem>>)
    %dma_wait3A_122 = arith.constant 6 : i32
    %dma_wait3A_123 = arith.constant 0 : i32
    %dma_wait3A_124 = tpu.memref_slice %arg11[%dma_wait3A_122, %dma_wait3A_123] : memref<7x64xi32, #tpu.memory_space<vmem>> -> memref<1x64xi32, #tpu.memory_space<vmem>>
    %dma_wait3A_125 = tpu.memref_squeeze %dma_wait3A_124 : memref<1x64xi32, #tpu.memory_space<vmem>> -> memref<64xi32, #tpu.memory_space<vmem>>
    %dma_wait3A_126 = tpu.memref_slice %arg9[%add3A_6] : memref<4096xi32, #tpu.memory_space<hbm>> -> memref<64xi32, #tpu.memory_space<hbm>>
    %dma_wait3A_127 = arith.constant 0 : i32
    %dma_wait3A_128 = tpu.memref_slice %arg11[%dma_wait3A_122, %dma_wait3A_127] : memref<7x64xi32, #tpu.memory_space<vmem>> -> memref<1x64xi32, #tpu.memory_space<vmem>>
    %dma_wait3A_129 = tpu.memref_squeeze %dma_wait3A_128 : memref<1x64xi32, #tpu.memory_space<vmem>> -> memref<64xi32, #tpu.memory_space<vmem>>
    %dma_wait3A_130 = tpu.memref_slice %arg9[%add3A_6] : memref<4096xi32, #tpu.memory_space<hbm>> -> memref<64xi32, #tpu.memory_space<hbm>>
    tpu.wait_dma2 semaphore(%arg19 : memref<!tpu.dma_semaphore, #tpu.memory_space<semaphore_mem>>) src(%dma_wait3A_130 : memref<64xi32, #tpu.memory_space<hbm>>) dst(%dma_wait3A_129 : memref<64xi32, #tpu.memory_space<vmem>>)
    %dma_start3A_131 = arith.constant 0 : i32
    %dma_start3A_132 = arith.constant 0 : i32
    %dma_start3A_133 = tpu.memref_slice %arg11[%dma_start3A_131, %dma_start3A_132] : memref<7x64xi32, #tpu.memory_space<vmem>> -> memref<1x64xi32, #tpu.memory_space<vmem>>
    %dma_start3A_134 = tpu.memref_squeeze %dma_start3A_133 : memref<1x64xi32, #tpu.memory_space<vmem>> -> memref<64xi32, #tpu.memory_space<vmem>>
    %dma_start3A_135 = arith.constant 0 : i32
    %dma_start3A_136 = arith.constant 0 : i32
    %dma_start3A_137 = tpu.memref_slice %arg2[%dma_start3A_135, %dma_start3A_136] : memref<100000x128xf32, #tpu.memory_space<hbm>> -> memref<100000x128xf32, #tpu.memory_space<hbm>>
    tpu.enqueue_indirect_dma source(%dma_start3A_137 : memref<100000x128xf32, #tpu.memory_space<hbm>>) target(%arg12 : memref<64x128xf32, #tpu.memory_space<vmem>>) offsets(%dma_start3A_134 : memref<64xi32, #tpu.memory_space<vmem>>) semaphore(%arg20 : memref<!tpu.dma_semaphore, #tpu.memory_space<semaphore_mem>>)
    %dma_start3A_138 = arith.constant 1 : i32
    %dma_start3A_139 = arith.constant 0 : i32
    %dma_start3A_140 = tpu.memref_slice %arg11[%dma_start3A_138, %dma_start3A_139] : memref<7x64xi32, #tpu.memory_space<vmem>> -> memref<1x64xi32, #tpu.memory_space<vmem>>
    %dma_start3A_141 = tpu.memref_squeeze %dma_start3A_140 : memref<1x64xi32, #tpu.memory_space<vmem>> -> memref<64xi32, #tpu.memory_space<vmem>>
    %dma_start3A_142 = arith.constant 0 : i32
    %dma_start3A_143 = arith.constant 0 : i32
    %dma_start3A_144 = tpu.memref_slice %arg2[%dma_start3A_142, %dma_start3A_143] : memref<100000x128xf32, #tpu.memory_space<hbm>> -> memref<100000x128xf32, #tpu.memory_space<hbm>>
    tpu.enqueue_indirect_dma source(%dma_start3A_144 : memref<100000x128xf32, #tpu.memory_space<hbm>>) target(%arg13 : memref<64x128xf32, #tpu.memory_space<vmem>>) offsets(%dma_start3A_141 : memref<64xi32, #tpu.memory_space<vmem>>) semaphore(%arg20 : memref<!tpu.dma_semaphore, #tpu.memory_space<semaphore_mem>>)
    %dma_start3A_145 = arith.constant 2 : i32
    %dma_start3A_146 = arith.constant 0 : i32
    %dma_start3A_147 = tpu.memref_slice %arg11[%dma_start3A_145, %dma_start3A_146] : memref<7x64xi32, #tpu.memory_space<vmem>> -> memref<1x64xi32, #tpu.memory_space<vmem>>
    %dma_start3A_148 = tpu.memref_squeeze %dma_start3A_147 : memref<1x64xi32, #tpu.memory_space<vmem>> -> memref<64xi32, #tpu.memory_space<vmem>>
    %dma_start3A_149 = arith.constant 0 : i32
    %dma_start3A_150 = arith.constant 0 : i32
    %dma_start3A_151 = tpu.memref_slice %arg2[%dma_start3A_149, %dma_start3A_150] : memref<100000x128xf32, #tpu.memory_space<hbm>> -> memref<100000x128xf32, #tpu.memory_space<hbm>>
    tpu.enqueue_indirect_dma source(%dma_start3A_151 : memref<100000x128xf32, #tpu.memory_space<hbm>>) target(%arg14 : memref<64x128xf32, #tpu.memory_space<vmem>>) offsets(%dma_start3A_148 : memref<64xi32, #tpu.memory_space<vmem>>) semaphore(%arg20 : memref<!tpu.dma_semaphore, #tpu.memory_space<semaphore_mem>>)
    %dma_start3A_152 = arith.constant 3 : i32
    %dma_start3A_153 = arith.constant 0 : i32
    %dma_start3A_154 = tpu.memref_slice %arg11[%dma_start3A_152, %dma_start3A_153] : memref<7x64xi32, #tpu.memory_space<vmem>> -> memref<1x64xi32, #tpu.memory_space<vmem>>
    %dma_start3A_155 = tpu.memref_squeeze %dma_start3A_154 : memref<1x64xi32, #tpu.memory_space<vmem>> -> memref<64xi32, #tpu.memory_space<vmem>>
    %dma_start3A_156 = arith.constant 0 : i32
    %dma_start3A_157 = arith.constant 0 : i32
    %dma_start3A_158 = tpu.memref_slice %arg2[%dma_start3A_156, %dma_start3A_157] : memref<100000x128xf32, #tpu.memory_space<hbm>> -> memref<100000x128xf32, #tpu.memory_space<hbm>>
    tpu.enqueue_indirect_dma source(%dma_start3A_158 : memref<100000x128xf32, #tpu.memory_space<hbm>>) target(%arg15 : memref<64x128xf32, #tpu.memory_space<vmem>>) offsets(%dma_start3A_155 : memref<64xi32, #tpu.memory_space<vmem>>) semaphore(%arg20 : memref<!tpu.dma_semaphore, #tpu.memory_space<semaphore_mem>>)
    %dma_start3A_159 = arith.constant 4 : i32
    %dma_start3A_160 = arith.constant 0 : i32
    %dma_start3A_161 = tpu.memref_slice %arg11[%dma_start3A_159, %dma_start3A_160] : memref<7x64xi32, #tpu.memory_space<vmem>> -> memref<1x64xi32, #tpu.memory_space<vmem>>
    %dma_start3A_162 = tpu.memref_squeeze %dma_start3A_161 : memref<1x64xi32, #tpu.memory_space<vmem>> -> memref<64xi32, #tpu.memory_space<vmem>>
    %dma_start3A_163 = arith.constant 0 : i32
    %dma_start3A_164 = arith.constant 0 : i32
    %dma_start3A_165 = tpu.memref_slice %arg2[%dma_start3A_163, %dma_start3A_164] : memref<100000x128xf32, #tpu.memory_space<hbm>> -> memref<100000x128xf32, #tpu.memory_space<hbm>>
    tpu.enqueue_indirect_dma source(%dma_start3A_165 : memref<100000x128xf32, #tpu.memory_space<hbm>>) target(%arg16 : memref<64x128xf32, #tpu.memory_space<vmem>>) offsets(%dma_start3A_162 : memref<64xi32, #tpu.memory_space<vmem>>) semaphore(%arg20 : memref<!tpu.dma_semaphore, #tpu.memory_space<semaphore_mem>>)
    %dma_start3A_166 = arith.constant 5 : i32
    %dma_start3A_167 = arith.constant 0 : i32
    %dma_start3A_168 = tpu.memref_slice %arg11[%dma_start3A_166, %dma_start3A_167] : memref<7x64xi32, #tpu.memory_space<vmem>> -> memref<1x64xi32, #tpu.memory_space<vmem>>
    %dma_start3A_169 = tpu.memref_squeeze %dma_start3A_168 : memref<1x64xi32, #tpu.memory_space<vmem>> -> memref<64xi32, #tpu.memory_space<vmem>>
    %dma_start3A_170 = arith.constant 0 : i32
    %dma_start3A_171 = arith.constant 0 : i32
    %dma_start3A_172 = tpu.memref_slice %arg2[%dma_start3A_170, %dma_start3A_171] : memref<100000x128xf32, #tpu.memory_space<hbm>> -> memref<100000x128xf32, #tpu.memory_space<hbm>>
    tpu.enqueue_indirect_dma source(%dma_start3A_172 : memref<100000x128xf32, #tpu.memory_space<hbm>>) target(%arg17 : memref<64x128xf32, #tpu.memory_space<vmem>>) offsets(%dma_start3A_169 : memref<64xi32, #tpu.memory_space<vmem>>) semaphore(%arg20 : memref<!tpu.dma_semaphore, #tpu.memory_space<semaphore_mem>>)
    %dma_start3A_173 = arith.constant 6 : i32
    %dma_start3A_174 = arith.constant 0 : i32
    %dma_start3A_175 = tpu.memref_slice %arg11[%dma_start3A_173, %dma_start3A_174] : memref<7x64xi32, #tpu.memory_space<vmem>> -> memref<1x64xi32, #tpu.memory_space<vmem>>
    %dma_start3A_176 = tpu.memref_squeeze %dma_start3A_175 : memref<1x64xi32, #tpu.memory_space<vmem>> -> memref<64xi32, #tpu.memory_space<vmem>>
    %dma_start3A_177 = arith.constant 0 : i32
    %dma_start3A_178 = arith.constant 0 : i32
    %dma_start3A_179 = tpu.memref_slice %arg2[%dma_start3A_177, %dma_start3A_178] : memref<100000x128xf32, #tpu.memory_space<hbm>> -> memref<100000x128xf32, #tpu.memory_space<hbm>>
    tpu.enqueue_indirect_dma source(%dma_start3A_179 : memref<100000x128xf32, #tpu.memory_space<hbm>>) target(%arg18 : memref<64x128xf32, #tpu.memory_space<vmem>>) offsets(%dma_start3A_176 : memref<64xi32, #tpu.memory_space<vmem>>) semaphore(%arg20 : memref<!tpu.dma_semaphore, #tpu.memory_space<semaphore_mem>>)
    %dma_wait3A_180 = arith.constant 0 : i32
    %dma_wait3A_181 = arith.constant 0 : i32
    %dma_wait3A_182 = tpu.memref_slice %arg11[%dma_wait3A_180, %dma_wait3A_181] : memref<7x64xi32, #tpu.memory_space<vmem>> -> memref<1x64xi32, #tpu.memory_space<vmem>>
    %dma_wait3A_183 = tpu.memref_squeeze %dma_wait3A_182 : memref<1x64xi32, #tpu.memory_space<vmem>> -> memref<64xi32, #tpu.memory_space<vmem>>
    %dma_wait3A_184 = arith.constant 0 : i32
    %dma_wait3A_185 = arith.constant 0 : i32
    %dma_wait3A_186 = tpu.memref_slice %arg2[%dma_wait3A_184, %dma_wait3A_185] : memref<100000x128xf32, #tpu.memory_space<hbm>> -> memref<100000x128xf32, #tpu.memory_space<hbm>>
    tpu.wait_indirect_dma semaphore(%arg20 : memref<!tpu.dma_semaphore, #tpu.memory_space<semaphore_mem>>) src(%dma_wait3A_186 : memref<100000x128xf32, #tpu.memory_space<hbm>>) dst(%arg12 : memref<64x128xf32, #tpu.memory_space<vmem>>)
    %dma_start3A_187 = arith.constant 0 : i32
    %dma_start3A_188 = arith.constant 0 : i32
    %dma_start3A_189 = arith.constant 0 : i32
    %dma_start3A_190 = tpu.memref_slice %arg10[%dma_start3A_187, %dma_start3A_188, %dma_start3A_189] : memref<7x2048x128xf32, #tpu.memory_space<hbm>> -> memref<1x2048x128xf32, #tpu.memory_space<hbm>>
    %dma_start3A_191 = tpu.memref_squeeze %dma_start3A_190 : memref<1x2048x128xf32, #tpu.memory_space<hbm>> -> memref<2048x128xf32, #tpu.memory_space<hbm>>
    %dma_start3A_192 = arith.constant 0 : i32
    %dma_start3A_193 = tpu.memref_slice %dma_start3A_191[%mul3A_2, %dma_start3A_192] : memref<2048x128xf32, #tpu.memory_space<hbm>> -> memref<64x128xf32, #tpu.memory_space<hbm>>
    %dma_start3A_194 = arith.constant 0 : i32
    %dma_start3A_195 = arith.constant 0 : i32
    %dma_start3A_196 = tpu.memref_slice %arg10[%dma_start3A_187, %dma_start3A_194, %dma_start3A_195] : memref<7x2048x128xf32, #tpu.memory_space<hbm>> -> memref<1x2048x128xf32, #tpu.memory_space<hbm>>
    %dma_start3A_197 = tpu.memref_squeeze %dma_start3A_196 : memref<1x2048x128xf32, #tpu.memory_space<hbm>> -> memref<2048x128xf32, #tpu.memory_space<hbm>>
    %dma_start3A_198 = arith.constant 0 : i32
    %dma_start3A_199 = tpu.memref_slice %dma_start3A_197[%mul3A_2, %dma_start3A_198] : memref<2048x128xf32, #tpu.memory_space<hbm>> -> memref<64x128xf32, #tpu.memory_space<hbm>>
    tpu.enqueue_dma source(%arg12 : memref<64x128xf32, #tpu.memory_space<vmem>>) target(%dma_start3A_199 : memref<64x128xf32, #tpu.memory_space<hbm>>) target_semaphore(%arg21 : memref<!tpu.dma_semaphore, #tpu.memory_space<semaphore_mem>>)
    %dma_wait3A_200 = arith.constant 1 : i32
    %dma_wait3A_201 = arith.constant 0 : i32
    %dma_wait3A_202 = tpu.memref_slice %arg11[%dma_wait3A_200, %dma_wait3A_201] : memref<7x64xi32, #tpu.memory_space<vmem>> -> memref<1x64xi32, #tpu.memory_space<vmem>>
    %dma_wait3A_203 = tpu.memref_squeeze %dma_wait3A_202 : memref<1x64xi32, #tpu.memory_space<vmem>> -> memref<64xi32, #tpu.memory_space<vmem>>
    %dma_wait3A_204 = arith.constant 0 : i32
    %dma_wait3A_205 = arith.constant 0 : i32
    %dma_wait3A_206 = tpu.memref_slice %arg2[%dma_wait3A_204, %dma_wait3A_205] : memref<100000x128xf32, #tpu.memory_space<hbm>> -> memref<100000x128xf32, #tpu.memory_space<hbm>>
    tpu.wait_indirect_dma semaphore(%arg20 : memref<!tpu.dma_semaphore, #tpu.memory_space<semaphore_mem>>) src(%dma_wait3A_206 : memref<100000x128xf32, #tpu.memory_space<hbm>>) dst(%arg13 : memref<64x128xf32, #tpu.memory_space<vmem>>)
    %dma_start3A_207 = arith.constant 1 : i32
    %dma_start3A_208 = arith.constant 0 : i32
    %dma_start3A_209 = arith.constant 0 : i32
    %dma_start3A_210 = tpu.memref_slice %arg10[%dma_start3A_207, %dma_start3A_208, %dma_start3A_209] : memref<7x2048x128xf32, #tpu.memory_space<hbm>> -> memref<1x2048x128xf32, #tpu.memory_space<hbm>>
    %dma_start3A_211 = tpu.memref_squeeze %dma_start3A_210 : memref<1x2048x128xf32, #tpu.memory_space<hbm>> -> memref<2048x128xf32, #tpu.memory_space<hbm>>
    %dma_start3A_212 = arith.constant 0 : i32
    %dma_start3A_213 = tpu.memref_slice %dma_start3A_211[%mul3A_2, %dma_start3A_212] : memref<2048x128xf32, #tpu.memory_space<hbm>> -> memref<64x128xf32, #tpu.memory_space<hbm>>
    %dma_start3A_214 = arith.constant 0 : i32
    %dma_start3A_215 = arith.constant 0 : i32
    %dma_start3A_216 = tpu.memref_slice %arg10[%dma_start3A_207, %dma_start3A_214, %dma_start3A_215] : memref<7x2048x128xf32, #tpu.memory_space<hbm>> -> memref<1x2048x128xf32, #tpu.memory_space<hbm>>
    %dma_start3A_217 = tpu.memref_squeeze %dma_start3A_216 : memref<1x2048x128xf32, #tpu.memory_space<hbm>> -> memref<2048x128xf32, #tpu.memory_space<hbm>>
    %dma_start3A_218 = arith.constant 0 : i32
    %dma_start3A_219 = tpu.memref_slice %dma_start3A_217[%mul3A_2, %dma_start3A_218] : memref<2048x128xf32, #tpu.memory_space<hbm>> -> memref<64x128xf32, #tpu.memory_space<hbm>>
    tpu.enqueue_dma source(%arg13 : memref<64x128xf32, #tpu.memory_space<vmem>>) target(%dma_start3A_219 : memref<64x128xf32, #tpu.memory_space<hbm>>) target_semaphore(%arg21 : memref<!tpu.dma_semaphore, #tpu.memory_space<semaphore_mem>>)
    %dma_wait3A_220 = arith.constant 2 : i32
    %dma_wait3A_221 = arith.constant 0 : i32
    %dma_wait3A_222 = tpu.memref_slice %arg11[%dma_wait3A_220, %dma_wait3A_221] : memref<7x64xi32, #tpu.memory_space<vmem>> -> memref<1x64xi32, #tpu.memory_space<vmem>>
    %dma_wait3A_223 = tpu.memref_squeeze %dma_wait3A_222 : memref<1x64xi32, #tpu.memory_space<vmem>> -> memref<64xi32, #tpu.memory_space<vmem>>
    %dma_wait3A_224 = arith.constant 0 : i32
    %dma_wait3A_225 = arith.constant 0 : i32
    %dma_wait3A_226 = tpu.memref_slice %arg2[%dma_wait3A_224, %dma_wait3A_225] : memref<100000x128xf32, #tpu.memory_space<hbm>> -> memref<100000x128xf32, #tpu.memory_space<hbm>>
    tpu.wait_indirect_dma semaphore(%arg20 : memref<!tpu.dma_semaphore, #tpu.memory_space<semaphore_mem>>) src(%dma_wait3A_226 : memref<100000x128xf32, #tpu.memory_space<hbm>>) dst(%arg14 : memref<64x128xf32, #tpu.memory_space<vmem>>)
    %dma_start3A_227 = arith.constant 2 : i32
    %dma_start3A_228 = arith.constant 0 : i32
    %dma_start3A_229 = arith.constant 0 : i32
    %dma_start3A_230 = tpu.memref_slice %arg10[%dma_start3A_227, %dma_start3A_228, %dma_start3A_229] : memref<7x2048x128xf32, #tpu.memory_space<hbm>> -> memref<1x2048x128xf32, #tpu.memory_space<hbm>>
    %dma_start3A_231 = tpu.memref_squeeze %dma_start3A_230 : memref<1x2048x128xf32, #tpu.memory_space<hbm>> -> memref<2048x128xf32, #tpu.memory_space<hbm>>
    %dma_start3A_232 = arith.constant 0 : i32
    %dma_start3A_233 = tpu.memref_slice %dma_start3A_231[%mul3A_2, %dma_start3A_232] : memref<2048x128xf32, #tpu.memory_space<hbm>> -> memref<64x128xf32, #tpu.memory_space<hbm>>
    %dma_start3A_234 = arith.constant 0 : i32
    %dma_start3A_235 = arith.constant 0 : i32
    %dma_start3A_236 = tpu.memref_slice %arg10[%dma_start3A_227, %dma_start3A_234, %dma_start3A_235] : memref<7x2048x128xf32, #tpu.memory_space<hbm>> -> memref<1x2048x128xf32, #tpu.memory_space<hbm>>
    %dma_start3A_237 = tpu.memref_squeeze %dma_start3A_236 : memref<1x2048x128xf32, #tpu.memory_space<hbm>> -> memref<2048x128xf32, #tpu.memory_space<hbm>>
    %dma_start3A_238 = arith.constant 0 : i32
    %dma_start3A_239 = tpu.memref_slice %dma_start3A_237[%mul3A_2, %dma_start3A_238] : memref<2048x128xf32, #tpu.memory_space<hbm>> -> memref<64x128xf32, #tpu.memory_space<hbm>>
    tpu.enqueue_dma source(%arg14 : memref<64x128xf32, #tpu.memory_space<vmem>>) target(%dma_start3A_239 : memref<64x128xf32, #tpu.memory_space<hbm>>) target_semaphore(%arg21 : memref<!tpu.dma_semaphore, #tpu.memory_space<semaphore_mem>>)
    %dma_wait3A_240 = arith.constant 3 : i32
    %dma_wait3A_241 = arith.constant 0 : i32
    %dma_wait3A_242 = tpu.memref_slice %arg11[%dma_wait3A_240, %dma_wait3A_241] : memref<7x64xi32, #tpu.memory_space<vmem>> -> memref<1x64xi32, #tpu.memory_space<vmem>>
    %dma_wait3A_243 = tpu.memref_squeeze %dma_wait3A_242 : memref<1x64xi32, #tpu.memory_space<vmem>> -> memref<64xi32, #tpu.memory_space<vmem>>
    %dma_wait3A_244 = arith.constant 0 : i32
    %dma_wait3A_245 = arith.constant 0 : i32
    %dma_wait3A_246 = tpu.memref_slice %arg2[%dma_wait3A_244, %dma_wait3A_245] : memref<100000x128xf32, #tpu.memory_space<hbm>> -> memref<100000x128xf32, #tpu.memory_space<hbm>>
    tpu.wait_indirect_dma semaphore(%arg20 : memref<!tpu.dma_semaphore, #tpu.memory_space<semaphore_mem>>) src(%dma_wait3A_246 : memref<100000x128xf32, #tpu.memory_space<hbm>>) dst(%arg15 : memref<64x128xf32, #tpu.memory_space<vmem>>)
    %dma_start3A_247 = arith.constant 3 : i32
    %dma_start3A_248 = arith.constant 0 : i32
    %dma_start3A_249 = arith.constant 0 : i32
    %dma_start3A_250 = tpu.memref_slice %arg10[%dma_start3A_247, %dma_start3A_248, %dma_start3A_249] : memref<7x2048x128xf32, #tpu.memory_space<hbm>> -> memref<1x2048x128xf32, #tpu.memory_space<hbm>>
    %dma_start3A_251 = tpu.memref_squeeze %dma_start3A_250 : memref<1x2048x128xf32, #tpu.memory_space<hbm>> -> memref<2048x128xf32, #tpu.memory_space<hbm>>
    %dma_start3A_252 = arith.constant 0 : i32
    %dma_start3A_253 = tpu.memref_slice %dma_start3A_251[%mul3A_2, %dma_start3A_252] : memref<2048x128xf32, #tpu.memory_space<hbm>> -> memref<64x128xf32, #tpu.memory_space<hbm>>
    %dma_start3A_254 = arith.constant 0 : i32
    %dma_start3A_255 = arith.constant 0 : i32
    %dma_start3A_256 = tpu.memref_slice %arg10[%dma_start3A_247, %dma_start3A_254, %dma_start3A_255] : memref<7x2048x128xf32, #tpu.memory_space<hbm>> -> memref<1x2048x128xf32, #tpu.memory_space<hbm>>
    %dma_start3A_257 = tpu.memref_squeeze %dma_start3A_256 : memref<1x2048x128xf32, #tpu.memory_space<hbm>> -> memref<2048x128xf32, #tpu.memory_space<hbm>>
    %dma_start3A_258 = arith.constant 0 : i32
    %dma_start3A_259 = tpu.memref_slice %dma_start3A_257[%mul3A_2, %dma_start3A_258] : memref<2048x128xf32, #tpu.memory_space<hbm>> -> memref<64x128xf32, #tpu.memory_space<hbm>>
    tpu.enqueue_dma source(%arg15 : memref<64x128xf32, #tpu.memory_space<vmem>>) target(%dma_start3A_259 : memref<64x128xf32, #tpu.memory_space<hbm>>) target_semaphore(%arg21 : memref<!tpu.dma_semaphore, #tpu.memory_space<semaphore_mem>>)
    %dma_wait3A_260 = arith.constant 4 : i32
    %dma_wait3A_261 = arith.constant 0 : i32
    %dma_wait3A_262 = tpu.memref_slice %arg11[%dma_wait3A_260, %dma_wait3A_261] : memref<7x64xi32, #tpu.memory_space<vmem>> -> memref<1x64xi32, #tpu.memory_space<vmem>>
    %dma_wait3A_263 = tpu.memref_squeeze %dma_wait3A_262 : memref<1x64xi32, #tpu.memory_space<vmem>> -> memref<64xi32, #tpu.memory_space<vmem>>
    %dma_wait3A_264 = arith.constant 0 : i32
    %dma_wait3A_265 = arith.constant 0 : i32
    %dma_wait3A_266 = tpu.memref_slice %arg2[%dma_wait3A_264, %dma_wait3A_265] : memref<100000x128xf32, #tpu.memory_space<hbm>> -> memref<100000x128xf32, #tpu.memory_space<hbm>>
    tpu.wait_indirect_dma semaphore(%arg20 : memref<!tpu.dma_semaphore, #tpu.memory_space<semaphore_mem>>) src(%dma_wait3A_266 : memref<100000x128xf32, #tpu.memory_space<hbm>>) dst(%arg16 : memref<64x128xf32, #tpu.memory_space<vmem>>)
    %dma_start3A_267 = arith.constant 4 : i32
    %dma_start3A_268 = arith.constant 0 : i32
    %dma_start3A_269 = arith.constant 0 : i32
    %dma_start3A_270 = tpu.memref_slice %arg10[%dma_start3A_267, %dma_start3A_268, %dma_start3A_269] : memref<7x2048x128xf32, #tpu.memory_space<hbm>> -> memref<1x2048x128xf32, #tpu.memory_space<hbm>>
    %dma_start3A_271 = tpu.memref_squeeze %dma_start3A_270 : memref<1x2048x128xf32, #tpu.memory_space<hbm>> -> memref<2048x128xf32, #tpu.memory_space<hbm>>
    %dma_start3A_272 = arith.constant 0 : i32
    %dma_start3A_273 = tpu.memref_slice %dma_start3A_271[%mul3A_2, %dma_start3A_272] : memref<2048x128xf32, #tpu.memory_space<hbm>> -> memref<64x128xf32, #tpu.memory_space<hbm>>
    %dma_start3A_274 = arith.constant 0 : i32
    %dma_start3A_275 = arith.constant 0 : i32
    %dma_start3A_276 = tpu.memref_slice %arg10[%dma_start3A_267, %dma_start3A_274, %dma_start3A_275] : memref<7x2048x128xf32, #tpu.memory_space<hbm>> -> memref<1x2048x128xf32, #tpu.memory_space<hbm>>
    %dma_start3A_277 = tpu.memref_squeeze %dma_start3A_276 : memref<1x2048x128xf32, #tpu.memory_space<hbm>> -> memref<2048x128xf32, #tpu.memory_space<hbm>>
    %dma_start3A_278 = arith.constant 0 : i32
    %dma_start3A_279 = tpu.memref_slice %dma_start3A_277[%mul3A_2, %dma_start3A_278] : memref<2048x128xf32, #tpu.memory_space<hbm>> -> memref<64x128xf32, #tpu.memory_space<hbm>>
    tpu.enqueue_dma source(%arg16 : memref<64x128xf32, #tpu.memory_space<vmem>>) target(%dma_start3A_279 : memref<64x128xf32, #tpu.memory_space<hbm>>) target_semaphore(%arg21 : memref<!tpu.dma_semaphore, #tpu.memory_space<semaphore_mem>>)
    %dma_wait3A_280 = arith.constant 5 : i32
    %dma_wait3A_281 = arith.constant 0 : i32
    %dma_wait3A_282 = tpu.memref_slice %arg11[%dma_wait3A_280, %dma_wait3A_281] : memref<7x64xi32, #tpu.memory_space<vmem>> -> memref<1x64xi32, #tpu.memory_space<vmem>>
    %dma_wait3A_283 = tpu.memref_squeeze %dma_wait3A_282 : memref<1x64xi32, #tpu.memory_space<vmem>> -> memref<64xi32, #tpu.memory_space<vmem>>
    %dma_wait3A_284 = arith.constant 0 : i32
    %dma_wait3A_285 = arith.constant 0 : i32
    %dma_wait3A_286 = tpu.memref_slice %arg2[%dma_wait3A_284, %dma_wait3A_285] : memref<100000x128xf32, #tpu.memory_space<hbm>> -> memref<100000x128xf32, #tpu.memory_space<hbm>>
    tpu.wait_indirect_dma semaphore(%arg20 : memref<!tpu.dma_semaphore, #tpu.memory_space<semaphore_mem>>) src(%dma_wait3A_286 : memref<100000x128xf32, #tpu.memory_space<hbm>>) dst(%arg17 : memref<64x128xf32, #tpu.memory_space<vmem>>)
    %dma_start3A_287 = arith.constant 5 : i32
    %dma_start3A_288 = arith.constant 0 : i32
    %dma_start3A_289 = arith.constant 0 : i32
    %dma_start3A_290 = tpu.memref_slice %arg10[%dma_start3A_287, %dma_start3A_288, %dma_start3A_289] : memref<7x2048x128xf32, #tpu.memory_space<hbm>> -> memref<1x2048x128xf32, #tpu.memory_space<hbm>>
    %dma_start3A_291 = tpu.memref_squeeze %dma_start3A_290 : memref<1x2048x128xf32, #tpu.memory_space<hbm>> -> memref<2048x128xf32, #tpu.memory_space<hbm>>
    %dma_start3A_292 = arith.constant 0 : i32
    %dma_start3A_293 = tpu.memref_slice %dma_start3A_291[%mul3A_2, %dma_start3A_292] : memref<2048x128xf32, #tpu.memory_space<hbm>> -> memref<64x128xf32, #tpu.memory_space<hbm>>
    %dma_start3A_294 = arith.constant 0 : i32
    %dma_start3A_295 = arith.constant 0 : i32
    %dma_start3A_296 = tpu.memref_slice %arg10[%dma_start3A_287, %dma_start3A_294, %dma_start3A_295] : memref<7x2048x128xf32, #tpu.memory_space<hbm>> -> memref<1x2048x128xf32, #tpu.memory_space<hbm>>
    %dma_start3A_297 = tpu.memref_squeeze %dma_start3A_296 : memref<1x2048x128xf32, #tpu.memory_space<hbm>> -> memref<2048x128xf32, #tpu.memory_space<hbm>>
    %dma_start3A_298 = arith.constant 0 : i32
    %dma_start3A_299 = tpu.memref_slice %dma_start3A_297[%mul3A_2, %dma_start3A_298] : memref<2048x128xf32, #tpu.memory_space<hbm>> -> memref<64x128xf32, #tpu.memory_space<hbm>>
    tpu.enqueue_dma source(%arg17 : memref<64x128xf32, #tpu.memory_space<vmem>>) target(%dma_start3A_299 : memref<64x128xf32, #tpu.memory_space<hbm>>) target_semaphore(%arg21 : memref<!tpu.dma_semaphore, #tpu.memory_space<semaphore_mem>>)
    %dma_wait3A_300 = arith.constant 6 : i32
    %dma_wait3A_301 = arith.constant 0 : i32
    %dma_wait3A_302 = tpu.memref_slice %arg11[%dma_wait3A_300, %dma_wait3A_301] : memref<7x64xi32, #tpu.memory_space<vmem>> -> memref<1x64xi32, #tpu.memory_space<vmem>>
    %dma_wait3A_303 = tpu.memref_squeeze %dma_wait3A_302 : memref<1x64xi32, #tpu.memory_space<vmem>> -> memref<64xi32, #tpu.memory_space<vmem>>
    %dma_wait3A_304 = arith.constant 0 : i32
    %dma_wait3A_305 = arith.constant 0 : i32
    %dma_wait3A_306 = tpu.memref_slice %arg2[%dma_wait3A_304, %dma_wait3A_305] : memref<100000x128xf32, #tpu.memory_space<hbm>> -> memref<100000x128xf32, #tpu.memory_space<hbm>>
    tpu.wait_indirect_dma semaphore(%arg20 : memref<!tpu.dma_semaphore, #tpu.memory_space<semaphore_mem>>) src(%dma_wait3A_306 : memref<100000x128xf32, #tpu.memory_space<hbm>>) dst(%arg18 : memref<64x128xf32, #tpu.memory_space<vmem>>)
    %dma_start3A_307 = arith.constant 6 : i32
    %dma_start3A_308 = arith.constant 0 : i32
    %dma_start3A_309 = arith.constant 0 : i32
    %dma_start3A_310 = tpu.memref_slice %arg10[%dma_start3A_307, %dma_start3A_308, %dma_start3A_309] : memref<7x2048x128xf32, #tpu.memory_space<hbm>> -> memref<1x2048x128xf32, #tpu.memory_space<hbm>>
    %dma_start3A_311 = tpu.memref_squeeze %dma_start3A_310 : memref<1x2048x128xf32, #tpu.memory_space<hbm>> -> memref<2048x128xf32, #tpu.memory_space<hbm>>
    %dma_start3A_312 = arith.constant 0 : i32
    %dma_start3A_313 = tpu.memref_slice %dma_start3A_311[%mul3A_2, %dma_start3A_312] : memref<2048x128xf32, #tpu.memory_space<hbm>> -> memref<64x128xf32, #tpu.memory_space<hbm>>
    %dma_start3A_314 = arith.constant 0 : i32
    %dma_start3A_315 = arith.constant 0 : i32
    %dma_start3A_316 = tpu.memref_slice %arg10[%dma_start3A_307, %dma_start3A_314, %dma_start3A_315] : memref<7x2048x128xf32, #tpu.memory_space<hbm>> -> memref<1x2048x128xf32, #tpu.memory_space<hbm>>
    %dma_start3A_317 = tpu.memref_squeeze %dma_start3A_316 : memref<1x2048x128xf32, #tpu.memory_space<hbm>> -> memref<2048x128xf32, #tpu.memory_space<hbm>>
    %dma_start3A_318 = arith.constant 0 : i32
    %dma_start3A_319 = tpu.memref_slice %dma_start3A_317[%mul3A_2, %dma_start3A_318] : memref<2048x128xf32, #tpu.memory_space<hbm>> -> memref<64x128xf32, #tpu.memory_space<hbm>>
    tpu.enqueue_dma source(%arg18 : memref<64x128xf32, #tpu.memory_space<vmem>>) target(%dma_start3A_319 : memref<64x128xf32, #tpu.memory_space<hbm>>) target_semaphore(%arg21 : memref<!tpu.dma_semaphore, #tpu.memory_space<semaphore_mem>>)
    %dma_wait3A_320 = arith.constant 0 : i32
    %dma_wait3A_321 = arith.constant 0 : i32
    %dma_wait3A_322 = arith.constant 0 : i32
    %dma_wait3A_323 = tpu.memref_slice %arg10[%dma_wait3A_320, %dma_wait3A_321, %dma_wait3A_322] : memref<7x2048x128xf32, #tpu.memory_space<hbm>> -> memref<1x2048x128xf32, #tpu.memory_space<hbm>>
    %dma_wait3A_324 = tpu.memref_squeeze %dma_wait3A_323 : memref<1x2048x128xf32, #tpu.memory_space<hbm>> -> memref<2048x128xf32, #tpu.memory_space<hbm>>
    %dma_wait3A_325 = arith.constant 0 : i32
    %dma_wait3A_326 = tpu.memref_slice %dma_wait3A_324[%mul3A_2, %dma_wait3A_325] : memref<2048x128xf32, #tpu.memory_space<hbm>> -> memref<64x128xf32, #tpu.memory_space<hbm>>
    %dma_wait3A_327 = arith.constant 0 : i32
    %dma_wait3A_328 = arith.constant 0 : i32
    %dma_wait3A_329 = tpu.memref_slice %arg10[%dma_wait3A_320, %dma_wait3A_327, %dma_wait3A_328] : memref<7x2048x128xf32, #tpu.memory_space<hbm>> -> memref<1x2048x128xf32, #tpu.memory_space<hbm>>
    %dma_wait3A_330 = tpu.memref_squeeze %dma_wait3A_329 : memref<1x2048x128xf32, #tpu.memory_space<hbm>> -> memref<2048x128xf32, #tpu.memory_space<hbm>>
    %dma_wait3A_331 = arith.constant 0 : i32
    %dma_wait3A_332 = tpu.memref_slice %dma_wait3A_330[%mul3A_2, %dma_wait3A_331] : memref<2048x128xf32, #tpu.memory_space<hbm>> -> memref<64x128xf32, #tpu.memory_space<hbm>>
    tpu.wait_dma2 semaphore(%arg21 : memref<!tpu.dma_semaphore, #tpu.memory_space<semaphore_mem>>) src(%arg12 : memref<64x128xf32, #tpu.memory_space<vmem>>) dst(%dma_wait3A_332 : memref<64x128xf32, #tpu.memory_space<hbm>>)
    %dma_wait3A_333 = arith.constant 1 : i32
    %dma_wait3A_334 = arith.constant 0 : i32
    %dma_wait3A_335 = arith.constant 0 : i32
    %dma_wait3A_336 = tpu.memref_slice %arg10[%dma_wait3A_333, %dma_wait3A_334, %dma_wait3A_335] : memref<7x2048x128xf32, #tpu.memory_space<hbm>> -> memref<1x2048x128xf32, #tpu.memory_space<hbm>>
    %dma_wait3A_337 = tpu.memref_squeeze %dma_wait3A_336 : memref<1x2048x128xf32, #tpu.memory_space<hbm>> -> memref<2048x128xf32, #tpu.memory_space<hbm>>
    %dma_wait3A_338 = arith.constant 0 : i32
    %dma_wait3A_339 = tpu.memref_slice %dma_wait3A_337[%mul3A_2, %dma_wait3A_338] : memref<2048x128xf32, #tpu.memory_space<hbm>> -> memref<64x128xf32, #tpu.memory_space<hbm>>
    %dma_wait3A_340 = arith.constant 0 : i32
    %dma_wait3A_341 = arith.constant 0 : i32
    %dma_wait3A_342 = tpu.memref_slice %arg10[%dma_wait3A_333, %dma_wait3A_340, %dma_wait3A_341] : memref<7x2048x128xf32, #tpu.memory_space<hbm>> -> memref<1x2048x128xf32, #tpu.memory_space<hbm>>
    %dma_wait3A_343 = tpu.memref_squeeze %dma_wait3A_342 : memref<1x2048x128xf32, #tpu.memory_space<hbm>> -> memref<2048x128xf32, #tpu.memory_space<hbm>>
    %dma_wait3A_344 = arith.constant 0 : i32
    %dma_wait3A_345 = tpu.memref_slice %dma_wait3A_343[%mul3A_2, %dma_wait3A_344] : memref<2048x128xf32, #tpu.memory_space<hbm>> -> memref<64x128xf32, #tpu.memory_space<hbm>>
    tpu.wait_dma2 semaphore(%arg21 : memref<!tpu.dma_semaphore, #tpu.memory_space<semaphore_mem>>) src(%arg13 : memref<64x128xf32, #tpu.memory_space<vmem>>) dst(%dma_wait3A_345 : memref<64x128xf32, #tpu.memory_space<hbm>>)
    %dma_wait3A_346 = arith.constant 2 : i32
    %dma_wait3A_347 = arith.constant 0 : i32
    %dma_wait3A_348 = arith.constant 0 : i32
    %dma_wait3A_349 = tpu.memref_slice %arg10[%dma_wait3A_346, %dma_wait3A_347, %dma_wait3A_348] : memref<7x2048x128xf32, #tpu.memory_space<hbm>> -> memref<1x2048x128xf32, #tpu.memory_space<hbm>>
    %dma_wait3A_350 = tpu.memref_squeeze %dma_wait3A_349 : memref<1x2048x128xf32, #tpu.memory_space<hbm>> -> memref<2048x128xf32, #tpu.memory_space<hbm>>
    %dma_wait3A_351 = arith.constant 0 : i32
    %dma_wait3A_352 = tpu.memref_slice %dma_wait3A_350[%mul3A_2, %dma_wait3A_351] : memref<2048x128xf32, #tpu.memory_space<hbm>> -> memref<64x128xf32, #tpu.memory_space<hbm>>
    %dma_wait3A_353 = arith.constant 0 : i32
    %dma_wait3A_354 = arith.constant 0 : i32
    %dma_wait3A_355 = tpu.memref_slice %arg10[%dma_wait3A_346, %dma_wait3A_353, %dma_wait3A_354] : memref<7x2048x128xf32, #tpu.memory_space<hbm>> -> memref<1x2048x128xf32, #tpu.memory_space<hbm>>
    %dma_wait3A_356 = tpu.memref_squeeze %dma_wait3A_355 : memref<1x2048x128xf32, #tpu.memory_space<hbm>> -> memref<2048x128xf32, #tpu.memory_space<hbm>>
    %dma_wait3A_357 = arith.constant 0 : i32
    %dma_wait3A_358 = tpu.memref_slice %dma_wait3A_356[%mul3A_2, %dma_wait3A_357] : memref<2048x128xf32, #tpu.memory_space<hbm>> -> memref<64x128xf32, #tpu.memory_space<hbm>>
    tpu.wait_dma2 semaphore(%arg21 : memref<!tpu.dma_semaphore, #tpu.memory_space<semaphore_mem>>) src(%arg14 : memref<64x128xf32, #tpu.memory_space<vmem>>) dst(%dma_wait3A_358 : memref<64x128xf32, #tpu.memory_space<hbm>>)
    %dma_wait3A_359 = arith.constant 3 : i32
    %dma_wait3A_360 = arith.constant 0 : i32
    %dma_wait3A_361 = arith.constant 0 : i32
    %dma_wait3A_362 = tpu.memref_slice %arg10[%dma_wait3A_359, %dma_wait3A_360, %dma_wait3A_361] : memref<7x2048x128xf32, #tpu.memory_space<hbm>> -> memref<1x2048x128xf32, #tpu.memory_space<hbm>>
    %dma_wait3A_363 = tpu.memref_squeeze %dma_wait3A_362 : memref<1x2048x128xf32, #tpu.memory_space<hbm>> -> memref<2048x128xf32, #tpu.memory_space<hbm>>
    %dma_wait3A_364 = arith.constant 0 : i32
    %dma_wait3A_365 = tpu.memref_slice %dma_wait3A_363[%mul3A_2, %dma_wait3A_364] : memref<2048x128xf32, #tpu.memory_space<hbm>> -> memref<64x128xf32, #tpu.memory_space<hbm>>
    %dma_wait3A_366 = arith.constant 0 : i32
    %dma_wait3A_367 = arith.constant 0 : i32
    %dma_wait3A_368 = tpu.memref_slice %arg10[%dma_wait3A_359, %dma_wait3A_366, %dma_wait3A_367] : memref<7x2048x128xf32, #tpu.memory_space<hbm>> -> memref<1x2048x128xf32, #tpu.memory_space<hbm>>
    %dma_wait3A_369 = tpu.memref_squeeze %dma_wait3A_368 : memref<1x2048x128xf32, #tpu.memory_space<hbm>> -> memref<2048x128xf32, #tpu.memory_space<hbm>>
    %dma_wait3A_370 = arith.constant 0 : i32
    %dma_wait3A_371 = tpu.memref_slice %dma_wait3A_369[%mul3A_2, %dma_wait3A_370] : memref<2048x128xf32, #tpu.memory_space<hbm>> -> memref<64x128xf32, #tpu.memory_space<hbm>>
    tpu.wait_dma2 semaphore(%arg21 : memref<!tpu.dma_semaphore, #tpu.memory_space<semaphore_mem>>) src(%arg15 : memref<64x128xf32, #tpu.memory_space<vmem>>) dst(%dma_wait3A_371 : memref<64x128xf32, #tpu.memory_space<hbm>>)
    %dma_wait3A_372 = arith.constant 4 : i32
    %dma_wait3A_373 = arith.constant 0 : i32
    %dma_wait3A_374 = arith.constant 0 : i32
    %dma_wait3A_375 = tpu.memref_slice %arg10[%dma_wait3A_372, %dma_wait3A_373, %dma_wait3A_374] : memref<7x2048x128xf32, #tpu.memory_space<hbm>> -> memref<1x2048x128xf32, #tpu.memory_space<hbm>>
    %dma_wait3A_376 = tpu.memref_squeeze %dma_wait3A_375 : memref<1x2048x128xf32, #tpu.memory_space<hbm>> -> memref<2048x128xf32, #tpu.memory_space<hbm>>
    %dma_wait3A_377 = arith.constant 0 : i32
    %dma_wait3A_378 = tpu.memref_slice %dma_wait3A_376[%mul3A_2, %dma_wait3A_377] : memref<2048x128xf32, #tpu.memory_space<hbm>> -> memref<64x128xf32, #tpu.memory_space<hbm>>
    %dma_wait3A_379 = arith.constant 0 : i32
    %dma_wait3A_380 = arith.constant 0 : i32
    %dma_wait3A_381 = tpu.memref_slice %arg10[%dma_wait3A_372, %dma_wait3A_379, %dma_wait3A_380] : memref<7x2048x128xf32, #tpu.memory_space<hbm>> -> memref<1x2048x128xf32, #tpu.memory_space<hbm>>
    %dma_wait3A_382 = tpu.memref_squeeze %dma_wait3A_381 : memref<1x2048x128xf32, #tpu.memory_space<hbm>> -> memref<2048x128xf32, #tpu.memory_space<hbm>>
    %dma_wait3A_383 = arith.constant 0 : i32
    %dma_wait3A_384 = tpu.memref_slice %dma_wait3A_382[%mul3A_2, %dma_wait3A_383] : memref<2048x128xf32, #tpu.memory_space<hbm>> -> memref<64x128xf32, #tpu.memory_space<hbm>>
    tpu.wait_dma2 semaphore(%arg21 : memref<!tpu.dma_semaphore, #tpu.memory_space<semaphore_mem>>) src(%arg16 : memref<64x128xf32, #tpu.memory_space<vmem>>) dst(%dma_wait3A_384 : memref<64x128xf32, #tpu.memory_space<hbm>>)
    %dma_wait3A_385 = arith.constant 5 : i32
    %dma_wait3A_386 = arith.constant 0 : i32
    %dma_wait3A_387 = arith.constant 0 : i32
    %dma_wait3A_388 = tpu.memref_slice %arg10[%dma_wait3A_385, %dma_wait3A_386, %dma_wait3A_387] : memref<7x2048x128xf32, #tpu.memory_space<hbm>> -> memref<1x2048x128xf32, #tpu.memory_space<hbm>>
    %dma_wait3A_389 = tpu.memref_squeeze %dma_wait3A_388 : memref<1x2048x128xf32, #tpu.memory_space<hbm>> -> memref<2048x128xf32, #tpu.memory_space<hbm>>
    %dma_wait3A_390 = arith.constant 0 : i32
    %dma_wait3A_391 = tpu.memref_slice %dma_wait3A_389[%mul3A_2, %dma_wait3A_390] : memref<2048x128xf32, #tpu.memory_space<hbm>> -> memref<64x128xf32, #tpu.memory_space<hbm>>
    %dma_wait3A_392 = arith.constant 0 : i32
    %dma_wait3A_393 = arith.constant 0 : i32
    %dma_wait3A_394 = tpu.memref_slice %arg10[%dma_wait3A_385, %dma_wait3A_392, %dma_wait3A_393] : memref<7x2048x128xf32, #tpu.memory_space<hbm>> -> memref<1x2048x128xf32, #tpu.memory_space<hbm>>
    %dma_wait3A_395 = tpu.memref_squeeze %dma_wait3A_394 : memref<1x2048x128xf32, #tpu.memory_space<hbm>> -> memref<2048x128xf32, #tpu.memory_space<hbm>>
    %dma_wait3A_396 = arith.constant 0 : i32
    %dma_wait3A_397 = tpu.memref_slice %dma_wait3A_395[%mul3A_2, %dma_wait3A_396] : memref<2048x128xf32, #tpu.memory_space<hbm>> -> memref<64x128xf32, #tpu.memory_space<hbm>>
    tpu.wait_dma2 semaphore(%arg21 : memref<!tpu.dma_semaphore, #tpu.memory_space<semaphore_mem>>) src(%arg17 : memref<64x128xf32, #tpu.memory_space<vmem>>) dst(%dma_wait3A_397 : memref<64x128xf32, #tpu.memory_space<hbm>>)
    %dma_wait3A_398 = arith.constant 6 : i32
    %dma_wait3A_399 = arith.constant 0 : i32
    %dma_wait3A_400 = arith.constant 0 : i32
    %dma_wait3A_401 = tpu.memref_slice %arg10[%dma_wait3A_398, %dma_wait3A_399, %dma_wait3A_400] : memref<7x2048x128xf32, #tpu.memory_space<hbm>> -> memref<1x2048x128xf32, #tpu.memory_space<hbm>>
    %dma_wait3A_402 = tpu.memref_squeeze %dma_wait3A_401 : memref<1x2048x128xf32, #tpu.memory_space<hbm>> -> memref<2048x128xf32, #tpu.memory_space<hbm>>
    %dma_wait3A_403 = arith.constant 0 : i32
    %dma_wait3A_404 = tpu.memref_slice %dma_wait3A_402[%mul3A_2, %dma_wait3A_403] : memref<2048x128xf32, #tpu.memory_space<hbm>> -> memref<64x128xf32, #tpu.memory_space<hbm>>
    %dma_wait3A_405 = arith.constant 0 : i32
    %dma_wait3A_406 = arith.constant 0 : i32
    %dma_wait3A_407 = tpu.memref_slice %arg10[%dma_wait3A_398, %dma_wait3A_405, %dma_wait3A_406] : memref<7x2048x128xf32, #tpu.memory_space<hbm>> -> memref<1x2048x128xf32, #tpu.memory_space<hbm>>
    %dma_wait3A_408 = tpu.memref_squeeze %dma_wait3A_407 : memref<1x2048x128xf32, #tpu.memory_space<hbm>> -> memref<2048x128xf32, #tpu.memory_space<hbm>>
    %dma_wait3A_409 = arith.constant 0 : i32
    %dma_wait3A_410 = tpu.memref_slice %dma_wait3A_408[%mul3A_2, %dma_wait3A_409] : memref<2048x128xf32, #tpu.memory_space<hbm>> -> memref<64x128xf32, #tpu.memory_space<hbm>>
    tpu.wait_dma2 semaphore(%arg21 : memref<!tpu.dma_semaphore, #tpu.memory_space<semaphore_mem>>) src(%arg18 : memref<64x128xf32, #tpu.memory_space<vmem>>) dst(%dma_wait3A_410 : memref<64x128xf32, #tpu.memory_space<hbm>>)
    return
  }
}

#map = affine_map<(d0, d1) -> (0, 0)>
#map1 = affine_map<(d0, d1) -> (0)>
#map2 = affine_map<(d0, d1) -> (0, 0, 0)>
module attributes {stable_mosaic.version = 14 : i64} {
  func.func @gather_kernel(%arg0: i32, %arg1: i32, %arg2: memref<100000x128xf32, #tpu.memory_space<hbm>>, %arg3: memref<4096xi32, #tpu.memory_space<hbm>>, %arg4: memref<4096xi32, #tpu.memory_space<hbm>>, %arg5: memref<4096xi32, #tpu.memory_space<hbm>>, %arg6: memref<4096xi32, #tpu.memory_space<hbm>>, %arg7: memref<4096xi32, #tpu.memory_space<hbm>>, %arg8: memref<4096xi32, #tpu.memory_space<hbm>>, %arg9: memref<4096xi32, #tpu.memory_space<hbm>>, %arg10: memref<7x2048x128xf32, #tpu.memory_space<hbm>>, %arg11: memref<7x64xi32, #tpu.memory_space<vmem>>, %arg12: memref<64x128xf32, #tpu.memory_space<vmem>>, %arg13: memref<64x128xf32, #tpu.memory_space<vmem>>, %arg14: memref<64x128xf32, #tpu.memory_space<vmem>>, %arg15: memref<64x128xf32, #tpu.memory_space<vmem>>, %arg16: memref<64x128xf32, #tpu.memory_space<vmem>>, %arg17: memref<64x128xf32, #tpu.memory_space<vmem>>, %arg18: memref<64x128xf32, #tpu.memory_space<vmem>>, %arg19: memref<!tpu.dma_semaphore, #tpu.memory_space<semaphore_mem>>, %arg20: memref<!tpu.dma_semaphore, #tpu.memory_space<semaphore_mem>>, %arg21: memref<!tpu.dma_semaphore, #tpu.memory_space<semaphore_mem>>) attributes {dimension_semantics = [#tpu.dimension_semantics<core_parallel>, #tpu.dimension_semantics<subcore_parallel>], iteration_bounds = array<i64: 2, 16>, scalar_prefetch = 0 : i64, scratch_operands = 11 : i64, tpu.core_type = #tpu.core_type<sc_vector_subcore>, window_params = [{transform_indices = #map}, {transform_indices = #map1}, {transform_indices = #map1}, {transform_indices = #map1}, {transform_indices = #map1}, {transform_indices = #map1}, {transform_indices = #map1}, {transform_indices = #map1}, {transform_indices = #map2}]} {
    %mul3A = arith.constant 2 : i32
    %mul3A_0 = arith.muli %arg1, %mul3A : i32
    %add3A = arith.addi %mul3A_0, %arg0 : i32
    %mul3A_1 = arith.constant 64 : i32
    %mul3A_2 = arith.muli %add3A, %mul3A_1 : i32
    %mul3A_3 = arith.constant 64 : i32
    %mul3A_4 = arith.muli %add3A, %mul3A_3 : i32
    %add3A_5 = arith.constant 2048 : i32
    %add3A_6 = arith.addi %add3A_5, %mul3A_4 : i32
    %dma_start3A = arith.constant 0 : i32
    %dma_start3A_7 = arith.constant 0 : i32
    %dma_start3A_8 = tpu.memref_slice %arg11[%dma_start3A, %dma_start3A_7] : memref<7x64xi32, #tpu.memory_space<vmem>> -> memref<1x64xi32, #tpu.memory_space<vmem>>
    %dma_start3A_9 = tpu.memref_squeeze %dma_start3A_8 : memref<1x64xi32, #tpu.memory_space<vmem>> -> memref<64xi32, #tpu.memory_space<vmem>>
    %dma_start3A_10 = tpu.memref_slice %arg3[%add3A_6] : memref<4096xi32, #tpu.memory_space<hbm>> -> memref<64xi32, #tpu.memory_space<hbm>>
    %dma_start3A_11 = arith.constant 0 : i32
    %dma_start3A_12 = tpu.memref_slice %arg11[%dma_start3A, %dma_start3A_11] : memref<7x64xi32, #tpu.memory_space<vmem>> -> memref<1x64xi32, #tpu.memory_space<vmem>>
    %dma_start3A_13 = tpu.memref_squeeze %dma_start3A_12 : memref<1x64xi32, #tpu.memory_space<vmem>> -> memref<64xi32, #tpu.memory_space<vmem>>
    %dma_start3A_14 = tpu.memref_slice %arg3[%add3A_6] : memref<4096xi32, #tpu.memory_space<hbm>> -> memref<64xi32, #tpu.memory_space<hbm>>
    tpu.enqueue_dma source(%dma_start3A_14 : memref<64xi32, #tpu.memory_space<hbm>>) target(%dma_start3A_13 : memref<64xi32, #tpu.memory_space<vmem>>) target_semaphore(%arg19 : memref<!tpu.dma_semaphore, #tpu.memory_space<semaphore_mem>>)
    %dma_start3A_15 = arith.constant 1 : i32
    %dma_start3A_16 = arith.constant 0 : i32
    %dma_start3A_17 = tpu.memref_slice %arg11[%dma_start3A_15, %dma_start3A_16] : memref<7x64xi32, #tpu.memory_space<vmem>> -> memref<1x64xi32, #tpu.memory_space<vmem>>
    %dma_start3A_18 = tpu.memref_squeeze %dma_start3A_17 : memref<1x64xi32, #tpu.memory_space<vmem>> -> memref<64xi32, #tpu.memory_space<vmem>>
    %dma_start3A_19 = tpu.memref_slice %arg4[%add3A_6] : memref<4096xi32, #tpu.memory_space<hbm>> -> memref<64xi32, #tpu.memory_space<hbm>>
    %dma_start3A_20 = arith.constant 0 : i32
    %dma_start3A_21 = tpu.memref_slice %arg11[%dma_start3A_15, %dma_start3A_20] : memref<7x64xi32, #tpu.memory_space<vmem>> -> memref<1x64xi32, #tpu.memory_space<vmem>>
    %dma_start3A_22 = tpu.memref_squeeze %dma_start3A_21 : memref<1x64xi32, #tpu.memory_space<vmem>> -> memref<64xi32, #tpu.memory_space<vmem>>
    %dma_start3A_23 = tpu.memref_slice %arg4[%add3A_6] : memref<4096xi32, #tpu.memory_space<hbm>> -> memref<64xi32, #tpu.memory_space<hbm>>
    tpu.enqueue_dma source(%dma_start3A_23 : memref<64xi32, #tpu.memory_space<hbm>>) target(%dma_start3A_22 : memref<64xi32, #tpu.memory_space<vmem>>) target_semaphore(%arg19 : memref<!tpu.dma_semaphore, #tpu.memory_space<semaphore_mem>>)
    %dma_start3A_24 = arith.constant 2 : i32
    %dma_start3A_25 = arith.constant 0 : i32
    %dma_start3A_26 = tpu.memref_slice %arg11[%dma_start3A_24, %dma_start3A_25] : memref<7x64xi32, #tpu.memory_space<vmem>> -> memref<1x64xi32, #tpu.memory_space<vmem>>
    %dma_start3A_27 = tpu.memref_squeeze %dma_start3A_26 : memref<1x64xi32, #tpu.memory_space<vmem>> -> memref<64xi32, #tpu.memory_space<vmem>>
    %dma_start3A_28 = tpu.memref_slice %arg5[%add3A_6] : memref<4096xi32, #tpu.memory_space<hbm>> -> memref<64xi32, #tpu.memory_space<hbm>>
    %dma_start3A_29 = arith.constant 0 : i32
    %dma_start3A_30 = tpu.memref_slice %arg11[%dma_start3A_24, %dma_start3A_29] : memref<7x64xi32, #tpu.memory_space<vmem>> -> memref<1x64xi32, #tpu.memory_space<vmem>>
    %dma_start3A_31 = tpu.memref_squeeze %dma_start3A_30 : memref<1x64xi32, #tpu.memory_space<vmem>> -> memref<64xi32, #tpu.memory_space<vmem>>
    %dma_start3A_32 = tpu.memref_slice %arg5[%add3A_6] : memref<4096xi32, #tpu.memory_space<hbm>> -> memref<64xi32, #tpu.memory_space<hbm>>
    tpu.enqueue_dma source(%dma_start3A_32 : memref<64xi32, #tpu.memory_space<hbm>>) target(%dma_start3A_31 : memref<64xi32, #tpu.memory_space<vmem>>) target_semaphore(%arg19 : memref<!tpu.dma_semaphore, #tpu.memory_space<semaphore_mem>>)
    %dma_start3A_33 = arith.constant 3 : i32
    %dma_start3A_34 = arith.constant 0 : i32
    %dma_start3A_35 = tpu.memref_slice %arg11[%dma_start3A_33, %dma_start3A_34] : memref<7x64xi32, #tpu.memory_space<vmem>> -> memref<1x64xi32, #tpu.memory_space<vmem>>
    %dma_start3A_36 = tpu.memref_squeeze %dma_start3A_35 : memref<1x64xi32, #tpu.memory_space<vmem>> -> memref<64xi32, #tpu.memory_space<vmem>>
    %dma_start3A_37 = tpu.memref_slice %arg6[%add3A_6] : memref<4096xi32, #tpu.memory_space<hbm>> -> memref<64xi32, #tpu.memory_space<hbm>>
    %dma_start3A_38 = arith.constant 0 : i32
    %dma_start3A_39 = tpu.memref_slice %arg11[%dma_start3A_33, %dma_start3A_38] : memref<7x64xi32, #tpu.memory_space<vmem>> -> memref<1x64xi32, #tpu.memory_space<vmem>>
    %dma_start3A_40 = tpu.memref_squeeze %dma_start3A_39 : memref<1x64xi32, #tpu.memory_space<vmem>> -> memref<64xi32, #tpu.memory_space<vmem>>
    %dma_start3A_41 = tpu.memref_slice %arg6[%add3A_6] : memref<4096xi32, #tpu.memory_space<hbm>> -> memref<64xi32, #tpu.memory_space<hbm>>
    tpu.enqueue_dma source(%dma_start3A_41 : memref<64xi32, #tpu.memory_space<hbm>>) target(%dma_start3A_40 : memref<64xi32, #tpu.memory_space<vmem>>) target_semaphore(%arg19 : memref<!tpu.dma_semaphore, #tpu.memory_space<semaphore_mem>>)
    %dma_start3A_42 = arith.constant 4 : i32
    %dma_start3A_43 = arith.constant 0 : i32
    %dma_start3A_44 = tpu.memref_slice %arg11[%dma_start3A_42, %dma_start3A_43] : memref<7x64xi32, #tpu.memory_space<vmem>> -> memref<1x64xi32, #tpu.memory_space<vmem>>
    %dma_start3A_45 = tpu.memref_squeeze %dma_start3A_44 : memref<1x64xi32, #tpu.memory_space<vmem>> -> memref<64xi32, #tpu.memory_space<vmem>>
    %dma_start3A_46 = tpu.memref_slice %arg7[%add3A_6] : memref<4096xi32, #tpu.memory_space<hbm>> -> memref<64xi32, #tpu.memory_space<hbm>>
    %dma_start3A_47 = arith.constant 0 : i32
    %dma_start3A_48 = tpu.memref_slice %arg11[%dma_start3A_42, %dma_start3A_47] : memref<7x64xi32, #tpu.memory_space<vmem>> -> memref<1x64xi32, #tpu.memory_space<vmem>>
    %dma_start3A_49 = tpu.memref_squeeze %dma_start3A_48 : memref<1x64xi32, #tpu.memory_space<vmem>> -> memref<64xi32, #tpu.memory_space<vmem>>
    %dma_start3A_50 = tpu.memref_slice %arg7[%add3A_6] : memref<4096xi32, #tpu.memory_space<hbm>> -> memref<64xi32, #tpu.memory_space<hbm>>
    tpu.enqueue_dma source(%dma_start3A_50 : memref<64xi32, #tpu.memory_space<hbm>>) target(%dma_start3A_49 : memref<64xi32, #tpu.memory_space<vmem>>) target_semaphore(%arg19 : memref<!tpu.dma_semaphore, #tpu.memory_space<semaphore_mem>>)
    %dma_start3A_51 = arith.constant 5 : i32
    %dma_start3A_52 = arith.constant 0 : i32
    %dma_start3A_53 = tpu.memref_slice %arg11[%dma_start3A_51, %dma_start3A_52] : memref<7x64xi32, #tpu.memory_space<vmem>> -> memref<1x64xi32, #tpu.memory_space<vmem>>
    %dma_start3A_54 = tpu.memref_squeeze %dma_start3A_53 : memref<1x64xi32, #tpu.memory_space<vmem>> -> memref<64xi32, #tpu.memory_space<vmem>>
    %dma_start3A_55 = tpu.memref_slice %arg8[%add3A_6] : memref<4096xi32, #tpu.memory_space<hbm>> -> memref<64xi32, #tpu.memory_space<hbm>>
    %dma_start3A_56 = arith.constant 0 : i32
    %dma_start3A_57 = tpu.memref_slice %arg11[%dma_start3A_51, %dma_start3A_56] : memref<7x64xi32, #tpu.memory_space<vmem>> -> memref<1x64xi32, #tpu.memory_space<vmem>>
    %dma_start3A_58 = tpu.memref_squeeze %dma_start3A_57 : memref<1x64xi32, #tpu.memory_space<vmem>> -> memref<64xi32, #tpu.memory_space<vmem>>
    %dma_start3A_59 = tpu.memref_slice %arg8[%add3A_6] : memref<4096xi32, #tpu.memory_space<hbm>> -> memref<64xi32, #tpu.memory_space<hbm>>
    tpu.enqueue_dma source(%dma_start3A_59 : memref<64xi32, #tpu.memory_space<hbm>>) target(%dma_start3A_58 : memref<64xi32, #tpu.memory_space<vmem>>) target_semaphore(%arg19 : memref<!tpu.dma_semaphore, #tpu.memory_space<semaphore_mem>>)
    %dma_start3A_60 = arith.constant 6 : i32
    %dma_start3A_61 = arith.constant 0 : i32
    %dma_start3A_62 = tpu.memref_slice %arg11[%dma_start3A_60, %dma_start3A_61] : memref<7x64xi32, #tpu.memory_space<vmem>> -> memref<1x64xi32, #tpu.memory_space<vmem>>
    %dma_start3A_63 = tpu.memref_squeeze %dma_start3A_62 : memref<1x64xi32, #tpu.memory_space<vmem>> -> memref<64xi32, #tpu.memory_space<vmem>>
    %dma_start3A_64 = tpu.memref_slice %arg9[%add3A_6] : memref<4096xi32, #tpu.memory_space<hbm>> -> memref<64xi32, #tpu.memory_space<hbm>>
    %dma_start3A_65 = arith.constant 0 : i32
    %dma_start3A_66 = tpu.memref_slice %arg11[%dma_start3A_60, %dma_start3A_65] : memref<7x64xi32, #tpu.memory_space<vmem>> -> memref<1x64xi32, #tpu.memory_space<vmem>>
    %dma_start3A_67 = tpu.memref_squeeze %dma_start3A_66 : memref<1x64xi32, #tpu.memory_space<vmem>> -> memref<64xi32, #tpu.memory_space<vmem>>
    %dma_start3A_68 = tpu.memref_slice %arg9[%add3A_6] : memref<4096xi32, #tpu.memory_space<hbm>> -> memref<64xi32, #tpu.memory_space<hbm>>
    tpu.enqueue_dma source(%dma_start3A_68 : memref<64xi32, #tpu.memory_space<hbm>>) target(%dma_start3A_67 : memref<64xi32, #tpu.memory_space<vmem>>) target_semaphore(%arg19 : memref<!tpu.dma_semaphore, #tpu.memory_space<semaphore_mem>>)
    %dma_wait3A = arith.constant 0 : i32
    %dma_wait3A_69 = arith.constant 0 : i32
    %dma_wait3A_70 = tpu.memref_slice %arg11[%dma_wait3A, %dma_wait3A_69] : memref<7x64xi32, #tpu.memory_space<vmem>> -> memref<1x64xi32, #tpu.memory_space<vmem>>
    %dma_wait3A_71 = tpu.memref_squeeze %dma_wait3A_70 : memref<1x64xi32, #tpu.memory_space<vmem>> -> memref<64xi32, #tpu.memory_space<vmem>>
    %dma_wait3A_72 = tpu.memref_slice %arg3[%add3A_6] : memref<4096xi32, #tpu.memory_space<hbm>> -> memref<64xi32, #tpu.memory_space<hbm>>
    %dma_wait3A_73 = arith.constant 0 : i32
    %dma_wait3A_74 = tpu.memref_slice %arg11[%dma_wait3A, %dma_wait3A_73] : memref<7x64xi32, #tpu.memory_space<vmem>> -> memref<1x64xi32, #tpu.memory_space<vmem>>
    %dma_wait3A_75 = tpu.memref_squeeze %dma_wait3A_74 : memref<1x64xi32, #tpu.memory_space<vmem>> -> memref<64xi32, #tpu.memory_space<vmem>>
    %dma_wait3A_76 = tpu.memref_slice %arg3[%add3A_6] : memref<4096xi32, #tpu.memory_space<hbm>> -> memref<64xi32, #tpu.memory_space<hbm>>
    tpu.wait_dma2 semaphore(%arg19 : memref<!tpu.dma_semaphore, #tpu.memory_space<semaphore_mem>>) src(%dma_wait3A_76 : memref<64xi32, #tpu.memory_space<hbm>>) dst(%dma_wait3A_75 : memref<64xi32, #tpu.memory_space<vmem>>)
    %dma_wait3A_77 = arith.constant 1 : i32
    %dma_wait3A_78 = arith.constant 0 : i32
    %dma_wait3A_79 = tpu.memref_slice %arg11[%dma_wait3A_77, %dma_wait3A_78] : memref<7x64xi32, #tpu.memory_space<vmem>> -> memref<1x64xi32, #tpu.memory_space<vmem>>
    %dma_wait3A_80 = tpu.memref_squeeze %dma_wait3A_79 : memref<1x64xi32, #tpu.memory_space<vmem>> -> memref<64xi32, #tpu.memory_space<vmem>>
    %dma_wait3A_81 = tpu.memref_slice %arg4[%add3A_6] : memref<4096xi32, #tpu.memory_space<hbm>> -> memref<64xi32, #tpu.memory_space<hbm>>
    %dma_wait3A_82 = arith.constant 0 : i32
    %dma_wait3A_83 = tpu.memref_slice %arg11[%dma_wait3A_77, %dma_wait3A_82] : memref<7x64xi32, #tpu.memory_space<vmem>> -> memref<1x64xi32, #tpu.memory_space<vmem>>
    %dma_wait3A_84 = tpu.memref_squeeze %dma_wait3A_83 : memref<1x64xi32, #tpu.memory_space<vmem>> -> memref<64xi32, #tpu.memory_space<vmem>>
    %dma_wait3A_85 = tpu.memref_slice %arg4[%add3A_6] : memref<4096xi32, #tpu.memory_space<hbm>> -> memref<64xi32, #tpu.memory_space<hbm>>
    tpu.wait_dma2 semaphore(%arg19 : memref<!tpu.dma_semaphore, #tpu.memory_space<semaphore_mem>>) src(%dma_wait3A_85 : memref<64xi32, #tpu.memory_space<hbm>>) dst(%dma_wait3A_84 : memref<64xi32, #tpu.memory_space<vmem>>)
    %dma_wait3A_86 = arith.constant 2 : i32
    %dma_wait3A_87 = arith.constant 0 : i32
    %dma_wait3A_88 = tpu.memref_slice %arg11[%dma_wait3A_86, %dma_wait3A_87] : memref<7x64xi32, #tpu.memory_space<vmem>> -> memref<1x64xi32, #tpu.memory_space<vmem>>
    %dma_wait3A_89 = tpu.memref_squeeze %dma_wait3A_88 : memref<1x64xi32, #tpu.memory_space<vmem>> -> memref<64xi32, #tpu.memory_space<vmem>>
    %dma_wait3A_90 = tpu.memref_slice %arg5[%add3A_6] : memref<4096xi32, #tpu.memory_space<hbm>> -> memref<64xi32, #tpu.memory_space<hbm>>
    %dma_wait3A_91 = arith.constant 0 : i32
    %dma_wait3A_92 = tpu.memref_slice %arg11[%dma_wait3A_86, %dma_wait3A_91] : memref<7x64xi32, #tpu.memory_space<vmem>> -> memref<1x64xi32, #tpu.memory_space<vmem>>
    %dma_wait3A_93 = tpu.memref_squeeze %dma_wait3A_92 : memref<1x64xi32, #tpu.memory_space<vmem>> -> memref<64xi32, #tpu.memory_space<vmem>>
    %dma_wait3A_94 = tpu.memref_slice %arg5[%add3A_6] : memref<4096xi32, #tpu.memory_space<hbm>> -> memref<64xi32, #tpu.memory_space<hbm>>
    tpu.wait_dma2 semaphore(%arg19 : memref<!tpu.dma_semaphore, #tpu.memory_space<semaphore_mem>>) src(%dma_wait3A_94 : memref<64xi32, #tpu.memory_space<hbm>>) dst(%dma_wait3A_93 : memref<64xi32, #tpu.memory_space<vmem>>)
    %dma_wait3A_95 = arith.constant 3 : i32
    %dma_wait3A_96 = arith.constant 0 : i32
    %dma_wait3A_97 = tpu.memref_slice %arg11[%dma_wait3A_95, %dma_wait3A_96] : memref<7x64xi32, #tpu.memory_space<vmem>> -> memref<1x64xi32, #tpu.memory_space<vmem>>
    %dma_wait3A_98 = tpu.memref_squeeze %dma_wait3A_97 : memref<1x64xi32, #tpu.memory_space<vmem>> -> memref<64xi32, #tpu.memory_space<vmem>>
    %dma_wait3A_99 = tpu.memref_slice %arg6[%add3A_6] : memref<4096xi32, #tpu.memory_space<hbm>> -> memref<64xi32, #tpu.memory_space<hbm>>
    %dma_wait3A_100 = arith.constant 0 : i32
    %dma_wait3A_101 = tpu.memref_slice %arg11[%dma_wait3A_95, %dma_wait3A_100] : memref<7x64xi32, #tpu.memory_space<vmem>> -> memref<1x64xi32, #tpu.memory_space<vmem>>
    %dma_wait3A_102 = tpu.memref_squeeze %dma_wait3A_101 : memref<1x64xi32, #tpu.memory_space<vmem>> -> memref<64xi32, #tpu.memory_space<vmem>>
    %dma_wait3A_103 = tpu.memref_slice %arg6[%add3A_6] : memref<4096xi32, #tpu.memory_space<hbm>> -> memref<64xi32, #tpu.memory_space<hbm>>
    tpu.wait_dma2 semaphore(%arg19 : memref<!tpu.dma_semaphore, #tpu.memory_space<semaphore_mem>>) src(%dma_wait3A_103 : memref<64xi32, #tpu.memory_space<hbm>>) dst(%dma_wait3A_102 : memref<64xi32, #tpu.memory_space<vmem>>)
    %dma_wait3A_104 = arith.constant 4 : i32
    %dma_wait3A_105 = arith.constant 0 : i32
    %dma_wait3A_106 = tpu.memref_slice %arg11[%dma_wait3A_104, %dma_wait3A_105] : memref<7x64xi32, #tpu.memory_space<vmem>> -> memref<1x64xi32, #tpu.memory_space<vmem>>
    %dma_wait3A_107 = tpu.memref_squeeze %dma_wait3A_106 : memref<1x64xi32, #tpu.memory_space<vmem>> -> memref<64xi32, #tpu.memory_space<vmem>>
    %dma_wait3A_108 = tpu.memref_slice %arg7[%add3A_6] : memref<4096xi32, #tpu.memory_space<hbm>> -> memref<64xi32, #tpu.memory_space<hbm>>
    %dma_wait3A_109 = arith.constant 0 : i32
    %dma_wait3A_110 = tpu.memref_slice %arg11[%dma_wait3A_104, %dma_wait3A_109] : memref<7x64xi32, #tpu.memory_space<vmem>> -> memref<1x64xi32, #tpu.memory_space<vmem>>
    %dma_wait3A_111 = tpu.memref_squeeze %dma_wait3A_110 : memref<1x64xi32, #tpu.memory_space<vmem>> -> memref<64xi32, #tpu.memory_space<vmem>>
    %dma_wait3A_112 = tpu.memref_slice %arg7[%add3A_6] : memref<4096xi32, #tpu.memory_space<hbm>> -> memref<64xi32, #tpu.memory_space<hbm>>
    tpu.wait_dma2 semaphore(%arg19 : memref<!tpu.dma_semaphore, #tpu.memory_space<semaphore_mem>>) src(%dma_wait3A_112 : memref<64xi32, #tpu.memory_space<hbm>>) dst(%dma_wait3A_111 : memref<64xi32, #tpu.memory_space<vmem>>)
    %dma_wait3A_113 = arith.constant 5 : i32
    %dma_wait3A_114 = arith.constant 0 : i32
    %dma_wait3A_115 = tpu.memref_slice %arg11[%dma_wait3A_113, %dma_wait3A_114] : memref<7x64xi32, #tpu.memory_space<vmem>> -> memref<1x64xi32, #tpu.memory_space<vmem>>
    %dma_wait3A_116 = tpu.memref_squeeze %dma_wait3A_115 : memref<1x64xi32, #tpu.memory_space<vmem>> -> memref<64xi32, #tpu.memory_space<vmem>>
    %dma_wait3A_117 = tpu.memref_slice %arg8[%add3A_6] : memref<4096xi32, #tpu.memory_space<hbm>> -> memref<64xi32, #tpu.memory_space<hbm>>
    %dma_wait3A_118 = arith.constant 0 : i32
    %dma_wait3A_119 = tpu.memref_slice %arg11[%dma_wait3A_113, %dma_wait3A_118] : memref<7x64xi32, #tpu.memory_space<vmem>> -> memref<1x64xi32, #tpu.memory_space<vmem>>
    %dma_wait3A_120 = tpu.memref_squeeze %dma_wait3A_119 : memref<1x64xi32, #tpu.memory_space<vmem>> -> memref<64xi32, #tpu.memory_space<vmem>>
    %dma_wait3A_121 = tpu.memref_slice %arg8[%add3A_6] : memref<4096xi32, #tpu.memory_space<hbm>> -> memref<64xi32, #tpu.memory_space<hbm>>
    tpu.wait_dma2 semaphore(%arg19 : memref<!tpu.dma_semaphore, #tpu.memory_space<semaphore_mem>>) src(%dma_wait3A_121 : memref<64xi32, #tpu.memory_space<hbm>>) dst(%dma_wait3A_120 : memref<64xi32, #tpu.memory_space<vmem>>)
    %dma_wait3A_122 = arith.constant 6 : i32
    %dma_wait3A_123 = arith.constant 0 : i32
    %dma_wait3A_124 = tpu.memref_slice %arg11[%dma_wait3A_122, %dma_wait3A_123] : memref<7x64xi32, #tpu.memory_space<vmem>> -> memref<1x64xi32, #tpu.memory_space<vmem>>
    %dma_wait3A_125 = tpu.memref_squeeze %dma_wait3A_124 : memref<1x64xi32, #tpu.memory_space<vmem>> -> memref<64xi32, #tpu.memory_space<vmem>>
    %dma_wait3A_126 = tpu.memref_slice %arg9[%add3A_6] : memref<4096xi32, #tpu.memory_space<hbm>> -> memref<64xi32, #tpu.memory_space<hbm>>
    %dma_wait3A_127 = arith.constant 0 : i32
    %dma_wait3A_128 = tpu.memref_slice %arg11[%dma_wait3A_122, %dma_wait3A_127] : memref<7x64xi32, #tpu.memory_space<vmem>> -> memref<1x64xi32, #tpu.memory_space<vmem>>
    %dma_wait3A_129 = tpu.memref_squeeze %dma_wait3A_128 : memref<1x64xi32, #tpu.memory_space<vmem>> -> memref<64xi32, #tpu.memory_space<vmem>>
    %dma_wait3A_130 = tpu.memref_slice %arg9[%add3A_6] : memref<4096xi32, #tpu.memory_space<hbm>> -> memref<64xi32, #tpu.memory_space<hbm>>
    tpu.wait_dma2 semaphore(%arg19 : memref<!tpu.dma_semaphore, #tpu.memory_space<semaphore_mem>>) src(%dma_wait3A_130 : memref<64xi32, #tpu.memory_space<hbm>>) dst(%dma_wait3A_129 : memref<64xi32, #tpu.memory_space<vmem>>)
    %dma_start3A_131 = arith.constant 0 : i32
    %dma_start3A_132 = arith.constant 0 : i32
    %dma_start3A_133 = tpu.memref_slice %arg11[%dma_start3A_131, %dma_start3A_132] : memref<7x64xi32, #tpu.memory_space<vmem>> -> memref<1x64xi32, #tpu.memory_space<vmem>>
    %dma_start3A_134 = tpu.memref_squeeze %dma_start3A_133 : memref<1x64xi32, #tpu.memory_space<vmem>> -> memref<64xi32, #tpu.memory_space<vmem>>
    %dma_start3A_135 = arith.constant 0 : i32
    %dma_start3A_136 = arith.constant 0 : i32
    %dma_start3A_137 = tpu.memref_slice %arg2[%dma_start3A_135, %dma_start3A_136] : memref<100000x128xf32, #tpu.memory_space<hbm>> -> memref<100000x128xf32, #tpu.memory_space<hbm>>
    tpu.enqueue_indirect_dma source(%dma_start3A_137 : memref<100000x128xf32, #tpu.memory_space<hbm>>) target(%arg12 : memref<64x128xf32, #tpu.memory_space<vmem>>) offsets(%dma_start3A_134 : memref<64xi32, #tpu.memory_space<vmem>>) semaphore(%arg20 : memref<!tpu.dma_semaphore, #tpu.memory_space<semaphore_mem>>)
    %dma_start3A_138 = arith.constant 1 : i32
    %dma_start3A_139 = arith.constant 0 : i32
    %dma_start3A_140 = tpu.memref_slice %arg11[%dma_start3A_138, %dma_start3A_139] : memref<7x64xi32, #tpu.memory_space<vmem>> -> memref<1x64xi32, #tpu.memory_space<vmem>>
    %dma_start3A_141 = tpu.memref_squeeze %dma_start3A_140 : memref<1x64xi32, #tpu.memory_space<vmem>> -> memref<64xi32, #tpu.memory_space<vmem>>
    %dma_start3A_142 = arith.constant 0 : i32
    %dma_start3A_143 = arith.constant 0 : i32
    %dma_start3A_144 = tpu.memref_slice %arg2[%dma_start3A_142, %dma_start3A_143] : memref<100000x128xf32, #tpu.memory_space<hbm>> -> memref<100000x128xf32, #tpu.memory_space<hbm>>
    tpu.enqueue_indirect_dma source(%dma_start3A_144 : memref<100000x128xf32, #tpu.memory_space<hbm>>) target(%arg13 : memref<64x128xf32, #tpu.memory_space<vmem>>) offsets(%dma_start3A_141 : memref<64xi32, #tpu.memory_space<vmem>>) semaphore(%arg20 : memref<!tpu.dma_semaphore, #tpu.memory_space<semaphore_mem>>)
    %dma_start3A_145 = arith.constant 2 : i32
    %dma_start3A_146 = arith.constant 0 : i32
    %dma_start3A_147 = tpu.memref_slice %arg11[%dma_start3A_145, %dma_start3A_146] : memref<7x64xi32, #tpu.memory_space<vmem>> -> memref<1x64xi32, #tpu.memory_space<vmem>>
    %dma_start3A_148 = tpu.memref_squeeze %dma_start3A_147 : memref<1x64xi32, #tpu.memory_space<vmem>> -> memref<64xi32, #tpu.memory_space<vmem>>
    %dma_start3A_149 = arith.constant 0 : i32
    %dma_start3A_150 = arith.constant 0 : i32
    %dma_start3A_151 = tpu.memref_slice %arg2[%dma_start3A_149, %dma_start3A_150] : memref<100000x128xf32, #tpu.memory_space<hbm>> -> memref<100000x128xf32, #tpu.memory_space<hbm>>
    tpu.enqueue_indirect_dma source(%dma_start3A_151 : memref<100000x128xf32, #tpu.memory_space<hbm>>) target(%arg14 : memref<64x128xf32, #tpu.memory_space<vmem>>) offsets(%dma_start3A_148 : memref<64xi32, #tpu.memory_space<vmem>>) semaphore(%arg20 : memref<!tpu.dma_semaphore, #tpu.memory_space<semaphore_mem>>)
    %dma_start3A_152 = arith.constant 3 : i32
    %dma_start3A_153 = arith.constant 0 : i32
    %dma_start3A_154 = tpu.memref_slice %arg11[%dma_start3A_152, %dma_start3A_153] : memref<7x64xi32, #tpu.memory_space<vmem>> -> memref<1x64xi32, #tpu.memory_space<vmem>>
    %dma_start3A_155 = tpu.memref_squeeze %dma_start3A_154 : memref<1x64xi32, #tpu.memory_space<vmem>> -> memref<64xi32, #tpu.memory_space<vmem>>
    %dma_start3A_156 = arith.constant 0 : i32
    %dma_start3A_157 = arith.constant 0 : i32
    %dma_start3A_158 = tpu.memref_slice %arg2[%dma_start3A_156, %dma_start3A_157] : memref<100000x128xf32, #tpu.memory_space<hbm>> -> memref<100000x128xf32, #tpu.memory_space<hbm>>
    tpu.enqueue_indirect_dma source(%dma_start3A_158 : memref<100000x128xf32, #tpu.memory_space<hbm>>) target(%arg15 : memref<64x128xf32, #tpu.memory_space<vmem>>) offsets(%dma_start3A_155 : memref<64xi32, #tpu.memory_space<vmem>>) semaphore(%arg20 : memref<!tpu.dma_semaphore, #tpu.memory_space<semaphore_mem>>)
    %dma_start3A_159 = arith.constant 4 : i32
    %dma_start3A_160 = arith.constant 0 : i32
    %dma_start3A_161 = tpu.memref_slice %arg11[%dma_start3A_159, %dma_start3A_160] : memref<7x64xi32, #tpu.memory_space<vmem>> -> memref<1x64xi32, #tpu.memory_space<vmem>>
    %dma_start3A_162 = tpu.memref_squeeze %dma_start3A_161 : memref<1x64xi32, #tpu.memory_space<vmem>> -> memref<64xi32, #tpu.memory_space<vmem>>
    %dma_start3A_163 = arith.constant 0 : i32
    %dma_start3A_164 = arith.constant 0 : i32
    %dma_start3A_165 = tpu.memref_slice %arg2[%dma_start3A_163, %dma_start3A_164] : memref<100000x128xf32, #tpu.memory_space<hbm>> -> memref<100000x128xf32, #tpu.memory_space<hbm>>
    tpu.enqueue_indirect_dma source(%dma_start3A_165 : memref<100000x128xf32, #tpu.memory_space<hbm>>) target(%arg16 : memref<64x128xf32, #tpu.memory_space<vmem>>) offsets(%dma_start3A_162 : memref<64xi32, #tpu.memory_space<vmem>>) semaphore(%arg20 : memref<!tpu.dma_semaphore, #tpu.memory_space<semaphore_mem>>)
    %dma_start3A_166 = arith.constant 5 : i32
    %dma_start3A_167 = arith.constant 0 : i32
    %dma_start3A_168 = tpu.memref_slice %arg11[%dma_start3A_166, %dma_start3A_167] : memref<7x64xi32, #tpu.memory_space<vmem>> -> memref<1x64xi32, #tpu.memory_space<vmem>>
    %dma_start3A_169 = tpu.memref_squeeze %dma_start3A_168 : memref<1x64xi32, #tpu.memory_space<vmem>> -> memref<64xi32, #tpu.memory_space<vmem>>
    %dma_start3A_170 = arith.constant 0 : i32
    %dma_start3A_171 = arith.constant 0 : i32
    %dma_start3A_172 = tpu.memref_slice %arg2[%dma_start3A_170, %dma_start3A_171] : memref<100000x128xf32, #tpu.memory_space<hbm>> -> memref<100000x128xf32, #tpu.memory_space<hbm>>
    tpu.enqueue_indirect_dma source(%dma_start3A_172 : memref<100000x128xf32, #tpu.memory_space<hbm>>) target(%arg17 : memref<64x128xf32, #tpu.memory_space<vmem>>) offsets(%dma_start3A_169 : memref<64xi32, #tpu.memory_space<vmem>>) semaphore(%arg20 : memref<!tpu.dma_semaphore, #tpu.memory_space<semaphore_mem>>)
    %dma_start3A_173 = arith.constant 6 : i32
    %dma_start3A_174 = arith.constant 0 : i32
    %dma_start3A_175 = tpu.memref_slice %arg11[%dma_start3A_173, %dma_start3A_174] : memref<7x64xi32, #tpu.memory_space<vmem>> -> memref<1x64xi32, #tpu.memory_space<vmem>>
    %dma_start3A_176 = tpu.memref_squeeze %dma_start3A_175 : memref<1x64xi32, #tpu.memory_space<vmem>> -> memref<64xi32, #tpu.memory_space<vmem>>
    %dma_start3A_177 = arith.constant 0 : i32
    %dma_start3A_178 = arith.constant 0 : i32
    %dma_start3A_179 = tpu.memref_slice %arg2[%dma_start3A_177, %dma_start3A_178] : memref<100000x128xf32, #tpu.memory_space<hbm>> -> memref<100000x128xf32, #tpu.memory_space<hbm>>
    tpu.enqueue_indirect_dma source(%dma_start3A_179 : memref<100000x128xf32, #tpu.memory_space<hbm>>) target(%arg18 : memref<64x128xf32, #tpu.memory_space<vmem>>) offsets(%dma_start3A_176 : memref<64xi32, #tpu.memory_space<vmem>>) semaphore(%arg20 : memref<!tpu.dma_semaphore, #tpu.memory_space<semaphore_mem>>)
    %dma_wait3A_180 = arith.constant 0 : i32
    %dma_wait3A_181 = arith.constant 0 : i32
    %dma_wait3A_182 = tpu.memref_slice %arg11[%dma_wait3A_180, %dma_wait3A_181] : memref<7x64xi32, #tpu.memory_space<vmem>> -> memref<1x64xi32, #tpu.memory_space<vmem>>
    %dma_wait3A_183 = tpu.memref_squeeze %dma_wait3A_182 : memref<1x64xi32, #tpu.memory_space<vmem>> -> memref<64xi32, #tpu.memory_space<vmem>>
    %dma_wait3A_184 = arith.constant 0 : i32
    %dma_wait3A_185 = arith.constant 0 : i32
    %dma_wait3A_186 = tpu.memref_slice %arg2[%dma_wait3A_184, %dma_wait3A_185] : memref<100000x128xf32, #tpu.memory_space<hbm>> -> memref<100000x128xf32, #tpu.memory_space<hbm>>
    tpu.wait_indirect_dma semaphore(%arg20 : memref<!tpu.dma_semaphore, #tpu.memory_space<semaphore_mem>>) src(%dma_wait3A_186 : memref<100000x128xf32, #tpu.memory_space<hbm>>) dst(%arg12 : memref<64x128xf32, #tpu.memory_space<vmem>>)
    %dma_start3A_187 = arith.constant 0 : i32
    %dma_start3A_188 = arith.constant 0 : i32
    %dma_start3A_189 = arith.constant 0 : i32
    %dma_start3A_190 = tpu.memref_slice %arg10[%dma_start3A_187, %dma_start3A_188, %dma_start3A_189] : memref<7x2048x128xf32, #tpu.memory_space<hbm>> -> memref<1x2048x128xf32, #tpu.memory_space<hbm>>
    %dma_start3A_191 = tpu.memref_squeeze %dma_start3A_190 : memref<1x2048x128xf32, #tpu.memory_space<hbm>> -> memref<2048x128xf32, #tpu.memory_space<hbm>>
    %dma_start3A_192 = arith.constant 0 : i32
    %dma_start3A_193 = tpu.memref_slice %dma_start3A_191[%mul3A_2, %dma_start3A_192] : memref<2048x128xf32, #tpu.memory_space<hbm>> -> memref<64x128xf32, #tpu.memory_space<hbm>>
    %dma_start3A_194 = arith.constant 0 : i32
    %dma_start3A_195 = arith.constant 0 : i32
    %dma_start3A_196 = tpu.memref_slice %arg10[%dma_start3A_187, %dma_start3A_194, %dma_start3A_195] : memref<7x2048x128xf32, #tpu.memory_space<hbm>> -> memref<1x2048x128xf32, #tpu.memory_space<hbm>>
    %dma_start3A_197 = tpu.memref_squeeze %dma_start3A_196 : memref<1x2048x128xf32, #tpu.memory_space<hbm>> -> memref<2048x128xf32, #tpu.memory_space<hbm>>
    %dma_start3A_198 = arith.constant 0 : i32
    %dma_start3A_199 = tpu.memref_slice %dma_start3A_197[%mul3A_2, %dma_start3A_198] : memref<2048x128xf32, #tpu.memory_space<hbm>> -> memref<64x128xf32, #tpu.memory_space<hbm>>
    tpu.enqueue_dma source(%arg12 : memref<64x128xf32, #tpu.memory_space<vmem>>) target(%dma_start3A_199 : memref<64x128xf32, #tpu.memory_space<hbm>>) target_semaphore(%arg21 : memref<!tpu.dma_semaphore, #tpu.memory_space<semaphore_mem>>)
    %dma_wait3A_200 = arith.constant 1 : i32
    %dma_wait3A_201 = arith.constant 0 : i32
    %dma_wait3A_202 = tpu.memref_slice %arg11[%dma_wait3A_200, %dma_wait3A_201] : memref<7x64xi32, #tpu.memory_space<vmem>> -> memref<1x64xi32, #tpu.memory_space<vmem>>
    %dma_wait3A_203 = tpu.memref_squeeze %dma_wait3A_202 : memref<1x64xi32, #tpu.memory_space<vmem>> -> memref<64xi32, #tpu.memory_space<vmem>>
    %dma_wait3A_204 = arith.constant 0 : i32
    %dma_wait3A_205 = arith.constant 0 : i32
    %dma_wait3A_206 = tpu.memref_slice %arg2[%dma_wait3A_204, %dma_wait3A_205] : memref<100000x128xf32, #tpu.memory_space<hbm>> -> memref<100000x128xf32, #tpu.memory_space<hbm>>
    tpu.wait_indirect_dma semaphore(%arg20 : memref<!tpu.dma_semaphore, #tpu.memory_space<semaphore_mem>>) src(%dma_wait3A_206 : memref<100000x128xf32, #tpu.memory_space<hbm>>) dst(%arg13 : memref<64x128xf32, #tpu.memory_space<vmem>>)
    %dma_start3A_207 = arith.constant 1 : i32
    %dma_start3A_208 = arith.constant 0 : i32
    %dma_start3A_209 = arith.constant 0 : i32
    %dma_start3A_210 = tpu.memref_slice %arg10[%dma_start3A_207, %dma_start3A_208, %dma_start3A_209] : memref<7x2048x128xf32, #tpu.memory_space<hbm>> -> memref<1x2048x128xf32, #tpu.memory_space<hbm>>
    %dma_start3A_211 = tpu.memref_squeeze %dma_start3A_210 : memref<1x2048x128xf32, #tpu.memory_space<hbm>> -> memref<2048x128xf32, #tpu.memory_space<hbm>>
    %dma_start3A_212 = arith.constant 0 : i32
    %dma_start3A_213 = tpu.memref_slice %dma_start3A_211[%mul3A_2, %dma_start3A_212] : memref<2048x128xf32, #tpu.memory_space<hbm>> -> memref<64x128xf32, #tpu.memory_space<hbm>>
    %dma_start3A_214 = arith.constant 0 : i32
    %dma_start3A_215 = arith.constant 0 : i32
    %dma_start3A_216 = tpu.memref_slice %arg10[%dma_start3A_207, %dma_start3A_214, %dma_start3A_215] : memref<7x2048x128xf32, #tpu.memory_space<hbm>> -> memref<1x2048x128xf32, #tpu.memory_space<hbm>>
    %dma_start3A_217 = tpu.memref_squeeze %dma_start3A_216 : memref<1x2048x128xf32, #tpu.memory_space<hbm>> -> memref<2048x128xf32, #tpu.memory_space<hbm>>
    %dma_start3A_218 = arith.constant 0 : i32
    %dma_start3A_219 = tpu.memref_slice %dma_start3A_217[%mul3A_2, %dma_start3A_218] : memref<2048x128xf32, #tpu.memory_space<hbm>> -> memref<64x128xf32, #tpu.memory_space<hbm>>
    tpu.enqueue_dma source(%arg13 : memref<64x128xf32, #tpu.memory_space<vmem>>) target(%dma_start3A_219 : memref<64x128xf32, #tpu.memory_space<hbm>>) target_semaphore(%arg21 : memref<!tpu.dma_semaphore, #tpu.memory_space<semaphore_mem>>)
    %dma_wait3A_220 = arith.constant 2 : i32
    %dma_wait3A_221 = arith.constant 0 : i32
    %dma_wait3A_222 = tpu.memref_slice %arg11[%dma_wait3A_220, %dma_wait3A_221] : memref<7x64xi32, #tpu.memory_space<vmem>> -> memref<1x64xi32, #tpu.memory_space<vmem>>
    %dma_wait3A_223 = tpu.memref_squeeze %dma_wait3A_222 : memref<1x64xi32, #tpu.memory_space<vmem>> -> memref<64xi32, #tpu.memory_space<vmem>>
    %dma_wait3A_224 = arith.constant 0 : i32
    %dma_wait3A_225 = arith.constant 0 : i32
    %dma_wait3A_226 = tpu.memref_slice %arg2[%dma_wait3A_224, %dma_wait3A_225] : memref<100000x128xf32, #tpu.memory_space<hbm>> -> memref<100000x128xf32, #tpu.memory_space<hbm>>
    tpu.wait_indirect_dma semaphore(%arg20 : memref<!tpu.dma_semaphore, #tpu.memory_space<semaphore_mem>>) src(%dma_wait3A_226 : memref<100000x128xf32, #tpu.memory_space<hbm>>) dst(%arg14 : memref<64x128xf32, #tpu.memory_space<vmem>>)
    %dma_start3A_227 = arith.constant 2 : i32
    %dma_start3A_228 = arith.constant 0 : i32
    %dma_start3A_229 = arith.constant 0 : i32
    %dma_start3A_230 = tpu.memref_slice %arg10[%dma_start3A_227, %dma_start3A_228, %dma_start3A_229] : memref<7x2048x128xf32, #tpu.memory_space<hbm>> -> memref<1x2048x128xf32, #tpu.memory_space<hbm>>
    %dma_start3A_231 = tpu.memref_squeeze %dma_start3A_230 : memref<1x2048x128xf32, #tpu.memory_space<hbm>> -> memref<2048x128xf32, #tpu.memory_space<hbm>>
    %dma_start3A_232 = arith.constant 0 : i32
    %dma_start3A_233 = tpu.memref_slice %dma_start3A_231[%mul3A_2, %dma_start3A_232] : memref<2048x128xf32, #tpu.memory_space<hbm>> -> memref<64x128xf32, #tpu.memory_space<hbm>>
    %dma_start3A_234 = arith.constant 0 : i32
    %dma_start3A_235 = arith.constant 0 : i32
    %dma_start3A_236 = tpu.memref_slice %arg10[%dma_start3A_227, %dma_start3A_234, %dma_start3A_235] : memref<7x2048x128xf32, #tpu.memory_space<hbm>> -> memref<1x2048x128xf32, #tpu.memory_space<hbm>>
    %dma_start3A_237 = tpu.memref_squeeze %dma_start3A_236 : memref<1x2048x128xf32, #tpu.memory_space<hbm>> -> memref<2048x128xf32, #tpu.memory_space<hbm>>
    %dma_start3A_238 = arith.constant 0 : i32
    %dma_start3A_239 = tpu.memref_slice %dma_start3A_237[%mul3A_2, %dma_start3A_238] : memref<2048x128xf32, #tpu.memory_space<hbm>> -> memref<64x128xf32, #tpu.memory_space<hbm>>
    tpu.enqueue_dma source(%arg14 : memref<64x128xf32, #tpu.memory_space<vmem>>) target(%dma_start3A_239 : memref<64x128xf32, #tpu.memory_space<hbm>>) target_semaphore(%arg21 : memref<!tpu.dma_semaphore, #tpu.memory_space<semaphore_mem>>)
    %dma_wait3A_240 = arith.constant 3 : i32
    %dma_wait3A_241 = arith.constant 0 : i32
    %dma_wait3A_242 = tpu.memref_slice %arg11[%dma_wait3A_240, %dma_wait3A_241] : memref<7x64xi32, #tpu.memory_space<vmem>> -> memref<1x64xi32, #tpu.memory_space<vmem>>
    %dma_wait3A_243 = tpu.memref_squeeze %dma_wait3A_242 : memref<1x64xi32, #tpu.memory_space<vmem>> -> memref<64xi32, #tpu.memory_space<vmem>>
    %dma_wait3A_244 = arith.constant 0 : i32
    %dma_wait3A_245 = arith.constant 0 : i32
    %dma_wait3A_246 = tpu.memref_slice %arg2[%dma_wait3A_244, %dma_wait3A_245] : memref<100000x128xf32, #tpu.memory_space<hbm>> -> memref<100000x128xf32, #tpu.memory_space<hbm>>
    tpu.wait_indirect_dma semaphore(%arg20 : memref<!tpu.dma_semaphore, #tpu.memory_space<semaphore_mem>>) src(%dma_wait3A_246 : memref<100000x128xf32, #tpu.memory_space<hbm>>) dst(%arg15 : memref<64x128xf32, #tpu.memory_space<vmem>>)
    %dma_start3A_247 = arith.constant 3 : i32
    %dma_start3A_248 = arith.constant 0 : i32
    %dma_start3A_249 = arith.constant 0 : i32
    %dma_start3A_250 = tpu.memref_slice %arg10[%dma_start3A_247, %dma_start3A_248, %dma_start3A_249] : memref<7x2048x128xf32, #tpu.memory_space<hbm>> -> memref<1x2048x128xf32, #tpu.memory_space<hbm>>
    %dma_start3A_251 = tpu.memref_squeeze %dma_start3A_250 : memref<1x2048x128xf32, #tpu.memory_space<hbm>> -> memref<2048x128xf32, #tpu.memory_space<hbm>>
    %dma_start3A_252 = arith.constant 0 : i32
    %dma_start3A_253 = tpu.memref_slice %dma_start3A_251[%mul3A_2, %dma_start3A_252] : memref<2048x128xf32, #tpu.memory_space<hbm>> -> memref<64x128xf32, #tpu.memory_space<hbm>>
    %dma_start3A_254 = arith.constant 0 : i32
    %dma_start3A_255 = arith.constant 0 : i32
    %dma_start3A_256 = tpu.memref_slice %arg10[%dma_start3A_247, %dma_start3A_254, %dma_start3A_255] : memref<7x2048x128xf32, #tpu.memory_space<hbm>> -> memref<1x2048x128xf32, #tpu.memory_space<hbm>>
    %dma_start3A_257 = tpu.memref_squeeze %dma_start3A_256 : memref<1x2048x128xf32, #tpu.memory_space<hbm>> -> memref<2048x128xf32, #tpu.memory_space<hbm>>
    %dma_start3A_258 = arith.constant 0 : i32
    %dma_start3A_259 = tpu.memref_slice %dma_start3A_257[%mul3A_2, %dma_start3A_258] : memref<2048x128xf32, #tpu.memory_space<hbm>> -> memref<64x128xf32, #tpu.memory_space<hbm>>
    tpu.enqueue_dma source(%arg15 : memref<64x128xf32, #tpu.memory_space<vmem>>) target(%dma_start3A_259 : memref<64x128xf32, #tpu.memory_space<hbm>>) target_semaphore(%arg21 : memref<!tpu.dma_semaphore, #tpu.memory_space<semaphore_mem>>)
    %dma_wait3A_260 = arith.constant 4 : i32
    %dma_wait3A_261 = arith.constant 0 : i32
    %dma_wait3A_262 = tpu.memref_slice %arg11[%dma_wait3A_260, %dma_wait3A_261] : memref<7x64xi32, #tpu.memory_space<vmem>> -> memref<1x64xi32, #tpu.memory_space<vmem>>
    %dma_wait3A_263 = tpu.memref_squeeze %dma_wait3A_262 : memref<1x64xi32, #tpu.memory_space<vmem>> -> memref<64xi32, #tpu.memory_space<vmem>>
    %dma_wait3A_264 = arith.constant 0 : i32
    %dma_wait3A_265 = arith.constant 0 : i32
    %dma_wait3A_266 = tpu.memref_slice %arg2[%dma_wait3A_264, %dma_wait3A_265] : memref<100000x128xf32, #tpu.memory_space<hbm>> -> memref<100000x128xf32, #tpu.memory_space<hbm>>
    tpu.wait_indirect_dma semaphore(%arg20 : memref<!tpu.dma_semaphore, #tpu.memory_space<semaphore_mem>>) src(%dma_wait3A_266 : memref<100000x128xf32, #tpu.memory_space<hbm>>) dst(%arg16 : memref<64x128xf32, #tpu.memory_space<vmem>>)
    %dma_start3A_267 = arith.constant 4 : i32
    %dma_start3A_268 = arith.constant 0 : i32
    %dma_start3A_269 = arith.constant 0 : i32
    %dma_start3A_270 = tpu.memref_slice %arg10[%dma_start3A_267, %dma_start3A_268, %dma_start3A_269] : memref<7x2048x128xf32, #tpu.memory_space<hbm>> -> memref<1x2048x128xf32, #tpu.memory_space<hbm>>
    %dma_start3A_271 = tpu.memref_squeeze %dma_start3A_270 : memref<1x2048x128xf32, #tpu.memory_space<hbm>> -> memref<2048x128xf32, #tpu.memory_space<hbm>>
    %dma_start3A_272 = arith.constant 0 : i32
    %dma_start3A_273 = tpu.memref_slice %dma_start3A_271[%mul3A_2, %dma_start3A_272] : memref<2048x128xf32, #tpu.memory_space<hbm>> -> memref<64x128xf32, #tpu.memory_space<hbm>>
    %dma_start3A_274 = arith.constant 0 : i32
    %dma_start3A_275 = arith.constant 0 : i32
    %dma_start3A_276 = tpu.memref_slice %arg10[%dma_start3A_267, %dma_start3A_274, %dma_start3A_275] : memref<7x2048x128xf32, #tpu.memory_space<hbm>> -> memref<1x2048x128xf32, #tpu.memory_space<hbm>>
    %dma_start3A_277 = tpu.memref_squeeze %dma_start3A_276 : memref<1x2048x128xf32, #tpu.memory_space<hbm>> -> memref<2048x128xf32, #tpu.memory_space<hbm>>
    %dma_start3A_278 = arith.constant 0 : i32
    %dma_start3A_279 = tpu.memref_slice %dma_start3A_277[%mul3A_2, %dma_start3A_278] : memref<2048x128xf32, #tpu.memory_space<hbm>> -> memref<64x128xf32, #tpu.memory_space<hbm>>
    tpu.enqueue_dma source(%arg16 : memref<64x128xf32, #tpu.memory_space<vmem>>) target(%dma_start3A_279 : memref<64x128xf32, #tpu.memory_space<hbm>>) target_semaphore(%arg21 : memref<!tpu.dma_semaphore, #tpu.memory_space<semaphore_mem>>)
    %dma_wait3A_280 = arith.constant 5 : i32
    %dma_wait3A_281 = arith.constant 0 : i32
    %dma_wait3A_282 = tpu.memref_slice %arg11[%dma_wait3A_280, %dma_wait3A_281] : memref<7x64xi32, #tpu.memory_space<vmem>> -> memref<1x64xi32, #tpu.memory_space<vmem>>
    %dma_wait3A_283 = tpu.memref_squeeze %dma_wait3A_282 : memref<1x64xi32, #tpu.memory_space<vmem>> -> memref<64xi32, #tpu.memory_space<vmem>>
    %dma_wait3A_284 = arith.constant 0 : i32
    %dma_wait3A_285 = arith.constant 0 : i32
    %dma_wait3A_286 = tpu.memref_slice %arg2[%dma_wait3A_284, %dma_wait3A_285] : memref<100000x128xf32, #tpu.memory_space<hbm>> -> memref<100000x128xf32, #tpu.memory_space<hbm>>
    tpu.wait_indirect_dma semaphore(%arg20 : memref<!tpu.dma_semaphore, #tpu.memory_space<semaphore_mem>>) src(%dma_wait3A_286 : memref<100000x128xf32, #tpu.memory_space<hbm>>) dst(%arg17 : memref<64x128xf32, #tpu.memory_space<vmem>>)
    %dma_start3A_287 = arith.constant 5 : i32
    %dma_start3A_288 = arith.constant 0 : i32
    %dma_start3A_289 = arith.constant 0 : i32
    %dma_start3A_290 = tpu.memref_slice %arg10[%dma_start3A_287, %dma_start3A_288, %dma_start3A_289] : memref<7x2048x128xf32, #tpu.memory_space<hbm>> -> memref<1x2048x128xf32, #tpu.memory_space<hbm>>
    %dma_start3A_291 = tpu.memref_squeeze %dma_start3A_290 : memref<1x2048x128xf32, #tpu.memory_space<hbm>> -> memref<2048x128xf32, #tpu.memory_space<hbm>>
    %dma_start3A_292 = arith.constant 0 : i32
    %dma_start3A_293 = tpu.memref_slice %dma_start3A_291[%mul3A_2, %dma_start3A_292] : memref<2048x128xf32, #tpu.memory_space<hbm>> -> memref<64x128xf32, #tpu.memory_space<hbm>>
    %dma_start3A_294 = arith.constant 0 : i32
    %dma_start3A_295 = arith.constant 0 : i32
    %dma_start3A_296 = tpu.memref_slice %arg10[%dma_start3A_287, %dma_start3A_294, %dma_start3A_295] : memref<7x2048x128xf32, #tpu.memory_space<hbm>> -> memref<1x2048x128xf32, #tpu.memory_space<hbm>>
    %dma_start3A_297 = tpu.memref_squeeze %dma_start3A_296 : memref<1x2048x128xf32, #tpu.memory_space<hbm>> -> memref<2048x128xf32, #tpu.memory_space<hbm>>
    %dma_start3A_298 = arith.constant 0 : i32
    %dma_start3A_299 = tpu.memref_slice %dma_start3A_297[%mul3A_2, %dma_start3A_298] : memref<2048x128xf32, #tpu.memory_space<hbm>> -> memref<64x128xf32, #tpu.memory_space<hbm>>
    tpu.enqueue_dma source(%arg17 : memref<64x128xf32, #tpu.memory_space<vmem>>) target(%dma_start3A_299 : memref<64x128xf32, #tpu.memory_space<hbm>>) target_semaphore(%arg21 : memref<!tpu.dma_semaphore, #tpu.memory_space<semaphore_mem>>)
    %dma_wait3A_300 = arith.constant 6 : i32
    %dma_wait3A_301 = arith.constant 0 : i32
    %dma_wait3A_302 = tpu.memref_slice %arg11[%dma_wait3A_300, %dma_wait3A_301] : memref<7x64xi32, #tpu.memory_space<vmem>> -> memref<1x64xi32, #tpu.memory_space<vmem>>
    %dma_wait3A_303 = tpu.memref_squeeze %dma_wait3A_302 : memref<1x64xi32, #tpu.memory_space<vmem>> -> memref<64xi32, #tpu.memory_space<vmem>>
    %dma_wait3A_304 = arith.constant 0 : i32
    %dma_wait3A_305 = arith.constant 0 : i32
    %dma_wait3A_306 = tpu.memref_slice %arg2[%dma_wait3A_304, %dma_wait3A_305] : memref<100000x128xf32, #tpu.memory_space<hbm>> -> memref<100000x128xf32, #tpu.memory_space<hbm>>
    tpu.wait_indirect_dma semaphore(%arg20 : memref<!tpu.dma_semaphore, #tpu.memory_space<semaphore_mem>>) src(%dma_wait3A_306 : memref<100000x128xf32, #tpu.memory_space<hbm>>) dst(%arg18 : memref<64x128xf32, #tpu.memory_space<vmem>>)
    %dma_start3A_307 = arith.constant 6 : i32
    %dma_start3A_308 = arith.constant 0 : i32
    %dma_start3A_309 = arith.constant 0 : i32
    %dma_start3A_310 = tpu.memref_slice %arg10[%dma_start3A_307, %dma_start3A_308, %dma_start3A_309] : memref<7x2048x128xf32, #tpu.memory_space<hbm>> -> memref<1x2048x128xf32, #tpu.memory_space<hbm>>
    %dma_start3A_311 = tpu.memref_squeeze %dma_start3A_310 : memref<1x2048x128xf32, #tpu.memory_space<hbm>> -> memref<2048x128xf32, #tpu.memory_space<hbm>>
    %dma_start3A_312 = arith.constant 0 : i32
    %dma_start3A_313 = tpu.memref_slice %dma_start3A_311[%mul3A_2, %dma_start3A_312] : memref<2048x128xf32, #tpu.memory_space<hbm>> -> memref<64x128xf32, #tpu.memory_space<hbm>>
    %dma_start3A_314 = arith.constant 0 : i32
    %dma_start3A_315 = arith.constant 0 : i32
    %dma_start3A_316 = tpu.memref_slice %arg10[%dma_start3A_307, %dma_start3A_314, %dma_start3A_315] : memref<7x2048x128xf32, #tpu.memory_space<hbm>> -> memref<1x2048x128xf32, #tpu.memory_space<hbm>>
    %dma_start3A_317 = tpu.memref_squeeze %dma_start3A_316 : memref<1x2048x128xf32, #tpu.memory_space<hbm>> -> memref<2048x128xf32, #tpu.memory_space<hbm>>
    %dma_start3A_318 = arith.constant 0 : i32
    %dma_start3A_319 = tpu.memref_slice %dma_start3A_317[%mul3A_2, %dma_start3A_318] : memref<2048x128xf32, #tpu.memory_space<hbm>> -> memref<64x128xf32, #tpu.memory_space<hbm>>
    tpu.enqueue_dma source(%arg18 : memref<64x128xf32, #tpu.memory_space<vmem>>) target(%dma_start3A_319 : memref<64x128xf32, #tpu.memory_space<hbm>>) target_semaphore(%arg21 : memref<!tpu.dma_semaphore, #tpu.memory_space<semaphore_mem>>)
    %dma_wait3A_320 = arith.constant 0 : i32
    %dma_wait3A_321 = arith.constant 0 : i32
    %dma_wait3A_322 = arith.constant 0 : i32
    %dma_wait3A_323 = tpu.memref_slice %arg10[%dma_wait3A_320, %dma_wait3A_321, %dma_wait3A_322] : memref<7x2048x128xf32, #tpu.memory_space<hbm>> -> memref<1x2048x128xf32, #tpu.memory_space<hbm>>
    %dma_wait3A_324 = tpu.memref_squeeze %dma_wait3A_323 : memref<1x2048x128xf32, #tpu.memory_space<hbm>> -> memref<2048x128xf32, #tpu.memory_space<hbm>>
    %dma_wait3A_325 = arith.constant 0 : i32
    %dma_wait3A_326 = tpu.memref_slice %dma_wait3A_324[%mul3A_2, %dma_wait3A_325] : memref<2048x128xf32, #tpu.memory_space<hbm>> -> memref<64x128xf32, #tpu.memory_space<hbm>>
    %dma_wait3A_327 = arith.constant 0 : i32
    %dma_wait3A_328 = arith.constant 0 : i32
    %dma_wait3A_329 = tpu.memref_slice %arg10[%dma_wait3A_320, %dma_wait3A_327, %dma_wait3A_328] : memref<7x2048x128xf32, #tpu.memory_space<hbm>> -> memref<1x2048x128xf32, #tpu.memory_space<hbm>>
    %dma_wait3A_330 = tpu.memref_squeeze %dma_wait3A_329 : memref<1x2048x128xf32, #tpu.memory_space<hbm>> -> memref<2048x128xf32, #tpu.memory_space<hbm>>
    %dma_wait3A_331 = arith.constant 0 : i32
    %dma_wait3A_332 = tpu.memref_slice %dma_wait3A_330[%mul3A_2, %dma_wait3A_331] : memref<2048x128xf32, #tpu.memory_space<hbm>> -> memref<64x128xf32, #tpu.memory_space<hbm>>
    tpu.wait_dma2 semaphore(%arg21 : memref<!tpu.dma_semaphore, #tpu.memory_space<semaphore_mem>>) src(%arg12 : memref<64x128xf32, #tpu.memory_space<vmem>>) dst(%dma_wait3A_332 : memref<64x128xf32, #tpu.memory_space<hbm>>)
    %dma_wait3A_333 = arith.constant 1 : i32
    %dma_wait3A_334 = arith.constant 0 : i32
    %dma_wait3A_335 = arith.constant 0 : i32
    %dma_wait3A_336 = tpu.memref_slice %arg10[%dma_wait3A_333, %dma_wait3A_334, %dma_wait3A_335] : memref<7x2048x128xf32, #tpu.memory_space<hbm>> -> memref<1x2048x128xf32, #tpu.memory_space<hbm>>
    %dma_wait3A_337 = tpu.memref_squeeze %dma_wait3A_336 : memref<1x2048x128xf32, #tpu.memory_space<hbm>> -> memref<2048x128xf32, #tpu.memory_space<hbm>>
    %dma_wait3A_338 = arith.constant 0 : i32
    %dma_wait3A_339 = tpu.memref_slice %dma_wait3A_337[%mul3A_2, %dma_wait3A_338] : memref<2048x128xf32, #tpu.memory_space<hbm>> -> memref<64x128xf32, #tpu.memory_space<hbm>>
    %dma_wait3A_340 = arith.constant 0 : i32
    %dma_wait3A_341 = arith.constant 0 : i32
    %dma_wait3A_342 = tpu.memref_slice %arg10[%dma_wait3A_333, %dma_wait3A_340, %dma_wait3A_341] : memref<7x2048x128xf32, #tpu.memory_space<hbm>> -> memref<1x2048x128xf32, #tpu.memory_space<hbm>>
    %dma_wait3A_343 = tpu.memref_squeeze %dma_wait3A_342 : memref<1x2048x128xf32, #tpu.memory_space<hbm>> -> memref<2048x128xf32, #tpu.memory_space<hbm>>
    %dma_wait3A_344 = arith.constant 0 : i32
    %dma_wait3A_345 = tpu.memref_slice %dma_wait3A_343[%mul3A_2, %dma_wait3A_344] : memref<2048x128xf32, #tpu.memory_space<hbm>> -> memref<64x128xf32, #tpu.memory_space<hbm>>
    tpu.wait_dma2 semaphore(%arg21 : memref<!tpu.dma_semaphore, #tpu.memory_space<semaphore_mem>>) src(%arg13 : memref<64x128xf32, #tpu.memory_space<vmem>>) dst(%dma_wait3A_345 : memref<64x128xf32, #tpu.memory_space<hbm>>)
    %dma_wait3A_346 = arith.constant 2 : i32
    %dma_wait3A_347 = arith.constant 0 : i32
    %dma_wait3A_348 = arith.constant 0 : i32
    %dma_wait3A_349 = tpu.memref_slice %arg10[%dma_wait3A_346, %dma_wait3A_347, %dma_wait3A_348] : memref<7x2048x128xf32, #tpu.memory_space<hbm>> -> memref<1x2048x128xf32, #tpu.memory_space<hbm>>
    %dma_wait3A_350 = tpu.memref_squeeze %dma_wait3A_349 : memref<1x2048x128xf32, #tpu.memory_space<hbm>> -> memref<2048x128xf32, #tpu.memory_space<hbm>>
    %dma_wait3A_351 = arith.constant 0 : i32
    %dma_wait3A_352 = tpu.memref_slice %dma_wait3A_350[%mul3A_2, %dma_wait3A_351] : memref<2048x128xf32, #tpu.memory_space<hbm>> -> memref<64x128xf32, #tpu.memory_space<hbm>>
    %dma_wait3A_353 = arith.constant 0 : i32
    %dma_wait3A_354 = arith.constant 0 : i32
    %dma_wait3A_355 = tpu.memref_slice %arg10[%dma_wait3A_346, %dma_wait3A_353, %dma_wait3A_354] : memref<7x2048x128xf32, #tpu.memory_space<hbm>> -> memref<1x2048x128xf32, #tpu.memory_space<hbm>>
    %dma_wait3A_356 = tpu.memref_squeeze %dma_wait3A_355 : memref<1x2048x128xf32, #tpu.memory_space<hbm>> -> memref<2048x128xf32, #tpu.memory_space<hbm>>
    %dma_wait3A_357 = arith.constant 0 : i32
    %dma_wait3A_358 = tpu.memref_slice %dma_wait3A_356[%mul3A_2, %dma_wait3A_357] : memref<2048x128xf32, #tpu.memory_space<hbm>> -> memref<64x128xf32, #tpu.memory_space<hbm>>
    tpu.wait_dma2 semaphore(%arg21 : memref<!tpu.dma_semaphore, #tpu.memory_space<semaphore_mem>>) src(%arg14 : memref<64x128xf32, #tpu.memory_space<vmem>>) dst(%dma_wait3A_358 : memref<64x128xf32, #tpu.memory_space<hbm>>)
    %dma_wait3A_359 = arith.constant 3 : i32
    %dma_wait3A_360 = arith.constant 0 : i32
    %dma_wait3A_361 = arith.constant 0 : i32
    %dma_wait3A_362 = tpu.memref_slice %arg10[%dma_wait3A_359, %dma_wait3A_360, %dma_wait3A_361] : memref<7x2048x128xf32, #tpu.memory_space<hbm>> -> memref<1x2048x128xf32, #tpu.memory_space<hbm>>
    %dma_wait3A_363 = tpu.memref_squeeze %dma_wait3A_362 : memref<1x2048x128xf32, #tpu.memory_space<hbm>> -> memref<2048x128xf32, #tpu.memory_space<hbm>>
    %dma_wait3A_364 = arith.constant 0 : i32
    %dma_wait3A_365 = tpu.memref_slice %dma_wait3A_363[%mul3A_2, %dma_wait3A_364] : memref<2048x128xf32, #tpu.memory_space<hbm>> -> memref<64x128xf32, #tpu.memory_space<hbm>>
    %dma_wait3A_366 = arith.constant 0 : i32
    %dma_wait3A_367 = arith.constant 0 : i32
    %dma_wait3A_368 = tpu.memref_slice %arg10[%dma_wait3A_359, %dma_wait3A_366, %dma_wait3A_367] : memref<7x2048x128xf32, #tpu.memory_space<hbm>> -> memref<1x2048x128xf32, #tpu.memory_space<hbm>>
    %dma_wait3A_369 = tpu.memref_squeeze %dma_wait3A_368 : memref<1x2048x128xf32, #tpu.memory_space<hbm>> -> memref<2048x128xf32, #tpu.memory_space<hbm>>
    %dma_wait3A_370 = arith.constant 0 : i32
    %dma_wait3A_371 = tpu.memref_slice %dma_wait3A_369[%mul3A_2, %dma_wait3A_370] : memref<2048x128xf32, #tpu.memory_space<hbm>> -> memref<64x128xf32, #tpu.memory_space<hbm>>
    tpu.wait_dma2 semaphore(%arg21 : memref<!tpu.dma_semaphore, #tpu.memory_space<semaphore_mem>>) src(%arg15 : memref<64x128xf32, #tpu.memory_space<vmem>>) dst(%dma_wait3A_371 : memref<64x128xf32, #tpu.memory_space<hbm>>)
    %dma_wait3A_372 = arith.constant 4 : i32
    %dma_wait3A_373 = arith.constant 0 : i32
    %dma_wait3A_374 = arith.constant 0 : i32
    %dma_wait3A_375 = tpu.memref_slice %arg10[%dma_wait3A_372, %dma_wait3A_373, %dma_wait3A_374] : memref<7x2048x128xf32, #tpu.memory_space<hbm>> -> memref<1x2048x128xf32, #tpu.memory_space<hbm>>
    %dma_wait3A_376 = tpu.memref_squeeze %dma_wait3A_375 : memref<1x2048x128xf32, #tpu.memory_space<hbm>> -> memref<2048x128xf32, #tpu.memory_space<hbm>>
    %dma_wait3A_377 = arith.constant 0 : i32
    %dma_wait3A_378 = tpu.memref_slice %dma_wait3A_376[%mul3A_2, %dma_wait3A_377] : memref<2048x128xf32, #tpu.memory_space<hbm>> -> memref<64x128xf32, #tpu.memory_space<hbm>>
    %dma_wait3A_379 = arith.constant 0 : i32
    %dma_wait3A_380 = arith.constant 0 : i32
    %dma_wait3A_381 = tpu.memref_slice %arg10[%dma_wait3A_372, %dma_wait3A_379, %dma_wait3A_380] : memref<7x2048x128xf32, #tpu.memory_space<hbm>> -> memref<1x2048x128xf32, #tpu.memory_space<hbm>>
    %dma_wait3A_382 = tpu.memref_squeeze %dma_wait3A_381 : memref<1x2048x128xf32, #tpu.memory_space<hbm>> -> memref<2048x128xf32, #tpu.memory_space<hbm>>
    %dma_wait3A_383 = arith.constant 0 : i32
    %dma_wait3A_384 = tpu.memref_slice %dma_wait3A_382[%mul3A_2, %dma_wait3A_383] : memref<2048x128xf32, #tpu.memory_space<hbm>> -> memref<64x128xf32, #tpu.memory_space<hbm>>
    tpu.wait_dma2 semaphore(%arg21 : memref<!tpu.dma_semaphore, #tpu.memory_space<semaphore_mem>>) src(%arg16 : memref<64x128xf32, #tpu.memory_space<vmem>>) dst(%dma_wait3A_384 : memref<64x128xf32, #tpu.memory_space<hbm>>)
    %dma_wait3A_385 = arith.constant 5 : i32
    %dma_wait3A_386 = arith.constant 0 : i32
    %dma_wait3A_387 = arith.constant 0 : i32
    %dma_wait3A_388 = tpu.memref_slice %arg10[%dma_wait3A_385, %dma_wait3A_386, %dma_wait3A_387] : memref<7x2048x128xf32, #tpu.memory_space<hbm>> -> memref<1x2048x128xf32, #tpu.memory_space<hbm>>
    %dma_wait3A_389 = tpu.memref_squeeze %dma_wait3A_388 : memref<1x2048x128xf32, #tpu.memory_space<hbm>> -> memref<2048x128xf32, #tpu.memory_space<hbm>>
    %dma_wait3A_390 = arith.constant 0 : i32
    %dma_wait3A_391 = tpu.memref_slice %dma_wait3A_389[%mul3A_2, %dma_wait3A_390] : memref<2048x128xf32, #tpu.memory_space<hbm>> -> memref<64x128xf32, #tpu.memory_space<hbm>>
    %dma_wait3A_392 = arith.constant 0 : i32
    %dma_wait3A_393 = arith.constant 0 : i32
    %dma_wait3A_394 = tpu.memref_slice %arg10[%dma_wait3A_385, %dma_wait3A_392, %dma_wait3A_393] : memref<7x2048x128xf32, #tpu.memory_space<hbm>> -> memref<1x2048x128xf32, #tpu.memory_space<hbm>>
    %dma_wait3A_395 = tpu.memref_squeeze %dma_wait3A_394 : memref<1x2048x128xf32, #tpu.memory_space<hbm>> -> memref<2048x128xf32, #tpu.memory_space<hbm>>
    %dma_wait3A_396 = arith.constant 0 : i32
    %dma_wait3A_397 = tpu.memref_slice %dma_wait3A_395[%mul3A_2, %dma_wait3A_396] : memref<2048x128xf32, #tpu.memory_space<hbm>> -> memref<64x128xf32, #tpu.memory_space<hbm>>
    tpu.wait_dma2 semaphore(%arg21 : memref<!tpu.dma_semaphore, #tpu.memory_space<semaphore_mem>>) src(%arg17 : memref<64x128xf32, #tpu.memory_space<vmem>>) dst(%dma_wait3A_397 : memref<64x128xf32, #tpu.memory_space<hbm>>)
    %dma_wait3A_398 = arith.constant 6 : i32
    %dma_wait3A_399 = arith.constant 0 : i32
    %dma_wait3A_400 = arith.constant 0 : i32
    %dma_wait3A_401 = tpu.memref_slice %arg10[%dma_wait3A_398, %dma_wait3A_399, %dma_wait3A_400] : memref<7x2048x128xf32, #tpu.memory_space<hbm>> -> memref<1x2048x128xf32, #tpu.memory_space<hbm>>
    %dma_wait3A_402 = tpu.memref_squeeze %dma_wait3A_401 : memref<1x2048x128xf32, #tpu.memory_space<hbm>> -> memref<2048x128xf32, #tpu.memory_space<hbm>>
    %dma_wait3A_403 = arith.constant 0 : i32
    %dma_wait3A_404 = tpu.memref_slice %dma_wait3A_402[%mul3A_2, %dma_wait3A_403] : memref<2048x128xf32, #tpu.memory_space<hbm>> -> memref<64x128xf32, #tpu.memory_space<hbm>>
    %dma_wait3A_405 = arith.constant 0 : i32
    %dma_wait3A_406 = arith.constant 0 : i32
    %dma_wait3A_407 = tpu.memref_slice %arg10[%dma_wait3A_398, %dma_wait3A_405, %dma_wait3A_406] : memref<7x2048x128xf32, #tpu.memory_space<hbm>> -> memref<1x2048x128xf32, #tpu.memory_space<hbm>>
    %dma_wait3A_408 = tpu.memref_squeeze %dma_wait3A_407 : memref<1x2048x128xf32, #tpu.memory_space<hbm>> -> memref<2048x128xf32, #tpu.memory_space<hbm>>
    %dma_wait3A_409 = arith.constant 0 : i32
    %dma_wait3A_410 = tpu.memref_slice %dma_wait3A_408[%mul3A_2, %dma_wait3A_409] : memref<2048x128xf32, #tpu.memory_space<hbm>> -> memref<64x128xf32, #tpu.memory_space<hbm>>
    tpu.wait_dma2 semaphore(%arg21 : memref<!tpu.dma_semaphore, #tpu.memory_space<semaphore_mem>>) src(%arg18 : memref<64x128xf32, #tpu.memory_space<vmem>>) dst(%dma_wait3A_410 : memref<64x128xf32, #tpu.memory_space<hbm>>)
    return
  }
}

module attributes {stable_mosaic.version = 14 : i64} {
  func.func @_repack_kernel(%arg0: i32, %arg1: memref<64x25088xf32, #tpu.memory_space<vmem>>, %arg2: memref<64x25088xf32, #tpu.memory_space<vmem>>, %arg3: memref<64x128xf32, #tpu.memory_space<vmem>>, %arg4: memref<64x128xf32, #tpu.memory_space<vmem>>, %arg5: memref<1x128xf32, #tpu.memory_space<vmem>>, %arg6: memref<25088x128xf32, #tpu.memory_space<vmem>>) attributes {dimension_semantics = [#tpu.dimension_semantics<arbitrary>], iteration_bounds = array<i64: 4>, scalar_prefetch = 0 : i64, scratch_operands = 0 : i64, tpu.core_type = #tpu.core_type<tc>, window_params = [{transform_indices = @transform_0, window_bounds = array<i64: 64, 25088>}, {transform_indices = @transform_1, window_bounds = array<i64: 64, 25088>}, {pipeline_mode = #tpu.pipeline_mode<synchronous>, transform_indices = @transform_2, window_bounds = array<i64: 64, 128>}, {pipeline_mode = #tpu.pipeline_mode<synchronous>, transform_indices = @transform_3, window_bounds = array<i64: 64, 128>}, {pipeline_mode = #tpu.pipeline_mode<synchronous>, transform_indices = @transform_4, window_bounds = array<i64: 1, 128>}, {transform_indices = @transform_5, window_bounds = array<i64: 25088, 128>}]} {
    %get3A = arith.constant 0 : index
    %get3A_0 = arith.constant 0 : index
    %get3A_1 = vector.load %arg1[%get3A, %get3A_0] : memref<64x25088xf32, #tpu.memory_space<vmem>>, vector<64x25088xf32>
    %get3A_2 = arith.constant 0 : index
    %get3A_3 = arith.constant 0 : index
    %get3A_4 = vector.load %arg3[%get3A_2, %get3A_3] : memref<64x128xf32, #tpu.memory_space<vmem>>, vector<64x128xf32>
    %dot_general3A = arith.constant dense<0.000000e+00> : vector<25088x128xf32>
    %dot_general3A_5 = tpu.matmul %get3A_1, %get3A_4, %dot_general3A {dimension_numbers = #tpu.dot_dimension_numbers<[0], [0], [1], [1], [0, 1, 1, 1], [], []>, transpose_lhs_hint = false} : vector<64x25088xf32>, vector<64x128xf32>, vector<25088x128xf32> -> vector<25088x128xf32>
    %get3A_6 = arith.constant 0 : index
    %get3A_7 = arith.constant 0 : index
    %get3A_8 = vector.load %arg2[%get3A_6, %get3A_7] : memref<64x25088xf32, #tpu.memory_space<vmem>>, vector<64x25088xf32>
    %get3A_9 = arith.constant 0 : index
    %get3A_10 = arith.constant 0 : index
    %get3A_11 = vector.load %arg4[%get3A_9, %get3A_10] : memref<64x128xf32, #tpu.memory_space<vmem>>, vector<64x128xf32>
    %dot_general3A_12 = arith.constant dense<0.000000e+00> : vector<25088x128xf32>
    %dot_general3A_13 = tpu.matmul %get3A_8, %get3A_11, %dot_general3A_12 {dimension_numbers = #tpu.dot_dimension_numbers<[0], [0], [1], [1], [0, 1, 1, 1], [], []>, transpose_lhs_hint = false} : vector<64x25088xf32>, vector<64x128xf32>, vector<25088x128xf32> -> vector<25088x128xf32>
    %add3A = arith.addf %dot_general3A_5, %dot_general3A_13 : vector<25088x128xf32>
    %get3A_14 = arith.constant 0 : index
    %get3A_15 = arith.constant 0 : index
    %get3A_16 = vector.load %arg5[%get3A_14, %get3A_15] : memref<1x128xf32, #tpu.memory_space<vmem>>, vector<1x128xf32>
    %add3A_17 = vector.broadcast %get3A_16 : vector<1x128xf32> to vector<25088x128xf32>
    %add3A_18 = arith.addf %add3A, %add3A_17 : vector<25088x128xf32>
    %max3A = arith.constant 0.000000e+00 : f32
    %max3A_19 = vector.broadcast %max3A : f32 to vector<25088x128xf32>
    %max3A_20 = arith.maximumf %add3A_18, %max3A_19 : vector<25088x128xf32>
    %swap3A = arith.constant 0 : index
    %swap3A_21 = arith.constant 0 : index
    %swap3A_22 = vector.load %arg6[%swap3A, %swap3A_21] : memref<25088x128xf32, #tpu.memory_space<vmem>>, vector<25088x128xf32>
    tpu.vector_store %arg6[%swap3A, %swap3A_21], %max3A_20 {strides = array<i32>} : memref<25088x128xf32, #tpu.memory_space<vmem>>, vector<25088x128xf32>,
    return
  }
  func.func @transform_0(%arg0: i32) -> (i32, i32) {
    %c0_i32 = arith.constant 0 : i32
    %c0_i32_0 = arith.constant 0 : i32
    return %c0_i32, %arg0 : i32, i32
  }
  func.func @transform_1(%arg0: i32) -> (i32, i32) {
    %c0_i32 = arith.constant 0 : i32
    %c0_i32_0 = arith.constant 0 : i32
    return %c0_i32, %arg0 : i32, i32
  }
  func.func @transform_2(%arg0: i32) -> (i32, i32) {
    %c0_i32 = arith.constant 0 : i32
    %c0_i32_0 = arith.constant 0 : i32
    %c0_i32_1 = arith.constant 0 : i32
    return %c0_i32, %c0_i32_0 : i32, i32
  }
  func.func @transform_3(%arg0: i32) -> (i32, i32) {
    %c0_i32 = arith.constant 0 : i32
    %c0_i32_0 = arith.constant 0 : i32
    %c0_i32_1 = arith.constant 0 : i32
    return %c0_i32, %c0_i32_0 : i32, i32
  }
  func.func @transform_4(%arg0: i32) -> (i32, i32) {
    %c0_i32 = arith.constant 0 : i32
    %c0_i32_0 = arith.constant 0 : i32
    %c0_i32_1 = arith.constant 0 : i32
    return %c0_i32, %c0_i32_0 : i32, i32
  }
  func.func @transform_5(%arg0: i32) -> (i32, i32) {
    %c0_i32 = arith.constant 0 : i32
    %c0_i32_0 = arith.constant 0 : i32
    return %arg0, %c0_i32 : i32, i32
  }
}

module attributes {stable_mosaic.version = 14 : i64} {
  func.func @_dense_kernel(%arg0: memref<7x2048x128xf32, #tpu.memory_space<vmem>>, %arg1: memref<320x128xf32, #tpu.memory_space<vmem>>, %arg2: memref<40x320xf32, #tpu.memory_space<vmem>>, %arg3: memref<128x128xf32, #tpu.memory_space<vmem>>, %arg4: memref<1x128xf32, #tpu.memory_space<vmem>>, %arg5: memref<128x64xf32, #tpu.memory_space<vmem>>, %arg6: memref<1x64xf32, #tpu.memory_space<vmem>>, %arg7: memref<64x1xf32, #tpu.memory_space<vmem>>, %arg8: memref<1x1xf32, #tpu.memory_space<vmem>>, %arg9: memref<2048x1xf32, #tpu.memory_space<vmem>>) attributes {dimension_semantics = [], scalar_prefetch = 0 : i64, scratch_operands = 0 : i64, tpu.core_type = #tpu.core_type<tc>} {
    %get3A = arith.constant 0 : index
    %get3A_0 = arith.constant 0 : index
    %get3A_1 = arith.constant 0 : index
    %get3A_2 = vector.load %arg0[%get3A, %get3A_0, %get3A_1] : memref<7x2048x128xf32, #tpu.memory_space<vmem>>, vector<1x2048x128xf32>
    %get3A_3 = vector.shape_cast %get3A_2 : vector<1x2048x128xf32> to vector<2048x128xf32>
    %slice3A = vector.extract_strided_slice %get3A_3 {offsets = [0, 0], sizes = [2048, 64], strides = [1, 1]} : vector<2048x128xf32> to vector<2048x64xf32>
    %get3A_4 = arith.constant 1 : index
    %get3A_5 = arith.constant 0 : index
    %get3A_6 = arith.constant 0 : index
    %get3A_7 = vector.load %arg0[%get3A_4, %get3A_5, %get3A_6] : memref<7x2048x128xf32, #tpu.memory_space<vmem>>, vector<1x2048x128xf32>
    %get3A_8 = vector.shape_cast %get3A_7 : vector<1x2048x128xf32> to vector<2048x128xf32>
    %slice3A_9 = vector.extract_strided_slice %get3A_8 {offsets = [0, 64], sizes = [2048, 64], strides = [1, 1]} : vector<2048x128xf32> to vector<2048x64xf32>
    %get3A_10 = arith.constant 2 : index
    %get3A_11 = arith.constant 0 : index
    %get3A_12 = arith.constant 0 : index
    %get3A_13 = vector.load %arg0[%get3A_10, %get3A_11, %get3A_12] : memref<7x2048x128xf32, #tpu.memory_space<vmem>>, vector<1x2048x128xf32>
    %get3A_14 = vector.shape_cast %get3A_13 : vector<1x2048x128xf32> to vector<2048x128xf32>
    %slice3A_15 = vector.extract_strided_slice %get3A_14 {offsets = [0, 64], sizes = [2048, 64], strides = [1, 1]} : vector<2048x128xf32> to vector<2048x64xf32>
    %get3A_16 = arith.constant 3 : index
    %get3A_17 = arith.constant 0 : index
    %get3A_18 = arith.constant 0 : index
    %get3A_19 = vector.load %arg0[%get3A_16, %get3A_17, %get3A_18] : memref<7x2048x128xf32, #tpu.memory_space<vmem>>, vector<1x2048x128xf32>
    %get3A_20 = vector.shape_cast %get3A_19 : vector<1x2048x128xf32> to vector<2048x128xf32>
    %slice3A_21 = vector.extract_strided_slice %get3A_20 {offsets = [0, 64], sizes = [2048, 64], strides = [1, 1]} : vector<2048x128xf32> to vector<2048x64xf32>
    %get3A_22 = arith.constant 4 : index
    %get3A_23 = arith.constant 0 : index
    %get3A_24 = arith.constant 0 : index
    %get3A_25 = vector.load %arg0[%get3A_22, %get3A_23, %get3A_24] : memref<7x2048x128xf32, #tpu.memory_space<vmem>>, vector<1x2048x128xf32>
    %get3A_26 = vector.shape_cast %get3A_25 : vector<1x2048x128xf32> to vector<2048x128xf32>
    %slice3A_27 = vector.extract_strided_slice %get3A_26 {offsets = [0, 64], sizes = [2048, 64], strides = [1, 1]} : vector<2048x128xf32> to vector<2048x64xf32>
    %get3A_28 = arith.constant 5 : index
    %get3A_29 = arith.constant 0 : index
    %get3A_30 = arith.constant 0 : index
    %get3A_31 = vector.load %arg0[%get3A_28, %get3A_29, %get3A_30] : memref<7x2048x128xf32, #tpu.memory_space<vmem>>, vector<1x2048x128xf32>
    %get3A_32 = vector.shape_cast %get3A_31 : vector<1x2048x128xf32> to vector<2048x128xf32>
    %slice3A_33 = vector.extract_strided_slice %get3A_32 {offsets = [0, 64], sizes = [2048, 64], strides = [1, 1]} : vector<2048x128xf32> to vector<2048x64xf32>
    %get3A_34 = arith.constant 6 : index
    %get3A_35 = arith.constant 0 : index
    %get3A_36 = arith.constant 0 : index
    %get3A_37 = vector.load %arg0[%get3A_34, %get3A_35, %get3A_36] : memref<7x2048x128xf32, #tpu.memory_space<vmem>>, vector<1x2048x128xf32>
    %get3A_38 = vector.shape_cast %get3A_37 : vector<1x2048x128xf32> to vector<2048x128xf32>
    %slice3A_39 = vector.extract_strided_slice %get3A_38 {offsets = [0, 64], sizes = [2048, 64], strides = [1, 1]} : vector<2048x128xf32> to vector<2048x64xf32>
    %mul3A = arith.mulf %slice3A_9, %slice3A_15 : vector<2048x64xf32>
    %mul3A_40 = arith.mulf %slice3A_9, %slice3A_21 : vector<2048x64xf32>
    %mul3A_41 = arith.mulf %slice3A_9, %slice3A_27 : vector<2048x64xf32>
    %mul3A_42 = arith.mulf %slice3A_9, %slice3A_33 : vector<2048x64xf32>
    %mul3A_43 = arith.mulf %slice3A_9, %slice3A_39 : vector<2048x64xf32>
    %concatenate3A = tpu.concatenate %mul3A, %mul3A_40, %mul3A_41, %mul3A_42, %mul3A_43 in 1 : vector<2048x64xf32>, vector<2048x64xf32>, vector<2048x64xf32>, vector<2048x64xf32>, vector<2048x64xf32> -> vector<2048x320xf32>
    %get3A_44 = arith.constant 0 : index
    %get3A_45 = arith.constant 0 : index
    %get3A_46 = vector.load %arg1[%get3A_44, %get3A_45] : memref<320x128xf32, #tpu.memory_space<vmem>>, vector<320x128xf32>
    %dot_general3A = arith.constant dense<0.000000e+00> : vector<2048x128xf32>
    %dot_general3A_47 = tpu.matmul %concatenate3A, %get3A_46, %dot_general3A {dimension_numbers = #tpu.dot_dimension_numbers<[1], [0], [0], [1], [0, 0, 1, 1], [], []>, transpose_lhs_hint = false} : vector<2048x320xf32>, vector<320x128xf32>, vector<2048x128xf32> -> vector<2048x128xf32>
    %exp3A = math.exp %dot_general3A_47 : vector<2048x128xf32>
    %slice3A_48 = vector.extract_strided_slice %exp3A {offsets = [0, 0], sizes = [2048, 8], strides = [1, 1]} : vector<2048x128xf32> to vector<2048x8xf32>
    %slice3A_49 = vector.extract_strided_slice %exp3A {offsets = [0, 8], sizes = [2048, 8], strides = [1, 1]} : vector<2048x128xf32> to vector<2048x8xf32>
    %add3A = arith.addf %slice3A_48, %slice3A_49 : vector<2048x8xf32>
    %slice3A_50 = vector.extract_strided_slice %exp3A {offsets = [0, 16], sizes = [2048, 8], strides = [1, 1]} : vector<2048x128xf32> to vector<2048x8xf32>
    %add3A_51 = arith.addf %add3A, %slice3A_50 : vector<2048x8xf32>
    %slice3A_52 = vector.extract_strided_slice %exp3A {offsets = [0, 24], sizes = [2048, 8], strides = [1, 1]} : vector<2048x128xf32> to vector<2048x8xf32>
    %add3A_53 = arith.addf %add3A_51, %slice3A_52 : vector<2048x8xf32>
    %slice3A_54 = vector.extract_strided_slice %exp3A {offsets = [0, 32], sizes = [2048, 8], strides = [1, 1]} : vector<2048x128xf32> to vector<2048x8xf32>
    %add3A_55 = arith.addf %add3A_53, %slice3A_54 : vector<2048x8xf32>
    %slice3A_56 = vector.extract_strided_slice %exp3A {offsets = [0, 0], sizes = [2048, 40], strides = [1, 1]} : vector<2048x128xf32> to vector<2048x40xf32>
    %tile3A = tpu.concatenate %add3A_55, %add3A_55, %add3A_55, %add3A_55, %add3A_55 in 1 : vector<2048x8xf32>, vector<2048x8xf32>, vector<2048x8xf32>, vector<2048x8xf32>, vector<2048x8xf32> -> vector<2048x40xf32>
    %div3A = arith.divf %slice3A_56, %tile3A : vector<2048x40xf32>
    %get3A_57 = arith.constant 0 : index
    %get3A_58 = arith.constant 0 : index
    %get3A_59 = vector.load %arg2[%get3A_57, %get3A_58] : memref<40x320xf32, #tpu.memory_space<vmem>>, vector<40x320xf32>
    %dot_general3A_60 = arith.constant dense<0.000000e+00> : vector<2048x320xf32>
    %dot_general3A_61 = tpu.matmul %div3A, %get3A_59, %dot_general3A_60 {dimension_numbers = #tpu.dot_dimension_numbers<[1], [0], [0], [1], [0, 0, 1, 1], [], []>, transpose_lhs_hint = false} : vector<2048x40xf32>, vector<40x320xf32>, vector<2048x320xf32> -> vector<2048x320xf32>
    %slice3A_62 = vector.extract_strided_slice %dot_general3A_61 {offsets = [0, 0], sizes = [2048, 64], strides = [1, 1]} : vector<2048x320xf32> to vector<2048x64xf32>
    %mul3A_63 = arith.mulf %slice3A_62, %slice3A_15 : vector<2048x64xf32>
    %add3A_64 = arith.constant 0.000000e+00 : f32
    %add3A_65 = vector.broadcast %add3A_64 : f32 to vector<2048x64xf32>
    %add3A_66 = arith.addf %add3A_65, %mul3A_63 : vector<2048x64xf32>
    %slice3A_67 = vector.extract_strided_slice %dot_general3A_61 {offsets = [0, 64], sizes = [2048, 64], strides = [1, 1]} : vector<2048x320xf32> to vector<2048x64xf32>
    %mul3A_68 = arith.mulf %slice3A_67, %slice3A_21 : vector<2048x64xf32>
    %add3A_69 = arith.addf %add3A_66, %mul3A_68 : vector<2048x64xf32>
    %slice3A_70 = vector.extract_strided_slice %dot_general3A_61 {offsets = [0, 128], sizes = [2048, 64], strides = [1, 1]} : vector<2048x320xf32> to vector<2048x64xf32>
    %mul3A_71 = arith.mulf %slice3A_70, %slice3A_27 : vector<2048x64xf32>
    %add3A_72 = arith.addf %add3A_69, %mul3A_71 : vector<2048x64xf32>
    %slice3A_73 = vector.extract_strided_slice %dot_general3A_61 {offsets = [0, 192], sizes = [2048, 64], strides = [1, 1]} : vector<2048x320xf32> to vector<2048x64xf32>
    %mul3A_74 = arith.mulf %slice3A_73, %slice3A_33 : vector<2048x64xf32>
    %add3A_75 = arith.addf %add3A_72, %mul3A_74 : vector<2048x64xf32>
    %slice3A_76 = vector.extract_strided_slice %dot_general3A_61 {offsets = [0, 256], sizes = [2048, 64], strides = [1, 1]} : vector<2048x320xf32> to vector<2048x64xf32>
    %mul3A_77 = arith.mulf %slice3A_76, %slice3A_39 : vector<2048x64xf32>
    %add3A_78 = arith.addf %add3A_75, %mul3A_77 : vector<2048x64xf32>
    %mul3A_79 = arith.constant 2.000000e-01 : f32
    %mul3A_80 = vector.broadcast %mul3A_79 : f32 to vector<2048x64xf32>
    %mul3A_81 = arith.mulf %mul3A_80, %add3A_78 : vector<2048x64xf32>
    %add3A_82 = arith.addf %slice3A, %mul3A_81 : vector<2048x64xf32>
    %concatenate3A_83 = tpu.concatenate %add3A_82, %slice3A_9 in 1 : vector<2048x64xf32>, vector<2048x64xf32> -> vector<2048x128xf32>
    %get3A_84 = arith.constant 0 : index
    %get3A_85 = arith.constant 0 : index
    %get3A_86 = vector.load %arg3[%get3A_84, %get3A_85] : memref<128x128xf32, #tpu.memory_space<vmem>>, vector<128x128xf32>
    %dot_general3A_87 = arith.constant dense<0.000000e+00> : vector<2048x128xf32>
    %dot_general3A_88 = tpu.matmul %concatenate3A_83, %get3A_86, %dot_general3A_87 {dimension_numbers = #tpu.dot_dimension_numbers<[1], [0], [0], [1], [0, 0, 1, 1], [], []>, transpose_lhs_hint = false} : vector<2048x128xf32>, vector<128x128xf32>, vector<2048x128xf32> -> vector<2048x128xf32>
    %get3A_89 = arith.constant 0 : index
    %get3A_90 = arith.constant 0 : index
    %get3A_91 = vector.load %arg4[%get3A_89, %get3A_90] : memref<1x128xf32, #tpu.memory_space<vmem>>, vector<1x128xf32>
    %add3A_92 = vector.broadcast %get3A_91 : vector<1x128xf32> to vector<2048x128xf32>
    %add3A_93 = arith.addf %dot_general3A_88, %add3A_92 : vector<2048x128xf32>
    %max3A = arith.constant 0.000000e+00 : f32
    %max3A_94 = vector.broadcast %max3A : f32 to vector<2048x128xf32>
    %max3A_95 = arith.maximumf %add3A_93, %max3A_94 : vector<2048x128xf32>
    %get3A_96 = arith.constant 0 : index
    %get3A_97 = arith.constant 0 : index
    %get3A_98 = vector.load %arg5[%get3A_96, %get3A_97] : memref<128x64xf32, #tpu.memory_space<vmem>>, vector<128x64xf32>
    %dot_general3A_99 = arith.constant dense<0.000000e+00> : vector<2048x64xf32>
    %dot_general3A_100 = tpu.matmul %max3A_95, %get3A_98, %dot_general3A_99 {dimension_numbers = #tpu.dot_dimension_numbers<[1], [0], [0], [1], [0, 0, 1, 1], [], []>, transpose_lhs_hint = false} : vector<2048x128xf32>, vector<128x64xf32>, vector<2048x64xf32> -> vector<2048x64xf32>
    %get3A_101 = arith.constant 0 : index
    %get3A_102 = arith.constant 0 : index
    %get3A_103 = vector.load %arg6[%get3A_101, %get3A_102] : memref<1x64xf32, #tpu.memory_space<vmem>>, vector<1x64xf32>
    %add3A_104 = vector.broadcast %get3A_103 : vector<1x64xf32> to vector<2048x64xf32>
    %add3A_105 = arith.addf %dot_general3A_100, %add3A_104 : vector<2048x64xf32>
    %max3A_106 = arith.constant 0.000000e+00 : f32
    %max3A_107 = vector.broadcast %max3A_106 : f32 to vector<2048x64xf32>
    %max3A_108 = arith.maximumf %add3A_105, %max3A_107 : vector<2048x64xf32>
    %get3A_109 = arith.constant 0 : index
    %get3A_110 = arith.constant 0 : index
    %get3A_111 = vector.load %arg7[%get3A_109, %get3A_110] : memref<64x1xf32, #tpu.memory_space<vmem>>, vector<64x1xf32>
    %dot_general3A_112 = arith.constant dense<0.000000e+00> : vector<2048x1xf32>
    %dot_general3A_113 = tpu.matmul %max3A_108, %get3A_111, %dot_general3A_112 {dimension_numbers = #tpu.dot_dimension_numbers<[1], [0], [0], [1], [0, 0, 1, 1], [], []>, transpose_lhs_hint = false} : vector<2048x64xf32>, vector<64x1xf32>, vector<2048x1xf32> -> vector<2048x1xf32>
    %get3A_114 = arith.constant 0 : index
    %get3A_115 = arith.constant 0 : index
    %get3A_116 = vector.load %arg8[%get3A_114, %get3A_115] : memref<1x1xf32, #tpu.memory_space<vmem>>, vector<1x1xf32>
    %add3A_117 = vector.broadcast %get3A_116 : vector<1x1xf32> to vector<2048x1xf32>
    %add3A_118 = arith.addf %dot_general3A_113, %add3A_117 : vector<2048x1xf32>
    %neg3A = arith.constant 0.000000e+00 : f32
    %neg3A_119 = vector.broadcast %neg3A : f32 to vector<2048x1xf32>
    %neg3A_120 = arith.subf %neg3A_119, %add3A_118 : vector<2048x1xf32>
    %exp3A_121 = math.exp %neg3A_120 : vector<2048x1xf32>
    %add3A_122 = arith.constant 1.000000e+00 : f32
    %add3A_123 = vector.broadcast %add3A_122 : f32 to vector<2048x1xf32>
    %add3A_124 = arith.addf %add3A_123, %exp3A_121 : vector<2048x1xf32>
    %div3A_125 = arith.constant 1.000000e+00 : f32
    %div3A_126 = vector.broadcast %div3A_125 : f32 to vector<2048x1xf32>
    %div3A_127 = arith.divf %div3A_126, %add3A_124 : vector<2048x1xf32>
    %swap3A = arith.constant 0 : index
    %swap3A_128 = arith.constant 0 : index
    %swap3A_129 = vector.load %arg9[%swap3A, %swap3A_128] : memref<2048x1xf32, #tpu.memory_space<vmem>>, vector<2048x1xf32>
    tpu.vector_store %arg9[%swap3A, %swap3A_128], %div3A_127 {strides = array<i32>} : memref<2048x1xf32, #tpu.memory_space<vmem>>, vector<2048x1xf32>,
    return
  }
}

</mosaic_0001>

<sc_bundles>
// kernel: kernel.10.cloned.1.call-start
scs
__scs_entry_jumppad:
0x0: {  	(pc) =	sbr.rel $0x88, $3  }
0x1: {  	(tag) =	ssettag $0x0;
	lr =	simm.s32 $0x1  }
0x2: {  	[smem:$0x3F90] =	sst lr;
	_ =	strace $0xD0000000  }
0x3: {  	_ = 	snop  }
0x4: {  	_ = 	snop  }
0x5: {  	_ = 	snop  }
0x6: {  	_ = 	snop  }
0x7: {  	_ = 	snop  }
__scs_overlays_trampoline_lowered:
0x8: {  	[smem:$0x3F9F] =	sst s0  }
0x9: {  	[smem:$0x3FA0] =	sst s1  }
0xa: {  	[smem:$0x3FA1] =	sst s2  }
0xb: {  	[smem:$0x3FA2] =	sst s3  }
0xc: {  	[smem:$0x3FA3] =	sst s4  }
0xd: {  	[smem:$0x3FA4] =	sst s5  }
0xe: {  	[smem:$0x3FA5] =	sst s6  }
0xf: {  	[smem:$0x3FA6] =	sst s7  }
0x10: {  	[smem:$0x3FA7] =	sst s8  }
0x11: {  	[smem:$0x3FA8] =	sst s9;
	s0 =	simm.s32 @!p0 $0x0  }
0x12: {  	s1 =	sld [smem:$0x3F8E];
	s0 =	simm.s32 @p0 $0x1  }
0x13: {  	[smem:$0x3FA9] =	sst s0;
	s0 =	simm.s32 @!p1 $0x0  }
0x14: {  	s2 =	sld [smem:$0x3F8D];
	s0 =	simm.s32 @p1 $0x1  }
0x15: {  	[smem:$0x3FAA] =	sst s0;
	s0 =	simm.s32 @!p2 $0x0  }
0x16: {  	s3 =	sld [smem:$0x3FDB];
	s0 =	simm.s32 @p2 $0x1  }
0x17: {  	s4 =	simm.s32 $0x1BF5;
	[smem:$0x3FAC] =	sst s0  }
0x18: {  	s0 =	sld [smem:$0x3F8F];
	_ =	swait.ge [sflag:s4], $0x0  }
0x19: {  	s7 =	sld [smem:$0x3F90]  }
0x1a: {  	s8 =	sadd.s32 $0xFFFFE003, lr  }
0x1b: {  	s9 =	sadd.s32 $0xFFFFFEF7, lr;
	s5 =	simm.s32 $0xFFFFFFFF;
	p2 =	slt.u32 s8, $0xFFFFF086  }
0x1c: {  	p1 =	slt.u32 s9, $0xF7A;
	s5 =	simm.s32 @!p2 $0x0  }
0x1d: {  	s5 =	simm.s32 @p1 $0x1;
	p0 =	seq.s32 s7, s2  }
0x1e: {  	s7 =	smul.u32 @!p0 $0xF7A, s2;
	p2 =	seq.s32 @!p0 s5, $0x0  }
0x1f: {  	s9 =	smul.u32 $0xF7A, s1;
	s8 =	simm.s32 @!p0 $0x1BF5;
	p2 =	por !p2, p0  }
0x20: {  	[sflag:s8] =	ssyncset.s32 @!p0 $0xFFFFF086;
	s6 =	sadd.s32 @!p0 s3, s7;
	s7 =	simm.s32 @!p0 $0x108  }
0x21: {  	s3 =	sadd.s32 s3, s9;
	s6 =	sadd.s32 @!p0 $0x88, s6;
	s7 =	simm.s32 @p2 $0x1082  }
0x22: {  	[simem:s7], [sflag:s8] =	dma.local @!p0 [hbm:s6], $0xF7A  }
0x23: {  	s9 =	sor.u32 $0xD0000000, s2;
	s6 =	simm.s32 $0x108;
	_ =	swait.ge @!p0 [sflag:s8], $0x0  }
0x24: {  	s3 =	sadd.s32 $0x88, s3;
	s6 =	simm.s32 @!p1 $0x1082;
	[sflag:s4] =	ssyncset.s32 $0xFFFFF086  }
0x25: {  	[simem:s6], [sflag:s4] =	dma.local [hbm:s3], $0xF7A  }
0x26: {  	[smem:$0x3F90] =	sst s1;
	(tag) =	ssettag s2;
	_ =	strace s9  }
0x27: {  	s1 =	sld [smem:$0x3FA0]  }
0x28: {  	s2 =	sld [smem:$0x3FA1]  }
0x29: {  	s4 =	sld [smem:$0x3FA3]  }
0x2a: {  	p0 =	seq.s32 s5, $0x0;
	s5 =	sld [smem:$0x3FA4]  }
0x2b: {  	s6 =	sld [smem:$0x3FA5]  }
0x2c: {  	s7 =	sld [smem:$0x3FA6]  }
0x2d: {  	s3 =	simm.s32 $0x108;
	s8 =	sld [smem:$0x3FA7]  }
0x2e: {  	s3 =	simm.s32 @!p0 $0x1082;
	s9 =	sld [smem:$0x3FA8]  }
0x2f: {  	lr =	sadd.s32 s0, s3;
	s0 =	sld [smem:$0x3F9F]  }
0x30: {  	s3 =	sld [smem:$0x3FA2]  }
0x31: {  	[smem:$0x3FAB] =	sst s10  }
0x32: {  	s10 =	sld [smem:$0x3FA9];
	_ =	sdelay $0x3  }
0x33: {  	p0 =	seq.s32 s10, $0x1;
	s10 =	sld [smem:$0x3FAB];
	_ =	sdelay $0x3  }
0x34: {  	[smem:$0x3FAB] =	sst s10  }
0x35: {  	s10 =	sld [smem:$0x3FAA];
	_ =	sdelay $0x3  }
0x36: {  	p1 =	seq.s32 s10, $0x1;
	s10 =	sld [smem:$0x3FAB];
	_ =	sdelay $0x3  }
0x37: {  	[smem:$0x3FAB] =	sst s10  }
0x38: {  	s10 =	sld [smem:$0x3FAC]  }
0x39: {  	_ = 	snop;
	(pc) =	sbr.ind lr, $3  }
0x3a: {  	_ = 	snop  }
0x3b: {  	_ = 	snop  }
0x3c: {  	p2 =	seq.s32 s10, $0x1;
	s10 =	sld [smem:$0x3FAB]  }
0x3d: {  	_ =	shalt  }
0x3e: {  	_ =	shalt  }
0x3f: {  	_ =	shalt  }
0x40: {  	_ =	shalt  }
0x41: {  	_ =	shalt  }
0x42: {  	_ =	shalt  }
0x43: {  	_ =	shalt  }
0x44: {  	_ =	shalt  }
0x45: {  	_ =	shalt  }
0x46: {  	_ =	shalt  }
0x47: {  	_ =	shalt  }
0x48: {  	_ =	shalt  }
0x49: {  	_ =	shalt  }
0x4a: {  	_ =	shalt  }
0x4b: {  	_ =	shalt  }
0x4c: {  	_ =	shalt  }
0x4d: {  	_ =	shalt  }
0x4e: {  	_ =	shalt  }
0x4f: {  	_ =	shalt  }
0x50: {  	_ =	shalt  }
0x51: {  	_ =	shalt  }
0x52: {  	_ =	shalt  }
0x53: {  	_ =	shalt  }
0x54: {  	_ =	shalt  }
0x55: {  	_ =	shalt  }
0x56: {  	_ =	shalt  }
0x57: {  	_ =	shalt  }
0x58: {  	_ =	shalt  }
0x59: {  	_ =	shalt  }
0x5a: {  	_ =	shalt  }
0x5b: {  	_ =	shalt  }
0x5c: {  	_ =	shalt  }
0x5d: {  	_ =	shalt  }
0x5e: {  	_ =	shalt  }
0x5f: {  	_ =	shalt  }
0x60: {  	_ =	shalt  }
0x61: {  	_ =	shalt  }
0x62: {  	_ =	shalt  }
0x63: {  	_ =	shalt  }
0x64: {  	_ =	shalt  }
0x65: {  	_ =	shalt  }
0x66: {  	_ =	shalt  }
0x67: {  	_ =	shalt  }
0x68: {  	_ =	shalt  }
0x69: {  	_ =	shalt  }
0x6a: {  	_ =	shalt  }
0x6b: {  	_ =	shalt  }
0x6c: {  	_ =	shalt  }
0x6d: {  	_ =	shalt  }
0x6e: {  	_ =	shalt  }
0x6f: {  	_ =	shalt  }
0x70: {  	_ =	shalt  }
0x71: {  	_ =	shalt  }
0x72: {  	_ =	shalt  }
0x73: {  	_ =	shalt  }
0x74: {  	_ =	shalt  }
0x75: {  	_ =	shalt  }
0x76: {  	_ =	shalt  }
0x77: {  	_ =	shalt  }
0x78: {  	_ =	shalt  }
0x79: {  	_ =	shalt  }
0x7a: {  	_ =	shalt  }
0x7b: {  	_ =	shalt  }
0x7c: {  	_ =	shalt  }
0x7d: {  	_ =	shalt  }
0x7e: {  	_ =	shalt  }
0x7f: {  	_ =	shalt  }
0x80: {  	_ =	shalt  }
0x81: {  	_ =	shalt  }
0x82: {  	_ =	shalt  }
0x83: {  	_ =	shalt  }
0x84: {  	_ =	shalt  }
0x85: {  	_ =	shalt  }
0x86: {  	_ =	shalt  }
0x87: {  	_ =	shalt  }
.Lfunc_end0:
.L_simem_size_0:
called_computation.1_lowered:
.L_overlay_start_0:
0x88: {  	s2 =	sld [smem:$0x3FD9]  }
0x89: {  	s3 =	sld [smem:$0x3FFE];
	_ =	sdelay $0x1  }
0x8a: {  	s1 =	srdreg.scid  }
0x8b: {  	s0 =	sand.u32 $0x1, s1  }
0x8c: {  	s17 =	sshll.u32 s0, $0xA;
	s2 =	sadd.s32 s3, s2  }
0x8d: {  	s2 =	sadd.s32 s2, s17  }
0x8e: {  	[smem:$0x3FB7] =	sst s2  }
0x8f: {  	_ = 	snop  }
0x90: {  	s2 =	sld [smem:$0x3FBF]  }
0x91: {  	s18 =	sld [smem:$0x3FBE]  }
0x92: {  	s4 =	sld [smem:$0x3FBD]  }
0x93: {  	s5 =	sld [smem:$0x3FBC]  }
0x94: {  	s6 =	sld [smem:$0x3FBB]  }
0x95: {  	s7 =	sld [smem:$0x3FBA]  }
0x96: {  	s8 =	sld [smem:$0x3FB9];
	(tm) =	ssettm $0x1  }
0x97: {  	s9 =	sld [smem:$0x3FFB];
	_ =	sdelay $0x3  }
0x98: {  	_ =	strace s9  }
0x99: {  	s9 =	sld [smem:$0x3FFC];
	_ =	sdelay $0x3  }
0x9a: {  	_ =	strace s9  }
0x9b: {  	s9 =	sld [smem:$0x3FFD];
	_ =	sdelay $0x3  }
0x9c: {  	_ =	strace s9  }
0x9d: {  	_ =	strace $0x8FFFFFFF  }
0x9e: {  	s19 =	sld [smem:$0x3FDB];
	_ =	sdelay $0x1  }
0x9f: {  	s10 =	simm.s32 $_scs_section_size  }
0xa0: {  	s11 =	simm.s32 $_size__tile_overlayer_lowered;
	s12 =	simm.s32 $_tile_overlayer_lowered  }
0xa1: {  	s22 =	simm.s32 $0x1BFF;
	s21 =	sshll.u32 s12, $0x1;
	s9 =	sadd.s32 s10, s19  }
0xa2: {  	s13 =	simm.s32 $0x0;
	s20 =	sshll.u32 s11, $0x1;
	s11 =	sadd.s32 s21, s9  }
0xa3: {  	[timem:s13], [sflag:s22] =	dma.local [hbm:s11], s20  }
0xa4: {  	_ =	swait.ge [sflag:s22], s20  }
0xa5: {  	s10 =	ssub.s32 $0x0, s20;
	[sflag:s22] =	ssyncset.done $0x0  }
0xa6: {  	[sflag:s22] =	ssyncadd.s32 s10;
	_ =	sdelay $0x1  }
0xa7: {  	s23 =	simm.s32 $0x1B8B  }
0xa8: {  	_ =	swait.ge [sflag:s23], $0x1  }
0xa9: {  	[sflag:s23] =	ssyncset.done $0x0  }
0xaa: {  	s25 =	simm.s32 $0x1B8E;
	s24 =	sld [smem:$0x3FFE];
	[sflag:s23] =	ssyncadd.s32 $0xFFFFFFFF  }
0xab: {  	s26 =	simm.s32 $execute0_lowered;
	[smem:$0x3FD2] =	sst s25  }
0xac: {  	s11 =	sshll.u32 s26, $0x1;
	_ =	strace $0x80000046;
	[dreg:$0x1] =	wrdreg $0xFFFFFFFF  }
0xad: {  	s28 =	simm.s32 $_size_execute0_lowered;
	s9 =	sadd.s32 s9, s11;
	[dreg:$0x0] =	wrdreg $0x0  }
0xae: {  	s11 =	sshll.u32 s28, $0x1;
	[dreg:$0x2] =	wrdreg s9  }
0xaf: {  	[dreg:$0x3] =	wrdreg s11  }
0xb0: {  	[dreg:$0x4] =	wrdreg $0xC0  }
0xb1: {  	_ =	task [dreg:s13], $0x5FFFF  }
0xb2: {  	[dreg:$0x1] =	wrdreg $0xFFFFFFFF  }
0xb3: {  	[dreg:$0x0] =	wrdreg $0x60  }
0xb4: {  	[dreg:$0x2] =	wrdreg s24  }
0xb5: {  	[dreg:$0x3] =	wrdreg s2  }
0xb6: {  	[dreg:$0x4] =	wrdreg s18  }
0xb7: {  	[dreg:$0x5] =	wrdreg s4  }
0xb8: {  	[dreg:$0x6] =	wrdreg s5  }
0xb9: {  	[dreg:$0x7] =	wrdreg s6  }
0xba: {  	[dreg:$0x8] =	wrdreg s7  }
0xbb: {  	[dreg:$0x9] =	wrdreg s8  }
0xbc: {  	[dreg:$0xa] =	wrdreg $0xA  }
0xbd: {  	_ =	task.clear_ibuf [dreg:s13], $0xBFFFF;
	_ =	strace $0x90000046  }
0xbe: {  	s29 =	simm.s32 $0xA;
	_ =	strace $0x80000048  }
0xbf: {  	_ =	swait.ge [sflag:s29], $0x1  }
0xc0: {  	[sflag:s29] =	ssyncadd.s32 $0xFFFFFFFF  }
0xc1: {  	_ =	strace $0x90000048  }
0xc2: {  	_ =	sfence  }
0xc3: {  	s30 =	sld [smem:$0x0];
	_ =	sdelay $0x2  }
0xc4: {  	s31 =	sshll.u32 s1, $0xD;
	s1 =	sshrl.u32 s1, $0x2  }
0xc5: {  	s3 =	sand.u32 $0x4000, s31;
	s1 =	sadd.s32 s1, s30  }
0xc6: {  	s0 =	sor.u32 s3, s0;
	s1 =	sshll.u32 s1, $0x11  }
0xc7: {  	s0 =	sor.u32 s1, s0  }
0xc8: {  	s0 =	sadd.s32 $0x8F2B, s0  }
0xc9: {  	[sflag:s0] =	ssyncadd.remote.s32 $0x1  }
0xca: {  	_ =	sfence.sel $0xFFFF  }
0xcb: {  	[dreg:$0x0] =	wrdreg $0xFFFFFFFF;
	(pc) =	sbr.abs _section_cstart, $3  }
0xcc: {  	[dreg:$0x1] =	wrdreg $0xFFFFFFFF  }
0xcd: {  	_ =	task.clear_ibuf [dreg:s13], $0x2FFFF;
	_ =	strace $0x9FFFFFFF  }
0xce: {  	(tm) =	ssettm $0x7FFFFFFF  }
0xcf: {  	_ =	shalt  }
tec
execute0_lowered:
.L_overlay_start_1:
0x0: {  	(tag) =	ssettag $0x1  }
0x1: {  	s0 =	rddreg [dreg:$0x0]  }
0x2: {  	s1 =	rddreg [dreg:$0x1]  }
0x3: {  	s4 =	rddreg [dreg:$0x2]  }
0x4: {  	s5 =	rddreg [dreg:$0x3]  }
0x5: {  	s6 =	rddreg [dreg:$0x4]  }
0x6: {  	s7 =	rddreg [dreg:$0x5];
	s2 =	srdreg.scid  }
0x7: {  	s8 =	rddreg [dreg:$0x6];
	s3 =	stileid.u32  }
0x8: {  	s10 =	rddreg [dreg:$0x7];
	s20 =	simm.s32 $0x80;
	s21 =	simm.s32 $0x100  }
0x9: {  	s22 =	simm.s32 $0x180;
	s23 =	simm.s32 $0x200;
	s24 =	simm.s32 $0x280  }
0xa: {  	s28 =	simm.s32 $0x1;
	s17 =	simm.s32 $0x400;
	s14 =	simm.s32 $0x2400  }
0xb: {  	p0 =	por $0x0, $0x0;
	s9 =	sand.u32 $0x1, s2;
	s3 =	sshll.u32 s3, $0x7  }
0xc: {  	s2 =	simm.s32 $0x0;
	s15 =	sadd.s32 $0x1A0400, s0;
	s18 =	sadd.s32 $0x1A8400, s0  }
0xd: {  	s19 =	sadd.s32 $0x1B0400, s0;
	s11 =	sshll.u32 s9, $0x6;
	[smem:$0x7FF] =	sst s2  }
0xe: {  	s9 =	ssub.s32 $0x2, s9;
	s3 =	sor.u32 s11, s3;
	_ =	strace $0x80000047  }
0xf: {  	s26 =	sshrl.u32 s9, $0x1;
	s11 =	sshrl.u32 s3, $0x3;
	s12 =	sshll.u32 s3, $0x4  }
0x10: {  	s3 =	sadd.s32 $0x1A00, s0;
	s11 =	sor.u32 $0x100, s11;
	s13 =	sadd.s32 s12, s0  }
0x11: {  	s1 =	sadd.s32 s1, s11;
	s25 =	sadd.s32 s4, s11;
	s5 =	sadd.s32 s5, s11  }
0x12: {  	s4 =	ssub.s32 s9, s26;
	s6 =	sadd.s32 s6, s11;
	s29 =	sadd.s32 s7, s11  }
0x13: {  	s30 =	sadd.s32 s8, s11;
	s9 =	sadd.s32 $0x190400, s0;
	s31 =	sadd.s32 s10, s11  }
0x14: {  	s26 =	simm.s32 $0x40;
	s10 =	sadd.s32 s12, s15;
	s8 =	sadd.s32 s12, s18  }
0x15: {  	s7 =	sadd.s32 s12, s19;
	s18 =	simm.s32 $0x4400;
	s19 =	simm.s32 $0x6400  }
0x16: {  	s15 =	simm.s32 $0x8400;
	[dreg:$0x9] =	wrdreg s1;
	s4 =	smax.u32 s4, $0x1  }
0x17: {  	s11 =	simm.s32 $0x2;
	[dreg:$0xa] =	wrdreg s25;
	p1 =	sne.s32 s4, $0x1  }
.Ltmp0:
0x18: {  	[dreg:$0xb] =	wrdreg s5;
	s5 =	sadd.s32 $0x188400, s13;
	(pc) =	sbr.rel @!p1 .LBB2_3-.Ltmp0, $4  }
0x19: {  	[dreg:$0xc] =	wrdreg s6;
	s13 =	sadd.s32 $0x198400, s0;
	s0 =	sadd.s32 $0x1B8400, s0  }
0x1a: {  	s25 =	simm.s32 $0x300;
	s16 =	sadd.s32 s12, s9;
	s9 =	simm.s32 $0xC400  }
0x1b: {  	s13 =	sadd.s32 s12, s13;
	s6 =	sadd.s32 s12, s0;
	s1 =	sadd.s32 $0xFFFFFFFF, s4  }
0x1c: {  	s12 =	simm.s32 $0xA400;
	s4 =	simm.s32 $0x3;
	s0 =	rddreg [dreg:$0x9]  }
0x1d: {  	[dreg:$0xd] =	wrdreg s1  }
0x1e: {  	[tilespmem:s2], [sflag:$0x1] =	stream.linear.gather [hbm4b:s0+s2], $0x40, $0x38;
	[tilespmem:$0xE400] =	vst v63  }
0x1f: {  	s1 =	rddreg [dreg:$0xa]  }
0x20: {  	[tilespmem:s20], [sflag:$0x1] =	stream.linear.gather [hbm4b:s1+s2], $0x40, $0x38;
	[tilespmem:$0xE400] =	vst v63  }
0x21: {  	s0 =	rddreg [dreg:$0xb]  }
0x22: {  	[tilespmem:s21], [sflag:$0x1] =	stream.linear.gather [hbm4b:s0+s2], $0x40, $0x38;
	[tilespmem:$0xE400] =	vst v63  }
0x23: {  	s1 =	rddreg [dreg:$0xc]  }
0x24: {  	[tilespmem:s22], [sflag:$0x1] =	stream.linear.gather [hbm4b:s1+s2], $0x40, $0x38;
	[tilespmem:$0xE400] =	vst v63  }
0x25: {  	_ = 	snop  }
0x26: {  	[tilespmem:s23], [sflag:$0x1] =	stream.linear.gather [hbm4b:s29+s2], $0x40, $0x38;
	[tilespmem:$0xE400] =	vst v63  }
0x27: {  	_ = 	snop  }
0x28: {  	[tilespmem:s24], [sflag:$0x1] =	stream.linear.gather [hbm4b:s30+s2], $0x40, $0x38;
	[tilespmem:$0xE400] =	vst v63  }
0x29: {  	_ = 	snop  }
0x2a: {  	[tilespmem:s25], [sflag:$0x1] =	stream.linear.gather [hbm4b:s31+s2], $0x40, $0x38;
	[tilespmem:$0xE400] =	vst v63  }
0x2b: {  	_ =	swait.ge [sflag:s28], $0x40  }
0x2c: {  	[sflag:s28] =	ssyncset.done $0x0  }
0x2d: {  	[sflag:s28] =	ssyncadd.s32 $0xFFFFFFC0  }
0x2e: {  	_ =	swait.ge [sflag:s28], $0x40  }
0x2f: {  	[sflag:s28] =	ssyncset.done $0x0  }
0x30: {  	[sflag:s28] =	ssyncadd.s32 $0xFFFFFFC0  }
0x31: {  	_ =	swait.ge [sflag:s28], $0x40  }
0x32: {  	[sflag:s28] =	ssyncset.done $0x0  }
0x33: {  	[sflag:s28] =	ssyncadd.s32 $0xFFFFFFC0  }
0x34: {  	_ =	swait.ge [sflag:s28], $0x40  }
0x35: {  	[sflag:s28] =	ssyncset.done $0x0  }
0x36: {  	[sflag:s28] =	ssyncadd.s32 $0xFFFFFFC0  }
0x37: {  	_ =	swait.ge [sflag:s28], $0x40  }
0x38: {  	[sflag:s28] =	ssyncset.done $0x0  }
0x39: {  	[sflag:s28] =	ssyncadd.s32 $0xFFFFFFC0  }
0x3a: {  	_ =	swait.ge [sflag:s28], $0x40  }
0x3b: {  	[sflag:s28] =	ssyncset.done $0x0  }
0x3c: {  	[sflag:s28] =	ssyncadd.s32 $0xFFFFFFC0  }
0x3d: {  	_ =	swait.ge [sflag:s28], $0x40  }
0x3e: {  	[sflag:s28] =	ssyncset.done $0x0  }
0x3f: {  	[sflag:s28] =	ssyncadd.s32 $0xFFFFFFC0  }
0x40: {  	[tilespmem:s17], [sflag:$0x2] =	stream.indirect.gather [hbm4b:s3+s26], $0x80, s2, s26, $0xb8;
	[tilespmem:$0xE400] =	vst v63  }
0x41: {  	_ = 	snop  }
0x42: {  	[tilespmem:s14], [sflag:$0x2] =	stream.indirect.gather [hbm4b:s3+s26], $0x80, s20, s26, $0xb8;
	[tilespmem:$0xE400] =	vst v63  }
0x43: {  	_ = 	snop  }
0x44: {  	[tilespmem:s18], [sflag:$0x2] =	stream.indirect.gather [hbm4b:s3+s26], $0x80, s21, s26, $0xb8;
	[tilespmem:$0xE400] =	vst v63  }
0x45: {  	_ = 	snop  }
0x46: {  	[tilespmem:s19], [sflag:$0x2] =	stream.indirect.gather [hbm4b:s3+s26], $0x80, s22, s26, $0xb8;
	[tilespmem:$0xE400] =	vst v63  }
0x47: {  	_ = 	snop  }
0x48: {  	[tilespmem:s15], [sflag:$0x2] =	stream.indirect.gather [hbm4b:s3+s26], $0x80, s23, s26, $0xb8;
	[tilespmem:$0xE400] =	vst v63  }
0x49: {  	_ = 	snop  }
0x4a: {  	[tilespmem:s12], [sflag:$0x2] =	stream.indirect.gather [hbm4b:s3+s26], $0x80, s24, s26, $0xb8;
	[tilespmem:$0xE400] =	vst v63  }
0x4b: {  	_ = 	snop  }
0x4c: {  	[tilespmem:s9], [sflag:$0x2] =	stream.indirect.gather [hbm4b:s3+s26], $0x80, s25, s26, $0xb8;
	[tilespmem:$0xE400] =	vst v63  }
0x4d: {  	_ =	swait.ge [sflag:s11], $0x2000  }
0x4e: {  	[sflag:s11] =	ssyncset.done $0x0  }
0x4f: {  	[sflag:s11] =	ssyncadd.s32 $0xFFFFE000  }
0x50: {  	[hbm4b:s5+s2] =	stream.linear.scatter [tilespmem:s17], [sflag:$0x3], $0x2000, $0x38;
	[tilespmem:$0xE400] =	vst v63  }
0x51: {  	_ =	swait.ge [sflag:s11], $0x2000  }
0x52: {  	[sflag:s11] =	ssyncset.done $0x0  }
0x53: {  	[sflag:s11] =	ssyncadd.s32 $0xFFFFE000  }
0x54: {  	[hbm4b:s16+s2] =	stream.linear.scatter [tilespmem:s14], [sflag:$0x3], $0x2000, $0x38;
	[tilespmem:$0xE400] =	vst v63  }
0x55: {  	_ =	swait.ge [sflag:s11], $0x2000  }
0x56: {  	[sflag:s11] =	ssyncset.done $0x0  }
0x57: {  	[sflag:s11] =	ssyncadd.s32 $0xFFFFE000  }
0x58: {  	[hbm4b:s13+s2] =	stream.linear.scatter [tilespmem:s18], [sflag:$0x3], $0x2000, $0x38;
	[tilespmem:$0xE400] =	vst v63  }
0x59: {  	_ =	swait.ge [sflag:s11], $0x2000  }
0x5a: {  	[sflag:s11] =	ssyncset.done $0x0  }
0x5b: {  	[sflag:s11] =	ssyncadd.s32 $0xFFFFE000  }
0x5c: {  	[hbm4b:s10+s2] =	stream.linear.scatter [tilespmem:s19], [sflag:$0x3], $0x2000, $0x38;
	[tilespmem:$0xE400] =	vst v63  }
0x5d: {  	_ =	swait.ge [sflag:s11], $0x2000  }
0x5e: {  	[sflag:s11] =	ssyncset.done $0x0  }
0x5f: {  	[sflag:s11] =	ssyncadd.s32 $0xFFFFE000  }
0x60: {  	[hbm4b:s8+s2] =	stream.linear.scatter [tilespmem:s15], [sflag:$0x3], $0x2000, $0x38;
	[tilespmem:$0xE400] =	vst v63  }
0x61: {  	_ =	swait.ge [sflag:s11], $0x2000  }
0x62: {  	[sflag:s11] =	ssyncset.done $0x0  }
0x63: {  	[sflag:s11] =	ssyncadd.s32 $0xFFFFE000  }
0x64: {  	[hbm4b:s7+s2] =	stream.linear.scatter [tilespmem:s12], [sflag:$0x3], $0x2000, $0x38;
	[tilespmem:$0xE400] =	vst v63  }
0x65: {  	_ =	swait.ge [sflag:s11], $0x2000  }
0x66: {  	[sflag:s11] =	ssyncset.done $0x0  }
0x67: {  	[sflag:s11] =	ssyncadd.s32 $0xFFFFE000  }
0x68: {  	[hbm4b:s6+s2] =	stream.linear.scatter [tilespmem:s9], [sflag:$0x3], $0x2000, $0x38;
	[tilespmem:$0xE400] =	vst v63  }
0x69: {  	_ =	swait.ge [sflag:s4], $0x2000  }
0x6a: {  	[sflag:s4] =	ssyncset.done $0x0  }
0x6b: {  	[sflag:s4] =	ssyncadd.s32 $0xFFFFE000  }
0x6c: {  	_ =	swait.ge [sflag:s4], $0x2000  }
0x6d: {  	[sflag:s4] =	ssyncset.done $0x0  }
0x6e: {  	[sflag:s4] =	ssyncadd.s32 $0xFFFFE000  }
0x6f: {  	_ =	swait.ge [sflag:s4], $0x2000  }
0x70: {  	[sflag:s4] =	ssyncset.done $0x0  }
0x71: {  	[sflag:s4] =	ssyncadd.s32 $0xFFFFE000  }
0x72: {  	_ =	swait.ge [sflag:s4], $0x2000  }
0x73: {  	[sflag:s4] =	ssyncset.done $0x0  }
0x74: {  	[sflag:s4] =	ssyncadd.s32 $0xFFFFE000  }
0x75: {  	_ =	swait.ge [sflag:s4], $0x2000  }
0x76: {  	[sflag:s4] =	ssyncset.done $0x0  }
0x77: {  	[sflag:s4] =	ssyncadd.s32 $0xFFFFE000  }
0x78: {  	_ =	swait.ge [sflag:s4], $0x2000  }
0x79: {  	s1 =	rddreg [dreg:$0xd]  }
0x7a: {  	p1 =	sne.s32 s1, $0x1  }
.Ltmp1:
0x7b: {  	_ = 	snop;
	(pc) =	sbr.rel @!p1 .LBB2_3-.Ltmp1, $4  }
0x7c: {  	[sflag:s4] =	ssyncset.done $0x0  }
0x7d: {  	[sflag:s4] =	ssyncadd.s32 $0xFFFFE000  }
0x7e: {  	p0 =	por $0x1, $0x1;
	_ =	swait.ge [sflag:s4], $0x2000  }
0x7f: {  	s1 =	sadd.s32 $0xFFFFFFFF, s1;
	s0 =	rddreg [dreg:$0x9];
	[sflag:s4] =	ssyncset.done $0x0  }
.LBB2_2:
0x80: {  	[sflag:s4] =	ssyncadd.s32 $0xFFFFE000;
	s9 =	smov.u32 s8;
	s8 =	smov.u32 s7  }
0x81: {  	[tilespmem:s2], [sflag:$0x1] =	stream.linear.gather [hbm4b:s0+s2], $0x40, $0x38;
	[tilespmem:$0xE400] =	vst v63  }
0x82: {  	s7 =	smov.u32 s6;
	s6 =	smov.u32 s5;
	s5 =	rddreg [dreg:$0xa]  }
0x83: {  	[tilespmem:s20], [sflag:$0x1] =	stream.linear.gather [hbm4b:s5+s2], $0x40, $0x38;
	[tilespmem:$0xE400] =	vst v63  }
0x84: {  	s0 =	rddreg [dreg:$0xb]  }
0x85: {  	[tilespmem:s21], [sflag:$0x1] =	stream.linear.gather [hbm4b:s0+s2], $0x40, $0x38;
	[tilespmem:$0xE400] =	vst v63  }
0x86: {  	s5 =	rddreg [dreg:$0xc]  }
0x87: {  	[tilespmem:s22], [sflag:$0x1] =	stream.linear.gather [hbm4b:s5+s2], $0x40, $0x38;
	[tilespmem:$0xE400] =	vst v63  }
0x88: {  	_ = 	snop  }
0x89: {  	[tilespmem:s23], [sflag:$0x1] =	stream.linear.gather [hbm4b:s29+s2], $0x40, $0x38;
	[tilespmem:$0xE400] =	vst v63  }
0x8a: {  	_ = 	snop  }
0x8b: {  	[tilespmem:s24], [sflag:$0x1] =	stream.linear.gather [hbm4b:s30+s2], $0x40, $0x38;
	[tilespmem:$0xE400] =	vst v63  }
0x8c: {  	_ = 	snop  }
0x8d: {  	[tilespmem:s25], [sflag:$0x1] =	stream.linear.gather [hbm4b:s31+s2], $0x40, $0x38;
	[tilespmem:$0xE400] =	vst v63  }
0x8e: {  	_ =	swait.ge [sflag:s28], $0x40  }
0x8f: {  	[sflag:s28] =	ssyncset.done $0x0  }
0x90: {  	[sflag:s28] =	ssyncadd.s32 $0xFFFFFFC0  }
0x91: {  	_ =	swait.ge [sflag:s28], $0x40  }
0x92: {  	[sflag:s28] =	ssyncset.done $0x0  }
0x93: {  	[sflag:s28] =	ssyncadd.s32 $0xFFFFFFC0  }
0x94: {  	_ =	swait.ge [sflag:s28], $0x40  }
0x95: {  	[sflag:s28] =	ssyncset.done $0x0  }
0x96: {  	[sflag:s28] =	ssyncadd.s32 $0xFFFFFFC0  }
0x97: {  	_ =	swait.ge [sflag:s28], $0x40  }
0x98: {  	[sflag:s28] =	ssyncset.done $0x0  }
0x99: {  	[sflag:s28] =	ssyncadd.s32 $0xFFFFFFC0  }
0x9a: {  	_ =	swait.ge [sflag:s28], $0x40  }
0x9b: {  	[sflag:s28] =	ssyncset.done $0x0  }
0x9c: {  	[sflag:s28] =	ssyncadd.s32 $0xFFFFFFC0  }
0x9d: {  	_ =	swait.ge [sflag:s28], $0x40  }
0x9e: {  	[sflag:s28] =	ssyncset.done $0x0  }
0x9f: {  	[sflag:s28] =	ssyncadd.s32 $0xFFFFFFC0  }
0xa0: {  	_ =	swait.ge [sflag:s28], $0x40  }
0xa1: {  	[sflag:s28] =	ssyncset.done $0x0  }
0xa2: {  	[sflag:s28] =	ssyncadd.s32 $0xFFFFFFC0  }
0xa3: {  	[tilespmem:s17], [sflag:$0x2] =	stream.indirect.gather [hbm4b:s3+s26], $0x80, s2, s26, $0xb8;
	[tilespmem:$0xE400] =	vst v63  }
0xa4: {  	_ = 	snop  }
0xa5: {  	[tilespmem:s14], [sflag:$0x2] =	stream.indirect.gather [hbm4b:s3+s26], $0x80, s20, s26, $0xb8;
	[tilespmem:$0xE400] =	vst v63  }
0xa6: {  	_ = 	snop  }
0xa7: {  	[tilespmem:s18], [sflag:$0x2] =	stream.indirect.gather [hbm4b:s3+s26], $0x80, s21, s26, $0xb8;
	[tilespmem:$0xE400] =	vst v63  }
0xa8: {  	_ = 	snop  }
0xa9: {  	[tilespmem:s19], [sflag:$0x2] =	stream.indirect.gather [hbm4b:s3+s26], $0x80, s22, s26, $0xb8;
	[tilespmem:$0xE400] =	vst v63  }
0xaa: {  	_ = 	snop  }
0xab: {  	[tilespmem:s15], [sflag:$0x2] =	stream.indirect.gather [hbm4b:s3+s26], $0x80, s23, s26, $0xb8;
	[tilespmem:$0xE400] =	vst v63  }
0xac: {  	s5 =	smov.u32 s6;
	s6 =	smov.u32 s7  }
0xad: {  	[tilespmem:s12], [sflag:$0x2] =	stream.indirect.gather [hbm4b:s3+s26], $0x80, s24, s26, $0xb8;
	[tilespmem:$0xE400] =	vst v63  }
0xae: {  	s7 =	smov.u32 s8;
	s8 =	smov.u32 s9;
	s9 =	simm.s32 $0xC400  }
0xaf: {  	[tilespmem:s9], [sflag:$0x2] =	stream.indirect.gather [hbm4b:s3+s26], $0x80, s25, s26, $0xb8;
	[tilespmem:$0xE400] =	vst v63  }
0xb0: {  	_ =	swait.ge [sflag:s11], $0x2000  }
0xb1: {  	[sflag:s11] =	ssyncset.done $0x0  }
0xb2: {  	[sflag:s11] =	ssyncadd.s32 $0xFFFFE000  }
0xb3: {  	[hbm4b:s5+s2] =	stream.linear.scatter [tilespmem:s17], [sflag:$0x3], $0x2000, $0x38;
	[tilespmem:$0xE400] =	vst v63  }
0xb4: {  	_ =	swait.ge [sflag:s11], $0x2000  }
0xb5: {  	[sflag:s11] =	ssyncset.done $0x0  }
0xb6: {  	[sflag:s11] =	ssyncadd.s32 $0xFFFFE000  }
0xb7: {  	[hbm4b:s16+s2] =	stream.linear.scatter [tilespmem:s14], [sflag:$0x3], $0x2000, $0x38;
	[tilespmem:$0xE400] =	vst v63  }
0xb8: {  	_ =	swait.ge [sflag:s11], $0x2000  }
0xb9: {  	[sflag:s11] =	ssyncset.done $0x0  }
0xba: {  	[sflag:s11] =	ssyncadd.s32 $0xFFFFE000  }
0xbb: {  	[hbm4b:s13+s2] =	stream.linear.scatter [tilespmem:s18], [sflag:$0x3], $0x2000, $0x38;
	[tilespmem:$0xE400] =	vst v63  }
0xbc: {  	_ =	swait.ge [sflag:s11], $0x2000  }
0xbd: {  	[sflag:s11] =	ssyncset.done $0x0  }
0xbe: {  	[sflag:s11] =	ssyncadd.s32 $0xFFFFE000  }
0xbf: {  	[hbm4b:s10+s2] =	stream.linear.scatter [tilespmem:s19], [sflag:$0x3], $0x2000, $0x38;
	[tilespmem:$0xE400] =	vst v63  }
0xc0: {  	_ =	swait.ge [sflag:s11], $0x2000  }
0xc1: {  	[sflag:s11] =	ssyncset.done $0x0  }
0xc2: {  	[sflag:s11] =	ssyncadd.s32 $0xFFFFE000  }
0xc3: {  	[hbm4b:s8+s2] =	stream.linear.scatter [tilespmem:s15], [sflag:$0x3], $0x2000, $0x38;
	[tilespmem:$0xE400] =	vst v63  }
0xc4: {  	_ =	swait.ge [sflag:s11], $0x2000  }
0xc5: {  	[sflag:s11] =	ssyncset.done $0x0  }
0xc6: {  	[sflag:s11] =	ssyncadd.s32 $0xFFFFE000  }
0xc7: {  	[hbm4b:s7+s2] =	stream.linear.scatter [tilespmem:s12], [sflag:$0x3], $0x2000, $0x38;
	[tilespmem:$0xE400] =	vst v63  }
0xc8: {  	_ =	swait.ge [sflag:s11], $0x2000  }
0xc9: {  	[sflag:s11] =	ssyncset.done $0x0  }
0xca: {  	[sflag:s11] =	ssyncadd.s32 $0xFFFFE000  }
0xcb: {  	[hbm4b:s6+s2] =	stream.linear.scatter [tilespmem:s9], [sflag:$0x3], $0x2000, $0x38;
	[tilespmem:$0xE400] =	vst v63  }
0xcc: {  	_ =	swait.ge [sflag:s4], $0x2000  }
0xcd: {  	[sflag:s4] =	ssyncset.done $0x0  }
0xce: {  	[sflag:s4] =	ssyncadd.s32 $0xFFFFE000  }
0xcf: {  	_ =	swait.ge [sflag:s4], $0x2000  }
0xd0: {  	[sflag:s4] =	ssyncset.done $0x0  }
0xd1: {  	[sflag:s4] =	ssyncadd.s32 $0xFFFFE000  }
0xd2: {  	_ =	swait.ge [sflag:s4], $0x2000  }
0xd3: {  	[sflag:s4] =	ssyncset.done $0x0  }
0xd4: {  	[sflag:s4] =	ssyncadd.s32 $0xFFFFE000  }
0xd5: {  	_ =	swait.ge [sflag:s4], $0x2000  }
0xd6: {  	[sflag:s4] =	ssyncset.done $0x0  }
0xd7: {  	[sflag:s4] =	ssyncadd.s32 $0xFFFFE000  }
0xd8: {  	_ =	swait.ge [sflag:s4], $0x2000  }
0xd9: {  	[sflag:s4] =	ssyncset.done $0x0  }
0xda: {  	p1 =	sne.s32 s1, $0x1;
	[sflag:s4] =	ssyncadd.s32 $0xFFFFE000  }
.Ltmp2:
0xdb: {  	_ =	swait.ge [sflag:s4], $0x2000;
	(pc) =	sbr.rel @p1 .LBB2_2-.Ltmp2, $4  }
0xdc: {  	[sflag:s4] =	ssyncset.done $0x0  }
0xdd: {  	[sflag:s4] =	ssyncadd.s32 $0xFFFFE000  }
0xde: {  	_ =	swait.ge [sflag:s4], $0x2000  }
0xdf: {  	s1 =	sadd.s32 $0xFFFFFFFF, s1;
	s0 =	rddreg [dreg:$0x9];
	[sflag:s4] =	ssyncset.done $0x0  }
.LBB2_3:
0xe0: {  	[sflag:s4] =	ssyncadd.s32 @p0 $0xFFFFE000  }
0xe1: {  	[tilespmem:s2], [sflag:$0x1] =	stream.linear.gather [hbm4b:s0+s2], $0x40, $0x38;
	[tilespmem:$0xE400] =	vst v63  }
0xe2: {  	s1 =	rddreg [dreg:$0xa]  }
0xe3: {  	[tilespmem:s20], [sflag:$0x1] =	stream.linear.gather [hbm4b:s1+s2], $0x40, $0x38;
	[tilespmem:$0xE400] =	vst v63  }
0xe4: {  	s0 =	rddreg [dreg:$0xb]  }
0xe5: {  	[tilespmem:s21], [sflag:$0x1] =	stream.linear.gather [hbm4b:s0+s2], $0x40, $0x38;
	[tilespmem:$0xE400] =	vst v63  }
0xe6: {  	s1 =	rddreg [dreg:$0xc]  }
0xe7: {  	[tilespmem:s22], [sflag:$0x1] =	stream.linear.gather [hbm4b:s1+s2], $0x40, $0x38;
	[tilespmem:$0xE400] =	vst v63  }
0xe8: {  	_ = 	snop  }
0xe9: {  	[tilespmem:s23], [sflag:$0x1] =	stream.linear.gather [hbm4b:s29+s2], $0x40, $0x38;
	[tilespmem:$0xE400] =	vst v63  }
0xea: {  	_ = 	snop  }
0xeb: {  	[tilespmem:s24], [sflag:$0x1] =	stream.linear.gather [hbm4b:s30+s2], $0x40, $0x38;
	[tilespmem:$0xE400] =	vst v63  }
0xec: {  	_ = 	snop  }
0xed: {  	[tilespmem:s25], [sflag:$0x1] =	stream.linear.gather [hbm4b:s31+s2], $0x40, $0x38;
	[tilespmem:$0xE400] =	vst v63  }
0xee: {  	_ =	swait.ge [sflag:s28], $0x40  }
0xef: {  	[sflag:s28] =	ssyncset.done $0x0  }
0xf0: {  	[sflag:s28] =	ssyncadd.s32 $0xFFFFFFC0  }
0xf1: {  	_ =	swait.ge [sflag:s28], $0x40  }
0xf2: {  	[sflag:s28] =	ssyncset.done $0x0  }
0xf3: {  	[sflag:s28] =	ssyncadd.s32 $0xFFFFFFC0  }
0xf4: {  	_ =	swait.ge [sflag:s28], $0x40  }
0xf5: {  	[sflag:s28] =	ssyncset.done $0x0  }
0xf6: {  	[sflag:s28] =	ssyncadd.s32 $0xFFFFFFC0  }
0xf7: {  	_ =	swait.ge [sflag:s28], $0x40  }
0xf8: {  	[sflag:s28] =	ssyncset.done $0x0  }
0xf9: {  	[sflag:s28] =	ssyncadd.s32 $0xFFFFFFC0  }
0xfa: {  	_ =	swait.ge [sflag:s28], $0x40  }
0xfb: {  	[sflag:s28] =	ssyncset.done $0x0  }
0xfc: {  	[sflag:s28] =	ssyncadd.s32 $0xFFFFFFC0  }
0xfd: {  	_ =	swait.ge [sflag:s28], $0x40  }
0xfe: {  	[sflag:s28] =	ssyncset.done $0x0  }
0xff: {  	[sflag:s28] =	ssyncadd.s32 $0xFFFFFFC0  }
0x100: {  	_ =	swait.ge [sflag:s28], $0x40  }
0x101: {  	[sflag:s28] =	ssyncset.done $0x0  }
0x102: {  	[sflag:s28] =	ssyncadd.s32 $0xFFFFFFC0  }
0x103: {  	[tilespmem:s17], [sflag:$0x2] =	stream.indirect.gather [hbm4b:s3+s26], $0x80, s2, s26, $0xb8;
	[tilespmem:$0xE400] =	vst v63  }
0x104: {  	_ = 	snop  }
0x105: {  	[tilespmem:s14], [sflag:$0x2] =	stream.indirect.gather [hbm4b:s3+s26], $0x80, s20, s26, $0xb8;
	[tilespmem:$0xE400] =	vst v63  }
0x106: {  	_ = 	snop  }
0x107: {  	[tilespmem:s18], [sflag:$0x2] =	stream.indirect.gather [hbm4b:s3+s26], $0x80, s21, s26, $0xb8;
	[tilespmem:$0xE400] =	vst v63  }
0x108: {  	_ = 	snop  }
0x109: {  	[tilespmem:s19], [sflag:$0x2] =	stream.indirect.gather [hbm4b:s3+s26], $0x80, s22, s26, $0xb8;
	[tilespmem:$0xE400] =	vst v63  }
0x10a: {  	_ = 	snop  }
0x10b: {  	[tilespmem:s15], [sflag:$0x2] =	stream.indirect.gather [hbm4b:s3+s26], $0x80, s23, s26, $0xb8;
	[tilespmem:$0xE400] =	vst v63  }
0x10c: {  	_ = 	snop  }
0x10d: {  	[tilespmem:s12], [sflag:$0x2] =	stream.indirect.gather [hbm4b:s3+s26], $0x80, s24, s26, $0xb8;
	[tilespmem:$0xE400] =	vst v63  }
0x10e: {  	_ = 	snop  }
0x10f: {  	[tilespmem:s9], [sflag:$0x2] =	stream.indirect.gather [hbm4b:s3+s26], $0x80, s25, s26, $0xb8;
	[tilespmem:$0xE400] =	vst v63  }
0x110: {  	_ =	swait.ge [sflag:s11], $0x2000  }
0x111: {  	[sflag:s11] =	ssyncset.done $0x0  }
0x112: {  	[sflag:s11] =	ssyncadd.s32 $0xFFFFE000  }
0x113: {  	[hbm4b:s5+s2] =	stream.linear.scatter [tilespmem:s17], [sflag:$0x3], $0x2000, $0x38;
	[tilespmem:$0xE400] =	vst v63  }
0x114: {  	_ =	swait.ge [sflag:s11], $0x2000  }
0x115: {  	[sflag:s11] =	ssyncset.done $0x0  }
0x116: {  	[sflag:s11] =	ssyncadd.s32 $0xFFFFE000  }
0x117: {  	[hbm4b:s16+s2] =	stream.linear.scatter [tilespmem:s14], [sflag:$0x3], $0x2000, $0x38;
	[tilespmem:$0xE400] =	vst v63  }
0x118: {  	_ =	swait.ge [sflag:s11], $0x2000  }
0x119: {  	[sflag:s11] =	ssyncset.done $0x0  }
0x11a: {  	[sflag:s11] =	ssyncadd.s32 $0xFFFFE000  }
0x11b: {  	[hbm4b:s13+s2] =	stream.linear.scatter [tilespmem:s18], [sflag:$0x3], $0x2000, $0x38;
	[tilespmem:$0xE400] =	vst v63  }
0x11c: {  	_ =	swait.ge [sflag:s11], $0x2000  }
0x11d: {  	[sflag:s11] =	ssyncset.done $0x0  }
0x11e: {  	[sflag:s11] =	ssyncadd.s32 $0xFFFFE000  }
0x11f: {  	[hbm4b:s10+s2] =	stream.linear.scatter [tilespmem:s19], [sflag:$0x3], $0x2000, $0x38;
	[tilespmem:$0xE400] =	vst v63  }
0x120: {  	_ =	swait.ge [sflag:s11], $0x2000  }
0x121: {  	[sflag:s11] =	ssyncset.done $0x0  }
0x122: {  	[sflag:s11] =	ssyncadd.s32 $0xFFFFE000  }
0x123: {  	[hbm4b:s8+s2] =	stream.linear.scatter [tilespmem:s15], [sflag:$0x3], $0x2000, $0x38;
	[tilespmem:$0xE400] =	vst v63  }
0x124: {  	_ =	swait.ge [sflag:s11], $0x2000  }
0x125: {  	[sflag:s11] =	ssyncset.done $0x0  }
0x126: {  	[sflag:s11] =	ssyncadd.s32 $0xFFFFE000  }
0x127: {  	[hbm4b:s7+s2] =	stream.linear.scatter [tilespmem:s12], [sflag:$0x3], $0x2000, $0x38;
	[tilespmem:$0xE400] =	vst v63  }
0x128: {  	_ =	swait.ge [sflag:s11], $0x2000  }
0x129: {  	[sflag:s11] =	ssyncset.done $0x0  }
0x12a: {  	[sflag:s11] =	ssyncadd.s32 $0xFFFFE000  }
0x12b: {  	[hbm4b:s6+s2] =	stream.linear.scatter [tilespmem:s9], [sflag:$0x3], $0x2000, $0x38;
	[tilespmem:$0xE400] =	vst v63  }
0x12c: {  	_ =	swait.ge [sflag:s4], $0x2000  }
0x12d: {  	[sflag:s4] =	ssyncset.done $0x0  }
0x12e: {  	[sflag:s4] =	ssyncadd.s32 $0xFFFFE000  }
0x12f: {  	_ =	swait.ge [sflag:s4], $0x2000  }
0x130: {  	[sflag:s4] =	ssyncset.done $0x0  }
0x131: {  	[sflag:s4] =	ssyncadd.s32 $0xFFFFE000  }
0x132: {  	_ =	swait.ge [sflag:s4], $0x2000  }
0x133: {  	[sflag:s4] =	ssyncset.done $0x0  }
0x134: {  	[sflag:s4] =	ssyncadd.s32 $0xFFFFE000  }
0x135: {  	_ =	swait.ge [sflag:s4], $0x2000  }
0x136: {  	[sflag:s4] =	ssyncset.done $0x0  }
0x137: {  	[sflag:s4] =	ssyncadd.s32 $0xFFFFE000  }
0x138: {  	_ =	swait.ge [sflag:s4], $0x2000  }
0x139: {  	[sflag:s4] =	ssyncset.done $0x0  }
0x13a: {  	[sflag:s4] =	ssyncadd.s32 $0xFFFFE000  }
0x13b: {  	_ =	swait.ge [sflag:s4], $0x2000  }
0x13c: {  	[sflag:s4] =	ssyncset.done $0x0  }
0x13d: {  	[sflag:s4] =	ssyncadd.s32 $0xFFFFE000  }
0x13e: {  	_ =	swait.ge [sflag:s4], $0x2000  }
0x13f: {  	[sflag:s4] =	ssyncset.done $0x0  }
0x140: {  	[sflag:s4] =	ssyncadd.s32 $0xFFFFE000  }
0x141: {  	_ =	sfence.sel $0x180000  }
0x142: {  	[bflag:$0x0] =	sbarrier.arrive $0xFFFF  }
0x143: {  	_ =	strace $0x90000047  }
0x144: {  	s31 =	stileid.u32;
	[bflag:$0x2] =	sbarrier.arrive $0xFFFF  }
0x145: {  	p0 =	sne.s32 s31, $0x0;
	s0 =	rddreg [dreg:$0x8]  }
0x146: {  	s0 =	sadd.s32 @!p0 $0x100000, s0  }
0x147: {  	[sflag:s0] =	ssyncadd.tile.s32 @!p0 $0x1;
	_ =	shalt  }
.Lfunc_end2:
_tile_overlayer_lowered:
.L_overlay_start_2:
0x148: {  	(tag) =	ssettag $0x2  }
0x149: {  	s0 =	rddreg [dreg:$0x0];
	s2 =	stileid.u32  }
0x14a: {  	s1 =	rddreg [dreg:$0x1];
	p0 =	sne.s32 s2, $0x0  }
0x14b: {  	s3 =	rddreg [dreg:$0x2];
	[bflag:$0x3] =	sbarrier.arrive $0xFFFF;
	s2 =	simm.s32 @!p0 $0x1C04  }
0x14c: {  	[timem:s3], [sflag:s2] =	dma.local @!p0 [hbm:s0], s1  }
0x14d: {  	s0 =	simm.s32 @!p0 $0x4  }
0x14e: {  	_ =	swait.ge @!p0 [sflag:s0], s1  }
0x14f: {  	s1 =	ssub.s32 @!p0 $0x0, s1;
	[sflag:s0] =	ssyncset.done @!p0 $0x0  }
0x150: {  	[sflag:s0] =	ssyncadd.s32 @!p0 s1  }
0x151: {  	[bflag:$0x3] =	sbarrier.arrive $0xFFFF  }
0x152: {  	_ =	shalt  }

// kernel: kernel.7.cloned.1.call-start
scs
__scs_entry_jumppad:
0x0: {  	(pc) =	sbr.rel $0x88, $3  }
0x1: {  	(tag) =	ssettag $0x0;
	lr =	simm.s32 $0x1  }
0x2: {  	[smem:$0x3F90] =	sst lr;
	_ =	strace $0xD0000000  }
0x3: {  	_ = 	snop  }
0x4: {  	_ = 	snop  }
0x5: {  	_ = 	snop  }
0x6: {  	_ = 	snop  }
0x7: {  	_ = 	snop  }
__scs_overlays_trampoline_lowered:
0x8: {  	[smem:$0x3F9F] =	sst s0  }
0x9: {  	[smem:$0x3FA0] =	sst s1  }
0xa: {  	[smem:$0x3FA1] =	sst s2  }
0xb: {  	[smem:$0x3FA2] =	sst s3  }
0xc: {  	[smem:$0x3FA3] =	sst s4  }
0xd: {  	[smem:$0x3FA4] =	sst s5  }
0xe: {  	[smem:$0x3FA5] =	sst s6  }
0xf: {  	[smem:$0x3FA6] =	sst s7  }
0x10: {  	[smem:$0x3FA7] =	sst s8  }
0x11: {  	[smem:$0x3FA8] =	sst s9;
	s0 =	simm.s32 @!p0 $0x0  }
0x12: {  	s1 =	sld [smem:$0x3F8E];
	s0 =	simm.s32 @p0 $0x1  }
0x13: {  	[smem:$0x3FA9] =	sst s0;
	s0 =	simm.s32 @!p1 $0x0  }
0x14: {  	s2 =	sld [smem:$0x3F8D];
	s0 =	simm.s32 @p1 $0x1  }
0x15: {  	[smem:$0x3FAA] =	sst s0;
	s0 =	simm.s32 @!p2 $0x0  }
0x16: {  	s3 =	sld [smem:$0x3FDB];
	s0 =	simm.s32 @p2 $0x1  }
0x17: {  	s4 =	simm.s32 $0x1BF5;
	[smem:$0x3FAC] =	sst s0  }
0x18: {  	s0 =	sld [smem:$0x3F8F];
	_ =	swait.ge [sflag:s4], $0x0  }
0x19: {  	s7 =	sld [smem:$0x3F90]  }
0x1a: {  	s8 =	sadd.s32 $0xFFFFE003, lr  }
0x1b: {  	s9 =	sadd.s32 $0xFFFFFEF7, lr;
	s5 =	simm.s32 $0xFFFFFFFF;
	p2 =	slt.u32 s8, $0xFFFFF086  }
0x1c: {  	p1 =	slt.u32 s9, $0xF7A;
	s5 =	simm.s32 @!p2 $0x0  }
0x1d: {  	s5 =	simm.s32 @p1 $0x1;
	p0 =	seq.s32 s7, s2  }
0x1e: {  	s7 =	smul.u32 @!p0 $0xF7A, s2;
	p2 =	seq.s32 @!p0 s5, $0x0  }
0x1f: {  	s9 =	smul.u32 $0xF7A, s1;
	s8 =	simm.s32 @!p0 $0x1BF5;
	p2 =	por !p2, p0  }
0x20: {  	[sflag:s8] =	ssyncset.s32 @!p0 $0xFFFFF086;
	s6 =	sadd.s32 @!p0 s3, s7;
	s7 =	simm.s32 @!p0 $0x108  }
0x21: {  	s3 =	sadd.s32 s3, s9;
	s6 =	sadd.s32 @!p0 $0x88, s6;
	s7 =	simm.s32 @p2 $0x1082  }
0x22: {  	[simem:s7], [sflag:s8] =	dma.local @!p0 [hbm:s6], $0xF7A  }
0x23: {  	s9 =	sor.u32 $0xD0000000, s2;
	s6 =	simm.s32 $0x108;
	_ =	swait.ge @!p0 [sflag:s8], $0x0  }
0x24: {  	s3 =	sadd.s32 $0x88, s3;
	s6 =	simm.s32 @!p1 $0x1082;
	[sflag:s4] =	ssyncset.s32 $0xFFFFF086  }
0x25: {  	[simem:s6], [sflag:s4] =	dma.local [hbm:s3], $0xF7A  }
0x26: {  	[smem:$0x3F90] =	sst s1;
	(tag) =	ssettag s2;
	_ =	strace s9  }
0x27: {  	s1 =	sld [smem:$0x3FA0]  }
0x28: {  	s2 =	sld [smem:$0x3FA1]  }
0x29: {  	s4 =	sld [smem:$0x3FA3]  }
0x2a: {  	p0 =	seq.s32 s5, $0x0;
	s5 =	sld [smem:$0x3FA4]  }
0x2b: {  	s6 =	sld [smem:$0x3FA5]  }
0x2c: {  	s7 =	sld [smem:$0x3FA6]  }
0x2d: {  	s3 =	simm.s32 $0x108;
	s8 =	sld [smem:$0x3FA7]  }
0x2e: {  	s3 =	simm.s32 @!p0 $0x1082;
	s9 =	sld [smem:$0x3FA8]  }
0x2f: {  	lr =	sadd.s32 s0, s3;
	s0 =	sld [smem:$0x3F9F]  }
0x30: {  	s3 =	sld [smem:$0x3FA2]  }
0x31: {  	[smem:$0x3FAB] =	sst s10  }
0x32: {  	s10 =	sld [smem:$0x3FA9];
	_ =	sdelay $0x3  }
0x33: {  	p0 =	seq.s32 s10, $0x1;
	s10 =	sld [smem:$0x3FAB];
	_ =	sdelay $0x3  }
0x34: {  	[smem:$0x3FAB] =	sst s10  }
0x35: {  	s10 =	sld [smem:$0x3FAA];
	_ =	sdelay $0x3  }
0x36: {  	p1 =	seq.s32 s10, $0x1;
	s10 =	sld [smem:$0x3FAB];
	_ =	sdelay $0x3  }
0x37: {  	[smem:$0x3FAB] =	sst s10  }
0x38: {  	s10 =	sld [smem:$0x3FAC]  }
0x39: {  	_ = 	snop;
	(pc) =	sbr.ind lr, $3  }
0x3a: {  	_ = 	snop  }
0x3b: {  	_ = 	snop  }
0x3c: {  	p2 =	seq.s32 s10, $0x1;
	s10 =	sld [smem:$0x3FAB]  }
0x3d: {  	_ =	shalt  }
0x3e: {  	_ =	shalt  }
0x3f: {  	_ =	shalt  }
0x40: {  	_ =	shalt  }
0x41: {  	_ =	shalt  }
0x42: {  	_ =	shalt  }
0x43: {  	_ =	shalt  }
0x44: {  	_ =	shalt  }
0x45: {  	_ =	shalt  }
0x46: {  	_ =	shalt  }
0x47: {  	_ =	shalt  }
0x48: {  	_ =	shalt  }
0x49: {  	_ =	shalt  }
0x4a: {  	_ =	shalt  }
0x4b: {  	_ =	shalt  }
0x4c: {  	_ =	shalt  }
0x4d: {  	_ =	shalt  }
0x4e: {  	_ =	shalt  }
0x4f: {  	_ =	shalt  }
0x50: {  	_ =	shalt  }
0x51: {  	_ =	shalt  }
0x52: {  	_ =	shalt  }
0x53: {  	_ =	shalt  }
0x54: {  	_ =	shalt  }
0x55: {  	_ =	shalt  }
0x56: {  	_ =	shalt  }
0x57: {  	_ =	shalt  }
0x58: {  	_ =	shalt  }
0x59: {  	_ =	shalt  }
0x5a: {  	_ =	shalt  }
0x5b: {  	_ =	shalt  }
0x5c: {  	_ =	shalt  }
0x5d: {  	_ =	shalt  }
0x5e: {  	_ =	shalt  }
0x5f: {  	_ =	shalt  }
0x60: {  	_ =	shalt  }
0x61: {  	_ =	shalt  }
0x62: {  	_ =	shalt  }
0x63: {  	_ =	shalt  }
0x64: {  	_ =	shalt  }
0x65: {  	_ =	shalt  }
0x66: {  	_ =	shalt  }
0x67: {  	_ =	shalt  }
0x68: {  	_ =	shalt  }
0x69: {  	_ =	shalt  }
0x6a: {  	_ =	shalt  }
0x6b: {  	_ =	shalt  }
0x6c: {  	_ =	shalt  }
0x6d: {  	_ =	shalt  }
0x6e: {  	_ =	shalt  }
0x6f: {  	_ =	shalt  }
0x70: {  	_ =	shalt  }
0x71: {  	_ =	shalt  }
0x72: {  	_ =	shalt  }
0x73: {  	_ =	shalt  }
0x74: {  	_ =	shalt  }
0x75: {  	_ =	shalt  }
0x76: {  	_ =	shalt  }
0x77: {  	_ =	shalt  }
0x78: {  	_ =	shalt  }
0x79: {  	_ =	shalt  }
0x7a: {  	_ =	shalt  }
0x7b: {  	_ =	shalt  }
0x7c: {  	_ =	shalt  }
0x7d: {  	_ =	shalt  }
0x7e: {  	_ =	shalt  }
0x7f: {  	_ =	shalt  }
0x80: {  	_ =	shalt  }
0x81: {  	_ =	shalt  }
0x82: {  	_ =	shalt  }
0x83: {  	_ =	shalt  }
0x84: {  	_ =	shalt  }
0x85: {  	_ =	shalt  }
0x86: {  	_ =	shalt  }
0x87: {  	_ =	shalt  }
.Lfunc_end0:
.L_simem_size_0:
called_computation_lowered:
.L_overlay_start_0:
0x88: {  	s2 =	sld [smem:$0x3FD9]  }
0x89: {  	s3 =	sld [smem:$0x3FFE];
	_ =	sdelay $0x1  }
0x8a: {  	s1 =	srdreg.scid  }
0x8b: {  	s0 =	sand.u32 $0x1, s1  }
0x8c: {  	s17 =	sshll.u32 s0, $0xA;
	s2 =	sadd.s32 s3, s2  }
0x8d: {  	s2 =	sadd.s32 s2, s17  }
0x8e: {  	[smem:$0x3FB7] =	sst s2  }
0x8f: {  	_ = 	snop  }
0x90: {  	s18 =	sld [smem:$0x3FBF]  }
0x91: {  	s4 =	sld [smem:$0x3FBE]  }
0x92: {  	s5 =	sld [smem:$0x3FBD]  }
0x93: {  	s6 =	sld [smem:$0x3FBC]  }
0x94: {  	s7 =	sld [smem:$0x3FBB]  }
0x95: {  	s8 =	sld [smem:$0x3FBA]  }
0x96: {  	s9 =	sld [smem:$0x3FB9];
	(tm) =	ssettm $0x1  }
0x97: {  	s19 =	sld [smem:$0x3FFB];
	_ =	sdelay $0x3  }
0x98: {  	_ =	strace s19  }
0x99: {  	s2 =	sld [smem:$0x3FFC];
	_ =	sdelay $0x3  }
0x9a: {  	_ =	strace s2  }
0x9b: {  	s2 =	sld [smem:$0x3FFD];
	_ =	sdelay $0x3  }
0x9c: {  	_ =	strace s2  }
0x9d: {  	_ =	strace $0x8FFFFFFF  }
0x9e: {  	s20 =	sld [smem:$0x3FDB];
	_ =	sdelay $0x1  }
0x9f: {  	s10 =	simm.s32 $_scs_section_size  }
0xa0: {  	s11 =	simm.s32 $_size__tile_overlayer_lowered;
	s12 =	simm.s32 $_tile_overlayer_lowered  }
0xa1: {  	s13 =	simm.s32 $0x1BFF;
	s21 =	sshll.u32 s12, $0x1;
	s10 =	sadd.s32 s10, s20  }
0xa2: {  	s22 =	simm.s32 $0x0;
	s11 =	sshll.u32 s11, $0x1;
	s12 =	sadd.s32 s21, s10  }
0xa3: {  	[timem:s22], [sflag:s13] =	dma.local [hbm:s12], s11  }
0xa4: {  	_ =	swait.ge [sflag:s13], s11  }
0xa5: {  	s11 =	ssub.s32 $0x0, s11;
	[sflag:s13] =	ssyncset.done $0x0  }
0xa6: {  	[sflag:s13] =	ssyncadd.s32 s11;
	_ =	sdelay $0x1  }
0xa7: {  	s23 =	simm.s32 $0x1B8B  }
0xa8: {  	_ =	swait.ge [sflag:s23], $0x1  }
0xa9: {  	[sflag:s23] =	ssyncset.done $0x0  }
0xaa: {  	[sflag:s23] =	ssyncadd.s32 $0xFFFFFFFF  }
0xab: {  	s11 =	sld [smem:$0x0]  }
0xac: {  	s12 =	sand.u32 $0xFFFFFFFE, s1  }
0xad: {  	p0 =	sne.s32 s1, s12  }
0xae: {  	s12 =	sshll.u32 @p0 s12, $0xE  }
0xaf: {  	s12 =	sadd.s32 @p0 $0x11B8D, s12;
	s13 =	sshll.u32 @p0 s11, $0x11  }
0xb0: {  	s12 =	sor.u32 @p0 s13, s12  }
0xb1: {  	[sflag:s12] =	ssyncadd.remote.s32 @p0 $0x1;
	_ =	sdelay $0x1  }
0xb2: {  	s12 =	simm.s32 @p0 $0x1B8D  }
0xb3: {  	_ =	swait.eq @p0 [sflag:s12], $0x1  }
0xb4: {  	[sflag:s12] =	ssyncadd.s32 @p0 $0xFFFFFFFF  }
0xb5: {  	s13 =	sshll.u32 @!p0 s1, $0xE  }
0xb6: {  	s13 =	sor.u32 @!p0 $0x4000, s13;
	s12 =	simm.s32 @!p0 $0x1B8D  }
0xb7: {  	s11 =	sshll.u32 @!p0 s11, $0x11;
	s13 =	sadd.s32 @!p0 $0x11B8D, s13;
	_ =	swait.eq @!p0 [sflag:s12], $0x1  }
0xb8: {  	s11 =	sor.u32 @!p0 s11, s13;
	[sflag:s12] =	ssyncadd.s32 @!p0 $0xFFFFFFFF  }
0xb9: {  	s25 =	simm.s32 $0x1B8E;
	s24 =	sld [smem:$0x3FFE];
	[sflag:s11] =	ssyncadd.remote.s32 @!p0 $0x1  }
0xba: {  	s26 =	simm.s32 $execute0_lowered;
	[smem:$0x3FD2] =	sst s25  }
0xbb: {  	s12 =	sshll.u32 s26, $0x1;
	_ =	strace $0x80000049;
	[dreg:$0x1] =	wrdreg $0xFFFFFFFF  }
0xbc: {  	s28 =	simm.s32 $_size_execute0_lowered;
	s10 =	sadd.s32 s10, s12;
	[dreg:$0x0] =	wrdreg $0x0  }
0xbd: {  	s12 =	sshll.u32 s28, $0x1;
	[dreg:$0x2] =	wrdreg s10  }
0xbe: {  	[dreg:$0x3] =	wrdreg s12  }
0xbf: {  	[dreg:$0x4] =	wrdreg $0xC0  }
0xc0: {  	_ =	task [dreg:s22], $0x5FFFF  }
0xc1: {  	[dreg:$0x1] =	wrdreg $0xFFFFFFFF  }
0xc2: {  	[dreg:$0x0] =	wrdreg $0x60  }
0xc3: {  	[dreg:$0x2] =	wrdreg s24  }
0xc4: {  	[dreg:$0x3] =	wrdreg s18  }
0xc5: {  	[dreg:$0x4] =	wrdreg s4  }
0xc6: {  	[dreg:$0x5] =	wrdreg s5  }
0xc7: {  	[dreg:$0x6] =	wrdreg s6  }
0xc8: {  	[dreg:$0x7] =	wrdreg s7  }
0xc9: {  	[dreg:$0x8] =	wrdreg s8  }
0xca: {  	[dreg:$0x9] =	wrdreg s9  }
0xcb: {  	[dreg:$0xa] =	wrdreg $0x9  }
0xcc: {  	_ =	task.clear_ibuf [dreg:s22], $0xBFFFF;
	_ =	strace $0x90000049  }
0xcd: {  	s29 =	simm.s32 $0x9;
	_ =	strace $0x8000004B  }
0xce: {  	_ =	swait.ge [sflag:s29], $0x1  }
0xcf: {  	[sflag:s29] =	ssyncadd.s32 $0xFFFFFFFF  }
0xd0: {  	_ =	strace $0x9000004B  }
0xd1: {  	_ =	sfence  }
0xd2: {  	s30 =	sld [smem:$0x0];
	_ =	sdelay $0x2  }
0xd3: {  	s31 =	sshll.u32 s1, $0xD;
	s1 =	sshrl.u32 s1, $0x2  }
0xd4: {  	s4 =	sand.u32 $0x4000, s31;
	s1 =	sadd.s32 s1, s30  }
0xd5: {  	s0 =	sor.u32 s4, s0;
	s1 =	sshll.u32 s1, $0x11  }
0xd6: {  	s0 =	sor.u32 s1, s0  }
0xd7: {  	s0 =	sadd.s32 $0x8F2B, s0  }
0xd8: {  	[sflag:s0] =	ssyncadd.remote.s32 $0x1  }
0xd9: {  	_ =	sfence.sel $0xFFFF  }
0xda: {  	[dreg:$0x0] =	wrdreg $0xFFFFFFFF;
	(pc) =	sbr.abs _section_cstart, $3  }
0xdb: {  	[dreg:$0x1] =	wrdreg $0xFFFFFFFF  }
0xdc: {  	_ =	task.clear_ibuf [dreg:s22], $0x2FFFF;
	_ =	strace $0x9FFFFFFF  }
0xdd: {  	(tm) =	ssettm $0x7FFFFFFF  }
tec
execute0_lowered:
.L_overlay_start_1:
0x0: {  	(tag) =	ssettag $0x1  }
0x1: {  	s0 =	rddreg [dreg:$0x0]  }
0x2: {  	s1 =	rddreg [dreg:$0x1]  }
0x3: {  	s4 =	rddreg [dreg:$0x2]  }
0x4: {  	s5 =	rddreg [dreg:$0x3]  }
0x5: {  	s6 =	rddreg [dreg:$0x4]  }
0x6: {  	s7 =	rddreg [dreg:$0x5]  }
0x7: {  	s8 =	rddreg [dreg:$0x6]  }
0x8: {  	s9 =	rddreg [dreg:$0x7]  }
0x9: {  	s2 =	srdreg.scid;
	s3 =	stileid.u32;
	s20 =	simm.s32 $0x80  }
0xa: {  	s21 =	simm.s32 $0x100;
	s22 =	simm.s32 $0x180;
	s23 =	simm.s32 $0x200  }
0xb: {  	s24 =	simm.s32 $0x280;
	s28 =	simm.s32 $0x1;
	s17 =	simm.s32 $0x400  }
0xc: {  	s14 =	simm.s32 $0x2400;
	p0 =	por $0x0, $0x0;
	s10 =	sand.u32 $0x1, s2  }
0xd: {  	s2 =	simm.s32 $0x0;
	s3 =	sshll.u32 s3, $0x7;
	s15 =	sadd.s32 $0x1D8400, s0  }
0xe: {  	s18 =	sadd.s32 $0x1E0400, s0;
	s19 =	sadd.s32 $0x1E8400, s0;
	s11 =	sshll.u32 s10, $0x6  }
0xf: {  	[smem:$0x7FF] =	sst s2;
	s10 =	ssub.s32 $0x2, s10;
	s3 =	sor.u32 s11, s3  }
0x10: {  	_ =	strace $0x8000004A;
	s26 =	sshrl.u32 s10, $0x1;
	s11 =	sshll.u32 s3, $0x4  }
0x11: {  	s12 =	sshrl.u32 s3, $0x3;
	s3 =	sadd.s32 $0x1A00, s0;
	s13 =	sadd.s32 s11, s0  }
0x12: {  	s1 =	sadd.s32 s1, s12;
	s25 =	sadd.s32 s4, s12;
	s5 =	sadd.s32 s5, s12  }
0x13: {  	s4 =	ssub.s32 s10, s26;
	s6 =	sadd.s32 s6, s12;
	s29 =	sadd.s32 s7, s12  }
0x14: {  	s30 =	sadd.s32 s8, s12;
	s10 =	sadd.s32 $0x1C8400, s0;
	s31 =	sadd.s32 s9, s12  }
0x15: {  	s26 =	simm.s32 $0x40;
	s8 =	sadd.s32 s11, s18;
	s7 =	sadd.s32 s11, s19  }
0x16: {  	s18 =	simm.s32 $0x4400;
	s19 =	simm.s32 $0x6400;
	s12 =	simm.s32 $0xA400  }
0x17: {  	s9 =	simm.s32 $0xC400;
	[dreg:$0x9] =	wrdreg s1;
	s4 =	smax.u32 s4, $0x1  }
0x18: {  	[dreg:$0xb] =	wrdreg s5;
	s5 =	sadd.s32 $0x1C0400, s13;
	p1 =	sne.s32 s4, $0x1  }
.Ltmp0:
0x19: {  	[dreg:$0xa] =	wrdreg s25;
	s13 =	sadd.s32 $0x1D0400, s0;
	(pc) =	sbr.rel @!p1 .LBB2_3-.Ltmp0, $4  }
0x1a: {  	[dreg:$0xc] =	wrdreg s6;
	s0 =	sadd.s32 $0x1F0400, s0;
	s25 =	simm.s32 $0x300  }
0x1b: {  	s16 =	sadd.s32 s11, s10;
	s10 =	sadd.s32 s11, s15;
	s15 =	simm.s32 $0x8400  }
0x1c: {  	s13 =	sadd.s32 s11, s13;
	s6 =	sadd.s32 s11, s0;
	s0 =	sadd.s32 $0xFFFFFFFF, s4  }
0x1d: {  	s11 =	simm.s32 $0x2;
	s4 =	simm.s32 $0x3;
	s1 =	rddreg [dreg:$0x9]  }
0x1e: {  	[dreg:$0xd] =	wrdreg s0  }
0x1f: {  	[tilespmem:s2], [sflag:$0x1] =	stream.linear.gather [hbm4b:s1+s2], $0x40, $0x38;
	[tilespmem:$0xE400] =	vst v63  }
0x20: {  	s0 =	rddreg [dreg:$0xa]  }
0x21: {  	[tilespmem:s20], [sflag:$0x1] =	stream.linear.gather [hbm4b:s0+s2], $0x40, $0x38;
	[tilespmem:$0xE400] =	vst v63  }
0x22: {  	s1 =	rddreg [dreg:$0xb]  }
0x23: {  	[tilespmem:s21], [sflag:$0x1] =	stream.linear.gather [hbm4b:s1+s2], $0x40, $0x38;
	[tilespmem:$0xE400] =	vst v63  }
0x24: {  	s0 =	rddreg [dreg:$0xc]  }
0x25: {  	[tilespmem:s22], [sflag:$0x1] =	stream.linear.gather [hbm4b:s0+s2], $0x40, $0x38;
	[tilespmem:$0xE400] =	vst v63  }
0x26: {  	_ = 	snop  }
0x27: {  	[tilespmem:s23], [sflag:$0x1] =	stream.linear.gather [hbm4b:s29+s2], $0x40, $0x38;
	[tilespmem:$0xE400] =	vst v63  }
0x28: {  	_ = 	snop  }
0x29: {  	[tilespmem:s24], [sflag:$0x1] =	stream.linear.gather [hbm4b:s30+s2], $0x40, $0x38;
	[tilespmem:$0xE400] =	vst v63  }
0x2a: {  	_ = 	snop  }
0x2b: {  	[tilespmem:s25], [sflag:$0x1] =	stream.linear.gather [hbm4b:s31+s2], $0x40, $0x38;
	[tilespmem:$0xE400] =	vst v63  }
0x2c: {  	_ =	swait.ge [sflag:s28], $0x40  }
0x2d: {  	[sflag:s28] =	ssyncset.done $0x0  }
0x2e: {  	[sflag:s28] =	ssyncadd.s32 $0xFFFFFFC0  }
0x2f: {  	_ =	swait.ge [sflag:s28], $0x40  }
0x30: {  	[sflag:s28] =	ssyncset.done $0x0  }
0x31: {  	[sflag:s28] =	ssyncadd.s32 $0xFFFFFFC0  }
0x32: {  	_ =	swait.ge [sflag:s28], $0x40  }
0x33: {  	[sflag:s28] =	ssyncset.done $0x0  }
0x34: {  	[sflag:s28] =	ssyncadd.s32 $0xFFFFFFC0  }
0x35: {  	_ =	swait.ge [sflag:s28], $0x40  }
0x36: {  	[sflag:s28] =	ssyncset.done $0x0  }
0x37: {  	[sflag:s28] =	ssyncadd.s32 $0xFFFFFFC0  }
0x38: {  	_ =	swait.ge [sflag:s28], $0x40  }
0x39: {  	[sflag:s28] =	ssyncset.done $0x0  }
0x3a: {  	[sflag:s28] =	ssyncadd.s32 $0xFFFFFFC0  }
0x3b: {  	_ =	swait.ge [sflag:s28], $0x40  }
0x3c: {  	[sflag:s28] =	ssyncset.done $0x0  }
0x3d: {  	[sflag:s28] =	ssyncadd.s32 $0xFFFFFFC0  }
0x3e: {  	_ =	swait.ge [sflag:s28], $0x40  }
0x3f: {  	[sflag:s28] =	ssyncset.done $0x0  }
0x40: {  	[sflag:s28] =	ssyncadd.s32 $0xFFFFFFC0  }
0x41: {  	[tilespmem:s17], [sflag:$0x2] =	stream.indirect.gather [hbm4b:s3+s26], $0x80, s2, s26, $0xb8;
	[tilespmem:$0xE400] =	vst v63  }
0x42: {  	_ = 	snop  }
0x43: {  	[tilespmem:s14], [sflag:$0x2] =	stream.indirect.gather [hbm4b:s3+s26], $0x80, s20, s26, $0xb8;
	[tilespmem:$0xE400] =	vst v63  }
0x44: {  	_ = 	snop  }
0x45: {  	[tilespmem:s18], [sflag:$0x2] =	stream.indirect.gather [hbm4b:s3+s26], $0x80, s21, s26, $0xb8;
	[tilespmem:$0xE400] =	vst v63  }
0x46: {  	_ = 	snop  }
0x47: {  	[tilespmem:s19], [sflag:$0x2] =	stream.indirect.gather [hbm4b:s3+s26], $0x80, s22, s26, $0xb8;
	[tilespmem:$0xE400] =	vst v63  }
0x48: {  	_ = 	snop  }
0x49: {  	[tilespmem:s15], [sflag:$0x2] =	stream.indirect.gather [hbm4b:s3+s26], $0x80, s23, s26, $0xb8;
	[tilespmem:$0xE400] =	vst v63  }
0x4a: {  	_ = 	snop  }
0x4b: {  	[tilespmem:s12], [sflag:$0x2] =	stream.indirect.gather [hbm4b:s3+s26], $0x80, s24, s26, $0xb8;
	[tilespmem:$0xE400] =	vst v63  }
0x4c: {  	_ = 	snop  }
0x4d: {  	[tilespmem:s9], [sflag:$0x2] =	stream.indirect.gather [hbm4b:s3+s26], $0x80, s25, s26, $0xb8;
	[tilespmem:$0xE400] =	vst v63  }
0x4e: {  	_ =	swait.ge [sflag:s11], $0x2000  }
0x4f: {  	[sflag:s11] =	ssyncset.done $0x0  }
0x50: {  	[sflag:s11] =	ssyncadd.s32 $0xFFFFE000  }
0x51: {  	[hbm4b:s5+s2] =	stream.linear.scatter [tilespmem:s17], [sflag:$0x3], $0x2000, $0x38;
	[tilespmem:$0xE400] =	vst v63  }
0x52: {  	_ =	swait.ge [sflag:s11], $0x2000  }
0x53: {  	[sflag:s11] =	ssyncset.done $0x0  }
0x54: {  	[sflag:s11] =	ssyncadd.s32 $0xFFFFE000  }
0x55: {  	[hbm4b:s16+s2] =	stream.linear.scatter [tilespmem:s14], [sflag:$0x3], $0x2000, $0x38;
	[tilespmem:$0xE400] =	vst v63  }
0x56: {  	_ =	swait.ge [sflag:s11], $0x2000  }
0x57: {  	[sflag:s11] =	ssyncset.done $0x0  }
0x58: {  	[sflag:s11] =	ssyncadd.s32 $0xFFFFE000  }
0x59: {  	[hbm4b:s13+s2] =	stream.linear.scatter [tilespmem:s18], [sflag:$0x3], $0x2000, $0x38;
	[tilespmem:$0xE400] =	vst v63  }
0x5a: {  	_ =	swait.ge [sflag:s11], $0x2000  }
0x5b: {  	[sflag:s11] =	ssyncset.done $0x0  }
0x5c: {  	[sflag:s11] =	ssyncadd.s32 $0xFFFFE000  }
0x5d: {  	[hbm4b:s10+s2] =	stream.linear.scatter [tilespmem:s19], [sflag:$0x3], $0x2000, $0x38;
	[tilespmem:$0xE400] =	vst v63  }
0x5e: {  	_ =	swait.ge [sflag:s11], $0x2000  }
0x5f: {  	[sflag:s11] =	ssyncset.done $0x0  }
0x60: {  	[sflag:s11] =	ssyncadd.s32 $0xFFFFE000  }
0x61: {  	[hbm4b:s8+s2] =	stream.linear.scatter [tilespmem:s15], [sflag:$0x3], $0x2000, $0x38;
	[tilespmem:$0xE400] =	vst v63  }
0x62: {  	_ =	swait.ge [sflag:s11], $0x2000  }
0x63: {  	[sflag:s11] =	ssyncset.done $0x0  }
0x64: {  	[sflag:s11] =	ssyncadd.s32 $0xFFFFE000  }
0x65: {  	[hbm4b:s7+s2] =	stream.linear.scatter [tilespmem:s12], [sflag:$0x3], $0x2000, $0x38;
	[tilespmem:$0xE400] =	vst v63  }
0x66: {  	_ =	swait.ge [sflag:s11], $0x2000  }
0x67: {  	[sflag:s11] =	ssyncset.done $0x0  }
0x68: {  	[sflag:s11] =	ssyncadd.s32 $0xFFFFE000  }
0x69: {  	[hbm4b:s6+s2] =	stream.linear.scatter [tilespmem:s9], [sflag:$0x3], $0x2000, $0x38;
	[tilespmem:$0xE400] =	vst v63  }
0x6a: {  	_ =	swait.ge [sflag:s4], $0x2000  }
0x6b: {  	[sflag:s4] =	ssyncset.done $0x0  }
0x6c: {  	[sflag:s4] =	ssyncadd.s32 $0xFFFFE000  }
0x6d: {  	_ =	swait.ge [sflag:s4], $0x2000  }
0x6e: {  	[sflag:s4] =	ssyncset.done $0x0  }
0x6f: {  	[sflag:s4] =	ssyncadd.s32 $0xFFFFE000  }
0x70: {  	_ =	swait.ge [sflag:s4], $0x2000  }
0x71: {  	[sflag:s4] =	ssyncset.done $0x0  }
0x72: {  	[sflag:s4] =	ssyncadd.s32 $0xFFFFE000  }
0x73: {  	_ =	swait.ge [sflag:s4], $0x2000  }
0x74: {  	[sflag:s4] =	ssyncset.done $0x0  }
0x75: {  	[sflag:s4] =	ssyncadd.s32 $0xFFFFE000  }
0x76: {  	_ =	swait.ge [sflag:s4], $0x2000  }
0x77: {  	[sflag:s4] =	ssyncset.done $0x0  }
0x78: {  	[sflag:s4] =	ssyncadd.s32 $0xFFFFE000  }
0x79: {  	_ =	swait.ge [sflag:s4], $0x2000  }
0x7a: {  	s1 =	rddreg [dreg:$0xd]  }
0x7b: {  	p1 =	sne.s32 s1, $0x1  }
.Ltmp1:
0x7c: {  	_ = 	snop;
	(pc) =	sbr.rel @!p1 .LBB2_3-.Ltmp1, $4  }
0x7d: {  	[sflag:s4] =	ssyncset.done $0x0  }
0x7e: {  	[sflag:s4] =	ssyncadd.s32 $0xFFFFE000  }
0x7f: {  	p0 =	por $0x1, $0x1;
	_ =	swait.ge [sflag:s4], $0x2000  }
0x80: {  	s0 =	sadd.s32 $0xFFFFFFFF, s1;
	s1 =	rddreg [dreg:$0x9];
	[sflag:s4] =	ssyncset.done $0x0  }
.LBB2_2:
0x81: {  	[sflag:s4] =	ssyncadd.s32 $0xFFFFE000;
	s9 =	smov.u32 s8;
	s8 =	smov.u32 s7  }
0x82: {  	[tilespmem:s2], [sflag:$0x1] =	stream.linear.gather [hbm4b:s1+s2], $0x40, $0x38;
	[tilespmem:$0xE400] =	vst v63  }
0x83: {  	s7 =	smov.u32 s6;
	s6 =	smov.u32 s5;
	s5 =	rddreg [dreg:$0xa]  }
0x84: {  	[tilespmem:s20], [sflag:$0x1] =	stream.linear.gather [hbm4b:s5+s2], $0x40, $0x38;
	[tilespmem:$0xE400] =	vst v63  }
0x85: {  	s1 =	rddreg [dreg:$0xb]  }
0x86: {  	[tilespmem:s21], [sflag:$0x1] =	stream.linear.gather [hbm4b:s1+s2], $0x40, $0x38;
	[tilespmem:$0xE400] =	vst v63  }
0x87: {  	s5 =	rddreg [dreg:$0xc]  }
0x88: {  	[tilespmem:s22], [sflag:$0x1] =	stream.linear.gather [hbm4b:s5+s2], $0x40, $0x38;
	[tilespmem:$0xE400] =	vst v63  }
0x89: {  	_ = 	snop  }
0x8a: {  	[tilespmem:s23], [sflag:$0x1] =	stream.linear.gather [hbm4b:s29+s2], $0x40, $0x38;
	[tilespmem:$0xE400] =	vst v63  }
0x8b: {  	_ = 	snop  }
0x8c: {  	[tilespmem:s24], [sflag:$0x1] =	stream.linear.gather [hbm4b:s30+s2], $0x40, $0x38;
	[tilespmem:$0xE400] =	vst v63  }
0x8d: {  	_ = 	snop  }
0x8e: {  	[tilespmem:s25], [sflag:$0x1] =	stream.linear.gather [hbm4b:s31+s2], $0x40, $0x38;
	[tilespmem:$0xE400] =	vst v63  }
0x8f: {  	_ =	swait.ge [sflag:s28], $0x40  }
0x90: {  	[sflag:s28] =	ssyncset.done $0x0  }
0x91: {  	[sflag:s28] =	ssyncadd.s32 $0xFFFFFFC0  }
0x92: {  	_ =	swait.ge [sflag:s28], $0x40  }
0x93: {  	[sflag:s28] =	ssyncset.done $0x0  }
0x94: {  	[sflag:s28] =	ssyncadd.s32 $0xFFFFFFC0  }
0x95: {  	_ =	swait.ge [sflag:s28], $0x40  }
0x96: {  	[sflag:s28] =	ssyncset.done $0x0  }
0x97: {  	[sflag:s28] =	ssyncadd.s32 $0xFFFFFFC0  }
0x98: {  	_ =	swait.ge [sflag:s28], $0x40  }
0x99: {  	[sflag:s28] =	ssyncset.done $0x0  }
0x9a: {  	[sflag:s28] =	ssyncadd.s32 $0xFFFFFFC0  }
0x9b: {  	_ =	swait.ge [sflag:s28], $0x40  }
0x9c: {  	[sflag:s28] =	ssyncset.done $0x0  }
0x9d: {  	[sflag:s28] =	ssyncadd.s32 $0xFFFFFFC0  }
0x9e: {  	_ =	swait.ge [sflag:s28], $0x40  }
0x9f: {  	[sflag:s28] =	ssyncset.done $0x0  }
0xa0: {  	[sflag:s28] =	ssyncadd.s32 $0xFFFFFFC0  }
0xa1: {  	_ =	swait.ge [sflag:s28], $0x40  }
0xa2: {  	[sflag:s28] =	ssyncset.done $0x0  }
0xa3: {  	[sflag:s28] =	ssyncadd.s32 $0xFFFFFFC0  }
0xa4: {  	[tilespmem:s17], [sflag:$0x2] =	stream.indirect.gather [hbm4b:s3+s26], $0x80, s2, s26, $0xb8;
	[tilespmem:$0xE400] =	vst v63  }
0xa5: {  	_ = 	snop  }
0xa6: {  	[tilespmem:s14], [sflag:$0x2] =	stream.indirect.gather [hbm4b:s3+s26], $0x80, s20, s26, $0xb8;
	[tilespmem:$0xE400] =	vst v63  }
0xa7: {  	_ = 	snop  }
0xa8: {  	[tilespmem:s18], [sflag:$0x2] =	stream.indirect.gather [hbm4b:s3+s26], $0x80, s21, s26, $0xb8;
	[tilespmem:$0xE400] =	vst v63  }
0xa9: {  	_ = 	snop  }
0xaa: {  	[tilespmem:s19], [sflag:$0x2] =	stream.indirect.gather [hbm4b:s3+s26], $0x80, s22, s26, $0xb8;
	[tilespmem:$0xE400] =	vst v63  }
0xab: {  	_ = 	snop  }
0xac: {  	[tilespmem:s15], [sflag:$0x2] =	stream.indirect.gather [hbm4b:s3+s26], $0x80, s23, s26, $0xb8;
	[tilespmem:$0xE400] =	vst v63  }
0xad: {  	s5 =	smov.u32 s6;
	s6 =	smov.u32 s7  }
0xae: {  	[tilespmem:s12], [sflag:$0x2] =	stream.indirect.gather [hbm4b:s3+s26], $0x80, s24, s26, $0xb8;
	[tilespmem:$0xE400] =	vst v63  }
0xaf: {  	s7 =	smov.u32 s8;
	s8 =	smov.u32 s9;
	s9 =	simm.s32 $0xC400  }
0xb0: {  	[tilespmem:s9], [sflag:$0x2] =	stream.indirect.gather [hbm4b:s3+s26], $0x80, s25, s26, $0xb8;
	[tilespmem:$0xE400] =	vst v63  }
0xb1: {  	_ =	swait.ge [sflag:s11], $0x2000  }
0xb2: {  	[sflag:s11] =	ssyncset.done $0x0  }
0xb3: {  	[sflag:s11] =	ssyncadd.s32 $0xFFFFE000  }
0xb4: {  	[hbm4b:s5+s2] =	stream.linear.scatter [tilespmem:s17], [sflag:$0x3], $0x2000, $0x38;
	[tilespmem:$0xE400] =	vst v63  }
0xb5: {  	_ =	swait.ge [sflag:s11], $0x2000  }
0xb6: {  	[sflag:s11] =	ssyncset.done $0x0  }
0xb7: {  	[sflag:s11] =	ssyncadd.s32 $0xFFFFE000  }
0xb8: {  	[hbm4b:s16+s2] =	stream.linear.scatter [tilespmem:s14], [sflag:$0x3], $0x2000, $0x38;
	[tilespmem:$0xE400] =	vst v63  }
0xb9: {  	_ =	swait.ge [sflag:s11], $0x2000  }
0xba: {  	[sflag:s11] =	ssyncset.done $0x0  }
0xbb: {  	[sflag:s11] =	ssyncadd.s32 $0xFFFFE000  }
0xbc: {  	[hbm4b:s13+s2] =	stream.linear.scatter [tilespmem:s18], [sflag:$0x3], $0x2000, $0x38;
	[tilespmem:$0xE400] =	vst v63  }
0xbd: {  	_ =	swait.ge [sflag:s11], $0x2000  }
0xbe: {  	[sflag:s11] =	ssyncset.done $0x0  }
0xbf: {  	[sflag:s11] =	ssyncadd.s32 $0xFFFFE000  }
0xc0: {  	[hbm4b:s10+s2] =	stream.linear.scatter [tilespmem:s19], [sflag:$0x3], $0x2000, $0x38;
	[tilespmem:$0xE400] =	vst v63  }
0xc1: {  	_ =	swait.ge [sflag:s11], $0x2000  }
0xc2: {  	[sflag:s11] =	ssyncset.done $0x0  }
0xc3: {  	[sflag:s11] =	ssyncadd.s32 $0xFFFFE000  }
0xc4: {  	[hbm4b:s8+s2] =	stream.linear.scatter [tilespmem:s15], [sflag:$0x3], $0x2000, $0x38;
	[tilespmem:$0xE400] =	vst v63  }
0xc5: {  	_ =	swait.ge [sflag:s11], $0x2000  }
0xc6: {  	[sflag:s11] =	ssyncset.done $0x0  }
0xc7: {  	[sflag:s11] =	ssyncadd.s32 $0xFFFFE000  }
0xc8: {  	[hbm4b:s7+s2] =	stream.linear.scatter [tilespmem:s12], [sflag:$0x3], $0x2000, $0x38;
	[tilespmem:$0xE400] =	vst v63  }
0xc9: {  	_ =	swait.ge [sflag:s11], $0x2000  }
0xca: {  	[sflag:s11] =	ssyncset.done $0x0  }
0xcb: {  	[sflag:s11] =	ssyncadd.s32 $0xFFFFE000  }
0xcc: {  	[hbm4b:s6+s2] =	stream.linear.scatter [tilespmem:s9], [sflag:$0x3], $0x2000, $0x38;
	[tilespmem:$0xE400] =	vst v63  }
0xcd: {  	_ =	swait.ge [sflag:s4], $0x2000  }
0xce: {  	[sflag:s4] =	ssyncset.done $0x0  }
0xcf: {  	[sflag:s4] =	ssyncadd.s32 $0xFFFFE000  }
0xd0: {  	_ =	swait.ge [sflag:s4], $0x2000  }
0xd1: {  	[sflag:s4] =	ssyncset.done $0x0  }
0xd2: {  	[sflag:s4] =	ssyncadd.s32 $0xFFFFE000  }
0xd3: {  	_ =	swait.ge [sflag:s4], $0x2000  }
0xd4: {  	[sflag:s4] =	ssyncset.done $0x0  }
0xd5: {  	[sflag:s4] =	ssyncadd.s32 $0xFFFFE000  }
0xd6: {  	_ =	swait.ge [sflag:s4], $0x2000  }
0xd7: {  	[sflag:s4] =	ssyncset.done $0x0  }
0xd8: {  	[sflag:s4] =	ssyncadd.s32 $0xFFFFE000  }
0xd9: {  	_ =	swait.ge [sflag:s4], $0x2000  }
0xda: {  	[sflag:s4] =	ssyncset.done $0x0  }
0xdb: {  	p1 =	sne.s32 s0, $0x1;
	[sflag:s4] =	ssyncadd.s32 $0xFFFFE000  }
.Ltmp2:
0xdc: {  	_ =	swait.ge [sflag:s4], $0x2000;
	(pc) =	sbr.rel @p1 .LBB2_2-.Ltmp2, $4  }
0xdd: {  	[sflag:s4] =	ssyncset.done $0x0  }
0xde: {  	[sflag:s4] =	ssyncadd.s32 $0xFFFFE000  }
0xdf: {  	_ =	swait.ge [sflag:s4], $0x2000  }
0xe0: {  	s0 =	sadd.s32 $0xFFFFFFFF, s0;
	s1 =	rddreg [dreg:$0x9];
	[sflag:s4] =	ssyncset.done $0x0  }
.LBB2_3:
0xe1: {  	[sflag:s4] =	ssyncadd.s32 @p0 $0xFFFFE000  }
0xe2: {  	[tilespmem:s2], [sflag:$0x1] =	stream.linear.gather [hbm4b:s1+s2], $0x40, $0x38;
	[tilespmem:$0xE400] =	vst v63  }
0xe3: {  	s0 =	rddreg [dreg:$0xa]  }
0xe4: {  	[tilespmem:s20], [sflag:$0x1] =	stream.linear.gather [hbm4b:s0+s2], $0x40, $0x38;
	[tilespmem:$0xE400] =	vst v63  }
0xe5: {  	s1 =	rddreg [dreg:$0xb]  }
0xe6: {  	[tilespmem:s21], [sflag:$0x1] =	stream.linear.gather [hbm4b:s1+s2], $0x40, $0x38;
	[tilespmem:$0xE400] =	vst v63  }
0xe7: {  	s0 =	rddreg [dreg:$0xc]  }
0xe8: {  	[tilespmem:s22], [sflag:$0x1] =	stream.linear.gather [hbm4b:s0+s2], $0x40, $0x38;
	[tilespmem:$0xE400] =	vst v63  }
0xe9: {  	_ = 	snop  }
0xea: {  	[tilespmem:s23], [sflag:$0x1] =	stream.linear.gather [hbm4b:s29+s2], $0x40, $0x38;
	[tilespmem:$0xE400] =	vst v63  }
0xeb: {  	_ = 	snop  }
0xec: {  	[tilespmem:s24], [sflag:$0x1] =	stream.linear.gather [hbm4b:s30+s2], $0x40, $0x38;
	[tilespmem:$0xE400] =	vst v63  }
0xed: {  	_ = 	snop  }
0xee: {  	[tilespmem:s25], [sflag:$0x1] =	stream.linear.gather [hbm4b:s31+s2], $0x40, $0x38;
	[tilespmem:$0xE400] =	vst v63  }
0xef: {  	_ =	swait.ge [sflag:s28], $0x40  }
0xf0: {  	[sflag:s28] =	ssyncset.done $0x0  }
0xf1: {  	[sflag:s28] =	ssyncadd.s32 $0xFFFFFFC0  }
0xf2: {  	_ =	swait.ge [sflag:s28], $0x40  }
0xf3: {  	[sflag:s28] =	ssyncset.done $0x0  }
0xf4: {  	[sflag:s28] =	ssyncadd.s32 $0xFFFFFFC0  }
0xf5: {  	_ =	swait.ge [sflag:s28], $0x40  }
0xf6: {  	[sflag:s28] =	ssyncset.done $0x0  }
0xf7: {  	[sflag:s28] =	ssyncadd.s32 $0xFFFFFFC0  }
0xf8: {  	_ =	swait.ge [sflag:s28], $0x40  }
0xf9: {  	[sflag:s28] =	ssyncset.done $0x0  }
0xfa: {  	[sflag:s28] =	ssyncadd.s32 $0xFFFFFFC0  }
0xfb: {  	_ =	swait.ge [sflag:s28], $0x40  }
0xfc: {  	[sflag:s28] =	ssyncset.done $0x0  }
0xfd: {  	[sflag:s28] =	ssyncadd.s32 $0xFFFFFFC0  }
0xfe: {  	_ =	swait.ge [sflag:s28], $0x40  }
0xff: {  	[sflag:s28] =	ssyncset.done $0x0  }
0x100: {  	[sflag:s28] =	ssyncadd.s32 $0xFFFFFFC0  }
0x101: {  	_ =	swait.ge [sflag:s28], $0x40  }
0x102: {  	[sflag:s28] =	ssyncset.done $0x0  }
0x103: {  	[sflag:s28] =	ssyncadd.s32 $0xFFFFFFC0  }
0x104: {  	[tilespmem:s17], [sflag:$0x2] =	stream.indirect.gather [hbm4b:s3+s26], $0x80, s2, s26, $0xb8;
	[tilespmem:$0xE400] =	vst v63  }
0x105: {  	_ = 	snop  }
0x106: {  	[tilespmem:s14], [sflag:$0x2] =	stream.indirect.gather [hbm4b:s3+s26], $0x80, s20, s26, $0xb8;
	[tilespmem:$0xE400] =	vst v63  }
0x107: {  	_ = 	snop  }
0x108: {  	[tilespmem:s18], [sflag:$0x2] =	stream.indirect.gather [hbm4b:s3+s26], $0x80, s21, s26, $0xb8;
	[tilespmem:$0xE400] =	vst v63  }
0x109: {  	_ = 	snop  }
0x10a: {  	[tilespmem:s19], [sflag:$0x2] =	stream.indirect.gather [hbm4b:s3+s26], $0x80, s22, s26, $0xb8;
	[tilespmem:$0xE400] =	vst v63  }
0x10b: {  	_ = 	snop  }
0x10c: {  	[tilespmem:s15], [sflag:$0x2] =	stream.indirect.gather [hbm4b:s3+s26], $0x80, s23, s26, $0xb8;
	[tilespmem:$0xE400] =	vst v63  }
0x10d: {  	_ = 	snop  }
0x10e: {  	[tilespmem:s12], [sflag:$0x2] =	stream.indirect.gather [hbm4b:s3+s26], $0x80, s24, s26, $0xb8;
	[tilespmem:$0xE400] =	vst v63  }
0x10f: {  	_ = 	snop  }
0x110: {  	[tilespmem:s9], [sflag:$0x2] =	stream.indirect.gather [hbm4b:s3+s26], $0x80, s25, s26, $0xb8;
	[tilespmem:$0xE400] =	vst v63  }
0x111: {  	_ =	swait.ge [sflag:s11], $0x2000  }
0x112: {  	[sflag:s11] =	ssyncset.done $0x0  }
0x113: {  	[sflag:s11] =	ssyncadd.s32 $0xFFFFE000  }
0x114: {  	[hbm4b:s5+s2] =	stream.linear.scatter [tilespmem:s17], [sflag:$0x3], $0x2000, $0x38;
	[tilespmem:$0xE400] =	vst v63  }
0x115: {  	_ =	swait.ge [sflag:s11], $0x2000  }
0x116: {  	[sflag:s11] =	ssyncset.done $0x0  }
0x117: {  	[sflag:s11] =	ssyncadd.s32 $0xFFFFE000  }
0x118: {  	[hbm4b:s16+s2] =	stream.linear.scatter [tilespmem:s14], [sflag:$0x3], $0x2000, $0x38;
	[tilespmem:$0xE400] =	vst v63  }
0x119: {  	_ =	swait.ge [sflag:s11], $0x2000  }
0x11a: {  	[sflag:s11] =	ssyncset.done $0x0  }
0x11b: {  	[sflag:s11] =	ssyncadd.s32 $0xFFFFE000  }
0x11c: {  	[hbm4b:s13+s2] =	stream.linear.scatter [tilespmem:s18], [sflag:$0x3], $0x2000, $0x38;
	[tilespmem:$0xE400] =	vst v63  }
0x11d: {  	_ =	swait.ge [sflag:s11], $0x2000  }
0x11e: {  	[sflag:s11] =	ssyncset.done $0x0  }
0x11f: {  	[sflag:s11] =	ssyncadd.s32 $0xFFFFE000  }
0x120: {  	[hbm4b:s10+s2] =	stream.linear.scatter [tilespmem:s19], [sflag:$0x3], $0x2000, $0x38;
	[tilespmem:$0xE400] =	vst v63  }
0x121: {  	_ =	swait.ge [sflag:s11], $0x2000  }
0x122: {  	[sflag:s11] =	ssyncset.done $0x0  }
0x123: {  	[sflag:s11] =	ssyncadd.s32 $0xFFFFE000  }
0x124: {  	[hbm4b:s8+s2] =	stream.linear.scatter [tilespmem:s15], [sflag:$0x3], $0x2000, $0x38;
	[tilespmem:$0xE400] =	vst v63  }
0x125: {  	_ =	swait.ge [sflag:s11], $0x2000  }
0x126: {  	[sflag:s11] =	ssyncset.done $0x0  }
0x127: {  	[sflag:s11] =	ssyncadd.s32 $0xFFFFE000  }
0x128: {  	[hbm4b:s7+s2] =	stream.linear.scatter [tilespmem:s12], [sflag:$0x3], $0x2000, $0x38;
	[tilespmem:$0xE400] =	vst v63  }
0x129: {  	_ =	swait.ge [sflag:s11], $0x2000  }
0x12a: {  	[sflag:s11] =	ssyncset.done $0x0  }
0x12b: {  	[sflag:s11] =	ssyncadd.s32 $0xFFFFE000  }
0x12c: {  	[hbm4b:s6+s2] =	stream.linear.scatter [tilespmem:s9], [sflag:$0x3], $0x2000, $0x38;
	[tilespmem:$0xE400] =	vst v63  }
0x12d: {  	_ =	swait.ge [sflag:s4], $0x2000  }
0x12e: {  	[sflag:s4] =	ssyncset.done $0x0  }
0x12f: {  	[sflag:s4] =	ssyncadd.s32 $0xFFFFE000  }
0x130: {  	_ =	swait.ge [sflag:s4], $0x2000  }
0x131: {  	[sflag:s4] =	ssyncset.done $0x0  }
0x132: {  	[sflag:s4] =	ssyncadd.s32 $0xFFFFE000  }
0x133: {  	_ =	swait.ge [sflag:s4], $0x2000  }
0x134: {  	[sflag:s4] =	ssyncset.done $0x0  }
0x135: {  	[sflag:s4] =	ssyncadd.s32 $0xFFFFE000  }
0x136: {  	_ =	swait.ge [sflag:s4], $0x2000  }
0x137: {  	[sflag:s4] =	ssyncset.done $0x0  }
0x138: {  	[sflag:s4] =	ssyncadd.s32 $0xFFFFE000  }
0x139: {  	_ =	swait.ge [sflag:s4], $0x2000  }
0x13a: {  	[sflag:s4] =	ssyncset.done $0x0  }
0x13b: {  	[sflag:s4] =	ssyncadd.s32 $0xFFFFE000  }
0x13c: {  	_ =	swait.ge [sflag:s4], $0x2000  }
0x13d: {  	[sflag:s4] =	ssyncset.done $0x0  }
0x13e: {  	[sflag:s4] =	ssyncadd.s32 $0xFFFFE000  }
0x13f: {  	_ =	swait.ge [sflag:s4], $0x2000  }
0x140: {  	[sflag:s4] =	ssyncset.done $0x0  }
0x141: {  	[sflag:s4] =	ssyncadd.s32 $0xFFFFE000  }
0x142: {  	_ =	sfence.sel $0x180000  }
0x143: {  	[bflag:$0x0] =	sbarrier.arrive $0xFFFF  }
0x144: {  	_ =	strace $0x9000004A  }
0x145: {  	s31 =	stileid.u32;
	[bflag:$0x2] =	sbarrier.arrive $0xFFFF  }
0x146: {  	p0 =	sne.s32 s31, $0x0;
	s0 =	rddreg [dreg:$0x8]  }
0x147: {  	s0 =	sadd.s32 @!p0 $0x100000, s0  }
0x148: {  	[sflag:s0] =	ssyncadd.tile.s32 @!p0 $0x1;
	_ =	shalt  }
.Lfunc_end2:
_tile_overlayer_lowered:
.L_overlay_start_2:
0x149: {  	(tag) =	ssettag $0x2  }
0x14a: {  	s0 =	rddreg [dreg:$0x0];
	s2 =	stileid.u32  }
0x14b: {  	s1 =	rddreg [dreg:$0x1];
	p0 =	sne.s32 s2, $0x0  }
0x14c: {  	s3 =	rddreg [dreg:$0x2];
	[bflag:$0x3] =	sbarrier.arrive $0xFFFF;
	s2 =	simm.s32 @!p0 $0x1C04  }
0x14d: {  	[timem:s3], [sflag:s2] =	dma.local @!p0 [hbm:s0], s1  }
0x14e: {  	s0 =	simm.s32 @!p0 $0x4  }
0x14f: {  	_ =	swait.ge @!p0 [sflag:s0], s1  }
0x150: {  	s1 =	ssub.s32 @!p0 $0x0, s1;
	[sflag:s0] =	ssyncset.done @!p0 $0x0  }
0x151: {  	[sflag:s0] =	ssyncadd.s32 @!p0 s1  }
0x152: {  	[bflag:$0x3] =	sbarrier.arrive $0xFFFF  }
0x153: {  	_ =	shalt  }

</sc_bundles>
